<compile_context>
chip_gen: v7x
topology: tpu7x:2x2x1
jax: 0.10.2.dev20260603
libtpu: 0.0.44.dev20260713+nightly
codegen_flags: <defaults>
</compile_context>

<pallas_src>
import functools

import jax
import jax.numpy as jnp
import numpy as np
from jax import lax
from jax.experimental import pallas as pl
from jax.experimental.pallas import tpu as pltpu
from jax.experimental.pallas import tpu_sc as plsc

B = 128
P = 4096
A = 64
D = 16
FMC = 40
FUC = P - FMC

_PERM_CACHE = None


def _threefry2x32_np(k0, k1, x0, x1):
    rot = ((13, 15, 26, 6), (17, 29, 16, 24))

    def rotl(x, d):
        return ((x << np.uint32(d)) | (x >> np.uint32(32 - d))).astype(np.uint32)

    ks = (np.uint32(k0), np.uint32(k1),
          np.uint32(k0 ^ k1 ^ np.uint32(0x1BD11BDA)))
    x0 = (x0 + ks[0]).astype(np.uint32)
    x1 = (x1 + ks[1]).astype(np.uint32)
    for i in range(5):
        for d in rot[i % 2]:
            x0 = (x0 + x1).astype(np.uint32)
            x1 = rotl(x1, d)
            x1 = (x1 ^ x0).astype(np.uint32)
        x0 = (x0 + ks[(i + 1) % 3]).astype(np.uint32)
        x1 = (x1 + ks[(i + 2) % 3] + np.uint32(i + 1)).astype(np.uint32)
    return x0, x1


def _perm_const():
    global _PERM_CACHE
    if _PERM_CACHE is None:
        b1, b2 = _threefry2x32_np(0, 42, np.zeros(2, np.uint32),
                                  np.arange(2, dtype=np.uint32))
        i64 = np.arange(B * P, dtype=np.uint64)
        hi = (i64 >> np.uint64(32)).astype(np.uint32)
        lo = (i64 & np.uint64(0xFFFFFFFF)).astype(np.uint32)
        y0, y1 = _threefry2x32_np(b1[0], b2[0], hi, lo)
        bits = (y0 ^ y1).astype(np.uint32)
        f = ((bits >> np.uint32(9)) | np.uint32(0x3F800000)).view(np.float32) \
            - np.float32(1.0)
        rs = np.maximum(
            np.float32(1000.0),
            (f.astype(np.float64) * 1000.0 + 1000.0).astype(np.float32)
        ).reshape(B, P)
        _PERM_CACHE = np.argsort(-rs, axis=-1, kind="stable").astype(np.int32)
    return _PERM_CACHE


BI = 8
PR = 128
NJ = P // (8 * PR)
NC, NS = 2, 16
NW = NC * NS
IPW = B // NW

_O8 = np.kron(np.eye(8, dtype=np.float32), np.ones((A, D), np.float32))


def _tc_body(x8_ref, w8_ref, o8_ref, b8_ref, pos8_ref, w_ref, mt_ref,
             emb_ref, valid_ref, vc_ref, vimg_ref, mproj_ref):
    j = pl.program_id(1)
    x8 = x8_ref[...].reshape(BI * PR, 8 * A)
    e8 = jnp.dot(x8, w8_ref[...], preferred_element_type=jnp.float32)
    e8 = e8 + b8_ref[...]
    emb_ref[...] = e8.reshape(BI, PR, 128) + pos8_ref[...][None]

    am8 = jnp.dot(jnp.abs(x8), o8_ref[...],
                  preferred_element_type=jnp.float32)
    vf = (am8 * np.float32(1.0 / A) > 0).astype(jnp.float32)
    valid_ref[...] = vf.astype(jnp.int32).reshape(BI, PR, 128)
    part = jnp.sum(vf.reshape(BI, PR * 128), axis=1,
                   keepdims=True) * np.float32(1.0 / D)
    part = jnp.broadcast_to(part, (BI, 16))

    @pl.when(j == 0)
    def _():
        vc_ref[...] = part

    @pl.when(j > 0)
    def _():
        vc_ref[...] += part

    @pl.when(j == NJ - 1)
    def _():
        vc = vc_ref[...]
        mma = jnp.ceil(vc * 0.4).astype(jnp.int32)
        vimg_ref[...] = jnp.logical_and(vc >= 20.0,
                                        mma >= FMC).astype(jnp.int32)

    mproj_ref[...] = (jnp.dot(mt_ref[...], w_ref[...],
                              preferred_element_type=jnp.float32)
                      + b8_ref[...][:, :D])


def _make_tc(bh):
    return pl.pallas_call(
        _tc_body,
        grid=(bh // BI, NJ),
        in_specs=[
            pl.BlockSpec((BI, PR, 8 * A), lambda i, j: (i, j, 0)),
            pl.BlockSpec((8 * A, 128), lambda i, j: (0, 0)),
            pl.BlockSpec((8 * A, 128), lambda i, j: (0, 0)),
            pl.BlockSpec((1, 128), lambda i, j: (0, 0)),
            pl.BlockSpec((PR, 128), lambda i, j: (j, 0)),
            pl.BlockSpec((A, D), lambda i, j: (0, 0)),
            pl.BlockSpec((1, A), lambda i, j: (0, 0)),
        ],
        out_specs=[
            pl.BlockSpec((BI, PR, 128), lambda i, j: (i, j, 0)),
            pl.BlockSpec((BI, PR, 128), lambda i, j: (i, j, 0)),
            pl.BlockSpec((BI, 16), lambda i, j: (i, 0)),
            pl.BlockSpec((BI, 16), lambda i, j: (i, 0)),
            pl.BlockSpec((1, D), lambda i, j: (0, 0)),
        ],
        out_shape=[
            jax.ShapeDtypeStruct((bh, P // 8, 128), jnp.float32),
            jax.ShapeDtypeStruct((bh, P // 8, 128), jnp.int32),
            jax.ShapeDtypeStruct((bh, 16), jnp.float32),
            jax.ShapeDtypeStruct((bh, 16), jnp.int32),
            jax.ShapeDtypeStruct((1, D), jnp.float32),
        ],
    )

RCH = 2048


def _sc_body(ipw, emb_hbm, pos_hbm, valid_hbm, vimg_hbm, perm_hbm, mproj_hbm,
             ue_hbm, me_hbm, up_hbm, mi_hbm, ui_hbm,
             perm_v, valid_v, ind_v, uidx_v, gidx_v, midx_v, flag_v,
             mproj_v, mrowg_v, mrowo_v, rows_v, sem):
    wid = lax.axis_index("s") * NC + lax.axis_index("c")
    pltpu.sync_copy(mproj_hbm, mproj_v)
    mproj = mproj_v[...]
    lanes = lax.iota(jnp.int32, 16)
    zeros16 = jnp.zeros((16,), jnp.int32)

    def _zero(c, carry):
        ind_v[pl.ds(c * 16, 16)] = zeros16
        uidx_v[pl.ds(c * 16, 16)] = zeros16
        gidx_v[pl.ds(c * 16, 16)] = zeros16
        return carry

    lax.fori_loop(0, P // 16, _zero, 0)

    def _image(i, carry):
        b = wid * ipw + i
        pltpu.sync_copy(valid_hbm.at[b], valid_v)
        pltpu.sync_copy(perm_hbm.at[b], perm_v)
        pltpu.sync_copy(vimg_hbm.at[b], flag_v)
        vflag = jnp.max(flag_v[...])

        for j in range(3):
            midx_v[pl.ds(j * 16, 16)] = zeros16

        @pl.when(vflag > 0)
        def _collect():
            def cond(carry):
                c, cnt = carry
                return jnp.logical_and(cnt < FMC, c < P // 16)

            def body(carry):
                c, cnt = carry
                idx16 = perm_v[pl.ds(c * 16, 16)]
                pv = plsc.load_gather(valid_v,
                                      [idx16 // 8, (idx16 % 8) * D])
                pref = plsc.cumsum(pv)
                pos = cnt + pref - 1
                sel = jnp.logical_and(pv > 0, pos < FMC)
                plsc.store_scatter(midx_v, [pos], idx16, mask=sel)
                return c + 1, cnt + jnp.sum(pv)

            lax.while_loop(cond, body, (0, 0))
            ones = jnp.ones((16,), jnp.int32)
            for j in range(3):
                m16 = midx_v[pl.ds(j * 16, 16)]
                plsc.store_scatter(ind_v, [m16], ones,
                                   mask=(lanes + j * 16) < FMC)

        base = b * P

        def _compact(c, off):
            iv = ind_v[pl.ds(c * 16, 16)]
            keep = iv == 0
            ki = jnp.where(keep, 1, 0).astype(jnp.int32)
            pos = off + plsc.cumsum(ki) - 1
            glob = lanes + c * 16
            plsc.store_scatter(uidx_v, [pos], glob, mask=keep)
            plsc.store_scatter(gidx_v, [pos], glob + base, mask=keep)
            ind_v[pl.ds(c * 16, 16)] = zeros16
            return off + jnp.sum(ki)

        lax.fori_loop(0, P // 16, _compact, 0)

        pltpu.sync_copy(midx_v.at[pl.ds(0, FMC)], mi_hbm.at[pl.ds(b * FMC, FMC)])
        pltpu.sync_copy(uidx_v.at[pl.ds(0, FUC)], ui_hbm.at[pl.ds(b * FUC, FUC)])

        def _gather(src_hbm, idx_v, out_hbm):
            for r0, rn in ((0, RCH), (RCH, FUC - RCH)):
                def _grp(g, carry):
                    cps = []
                    for j in range(8):
                        off = r0 + g * 1024 + j * 128
                        cps.append(pltpu.async_copy(
                            src_hbm.at[idx_v.at[pl.ds(off, 128)]],
                            rows_v.at[pl.ds(g * 1024 + j * 128, 128)], sem))
                    for cp in cps:
                        cp.wait()
                    return carry

                lax.fori_loop(0, RCH // 1024, _grp, 0)
                pltpu.sync_copy(
                    rows_v.at[pl.ds(0, rn)],
                    out_hbm.at[pl.ds(b * FUC + r0, rn)])

        _gather(emb_hbm, gidx_v, ue_hbm)
        _gather(pos_hbm, uidx_v, up_hbm)

        pltpu.async_copy(pos_hbm.at[midx_v], mrowg_v, sem).wait()
        m16 = lax.broadcast_in_dim(vflag, (16,), ()) > 0
        zf = jnp.zeros((16,), jnp.float32)
        for j in range(FMC):
            mrowo_v[j, :] = jnp.where(m16, mrowg_v[j, :] + mproj, zf)
        pltpu.sync_copy(mrowo_v.at[pl.ds(0, FMC)],
                        me_hbm.at[pl.ds(b * FMC, FMC)])
        return carry

    lax.fori_loop(0, ipw, _image, 0)


def _make_sc(bh):
    return functools.partial(
        pl.kernel,
        mesh=plsc.VectorSubcoreMesh(core_axis_name="c", subcore_axis_name="s"),
        out_type=[
            jax.ShapeDtypeStruct((bh * FUC, D), jnp.float32),
            jax.ShapeDtypeStruct((bh * FMC, D), jnp.float32),
            jax.ShapeDtypeStruct((bh * FUC, D), jnp.float32),
            jax.ShapeDtypeStruct((bh * FMC,), jnp.int32),
            jax.ShapeDtypeStruct((bh * FUC,), jnp.int32),
        ],
        scratch_types=[
            pltpu.VMEM((P,), jnp.int32),
            pltpu.VMEM((P // 8, 128), jnp.int32),
            pltpu.VMEM((P,), jnp.int32),
            pltpu.VMEM((P,), jnp.int32),
            pltpu.VMEM((P,), jnp.int32),
            pltpu.VMEM((48,), jnp.int32),
            pltpu.VMEM((16,), jnp.int32),
            pltpu.VMEM((16,), jnp.float32),
            pltpu.VMEM((48, D), jnp.float32),
            pltpu.VMEM((48, D), jnp.float32),
            pltpu.VMEM((RCH, D), jnp.float32),
            pltpu.SemaphoreType.DMA,
        ],
        compiler_params=pltpu.CompilerParams(needs_layout_passes=False,
                                             use_tc_tiling_on_sc=False),
    )(functools.partial(_sc_body, bh // NW))


_tc_full = _make_tc(B)
_sc_full = _make_sc(B)


def kernel(patches, W, b, pos_table, mask_token):
    w8 = jnp.kron(jnp.eye(8, dtype=jnp.float32), W)
    b8 = jnp.tile(b, 8).reshape(1, 128)
    emb8, valid8, _vc, vimg16, mproj = _tc_full(
        patches.reshape(B, P // 8, 8 * A), w8, jnp.asarray(_O8), b8,
        pos_table.reshape(P // 8, 128), W, mask_token)
    ue, me, up, mi, ui = _sc_full(
        emb8.reshape(B * P, D), pos_table, valid8,
        vimg16, jnp.asarray(_perm_const()), mproj.reshape(D))
    return (ue.reshape(B, FUC, D), me.reshape(B, FMC, D),
            up.reshape(B, FUC, D), mi.reshape(B, FMC),
            ui.reshape(B, FUC))

# --- scband reference (transcript-rebuilt; emitter-appended) ---
"""Pipeline reference for scband-patch-encoder-43310450213036 (READ-ONLY COPY).

The authoritative reference and input builder live on the scoring server;
editing this copy changes nothing except your own understanding.
"""

import jax, jax.numpy as jnp
import numpy as np

B = 128
P = 4096
A = 64
D = 16
FMC = 40
FUC = P - FMC


def setup_inputs(seed: int = 0) -> dict:
    key = jax.random.key(seed)
    k1, k2, k3, k4 = jax.random.split(key, 4)
    patches = jax.random.normal(k1, (B, P, A), dtype=jnp.float32)
    W = jax.random.normal(k2, (A, D), dtype=jnp.float32) * 0.05
    b = jnp.zeros((D,), dtype=jnp.float32)
    pos_table = jax.random.normal(k3, (P, D), dtype=jnp.float32) * 0.02
    mask_token = jax.random.normal(k4, (1, A), dtype=jnp.float32)
    return {"patches": patches, "W": W, "b": b, "pos_table": pos_table, "mask_token": mask_token}


def reference(patches, W, b, pos_table, mask_token):
    batch = patches.shape[0]
    positions = jnp.arange(P)
    pos_embeddings = pos_table[positions][None, ...]
    pos_embeddings = jnp.tile(pos_embeddings, (batch, 1, 1))
    patch_embeddings = jnp.einsum('bpa,ad->bpd', patches, W) + b + pos_embeddings

    # get_smart_indices
    patch_means = jnp.mean(jnp.abs(patches), axis=2)
    valid_mask = (patch_means > 0).astype(jnp.float32)
    valid_counts = jnp.sum(valid_mask, axis=1)
    max_masks_allowed = jnp.ceil(valid_counts * 0.4).astype(jnp.int32)
    has_enough_valid = valid_counts >= 20
    masking_allowed = max_masks_allowed >= FMC
    valid_image = jnp.logical_and(has_enough_valid, masking_allowed)

    kr = jax.random.key(42)
    ka, kb = jax.random.split(kr)
    rs_valid = jax.random.uniform(ka, patch_means.shape, minval=1000.0, maxval=2000.0, dtype=jnp.float32)
    rs_invalid = jax.random.uniform(kb, patch_means.shape, minval=0.0, maxval=10.0, dtype=jnp.float32)
    randomized_scores = valid_mask * rs_valid + (1.0 - valid_mask) * rs_invalid

    # tf.nn.top_k with k=num_patches == full descending argsort
    indices = jnp.argsort(-randomized_scores, axis=-1).astype(jnp.int32)

    mask_indices = jnp.where(valid_image[:, None], indices[:, :FMC], jnp.zeros((batch, FMC), jnp.int32))
    mask_counts = jnp.where(valid_image, jnp.full((batch,), FMC, jnp.int32), jnp.zeros((batch,), jnp.int32))

    # complement of mask_indices in ascending order (one_hot indicator + boolean_mask equivalent)
    one_hot = jax.nn.one_hot(mask_indices, P, dtype=jnp.int32)
    mask_indicator = jnp.sum(one_hot, axis=1)
    sort_key = mask_indicator * (P + 1) + jnp.arange(P, dtype=jnp.int32)[None, :]
    order = jnp.argsort(sort_key, axis=-1).astype(jnp.int32)
    valid_unmask = order[:, :FUC]
    placeholder = jnp.tile(jnp.arange(FUC, dtype=jnp.int32)[None, :], (batch, 1))
    unmask_indices = jnp.where(valid_image[:, None], valid_unmask, placeholder)

    um_idx = jnp.broadcast_to(unmask_indices[:, :, None], (batch, FUC, D))
    m_idx = jnp.broadcast_to(mask_indices[:, :, None], (batch, FMC, D))
    unmasked_embeddings = jnp.take_along_axis(patch_embeddings, um_idx, axis=1)
    unmasked_positions = jnp.take_along_axis(pos_embeddings, um_idx, axis=1)
    masked_positions = jnp.take_along_axis(pos_embeddings, m_idx, axis=1)

    mask_token_rep = jnp.repeat(mask_token, FMC, axis=0)
    mask_token_proj = jnp.einsum('ma,ad->md', mask_token_rep, W) + b
    mask_tokens = jnp.broadcast_to(mask_token_proj[None, :, :], (batch, FMC, D))
    masked_embeddings = mask_tokens + masked_positions

    sequence = jnp.tile(jnp.arange(FMC, dtype=jnp.int32)[None, :], (batch, 1))
    validity = (sequence < mask_counts[:, None]).astype(jnp.float32)[:, :, None]
    masked_embeddings = masked_embeddings * validity

    return (unmasked_embeddings, masked_embeddings, unmasked_positions, mask_indices, unmask_indices)

if __name__ == "__main__":
    import jax
    _d = setup_inputs()
    print(jax.jit(kernel)(*tuple(_d.values())))

</pallas_src>

<mosaic_0001>
#map = affine_map<(d0, d1) -> (0, 0)>
#map1 = affine_map<(d0, d1) -> (0, 0, 0)>
#map2 = affine_map<(d0, d1) -> (0)>
module attributes {stable_mosaic.version = 14 : i64} {
  func.func @_sc_body(%arg0: i32, %arg1: i32, %arg2: memref<524288x16xf32, #tpu.memory_space<hbm>>, %arg3: memref<4096x16xf32, #tpu.memory_space<hbm>>, %arg4: memref<128x512x128xi32, #tpu.memory_space<hbm>>, %arg5: memref<128x16xi32, #tpu.memory_space<hbm>>, %arg6: memref<128x4096xi32, #tpu.memory_space<hbm>>, %arg7: memref<16xf32, #tpu.memory_space<hbm>>, %arg8: memref<519168x16xf32, #tpu.memory_space<hbm>>, %arg9: memref<5120x16xf32, #tpu.memory_space<hbm>>, %arg10: memref<519168x16xf32, #tpu.memory_space<hbm>>, %arg11: memref<5120xi32, #tpu.memory_space<hbm>>, %arg12: memref<519168xi32, #tpu.memory_space<hbm>>, %arg13: memref<4096xi32, #tpu.memory_space<vmem>>, %arg14: memref<512x128xi32, #tpu.memory_space<vmem>>, %arg15: memref<4096xi32, #tpu.memory_space<vmem>>, %arg16: memref<4096xi32, #tpu.memory_space<vmem>>, %arg17: memref<4096xi32, #tpu.memory_space<vmem>>, %arg18: memref<48xi32, #tpu.memory_space<vmem>>, %arg19: memref<16xi32, #tpu.memory_space<vmem>>, %arg20: memref<16xf32, #tpu.memory_space<vmem>>, %arg21: memref<48x16xf32, #tpu.memory_space<vmem>>, %arg22: memref<48x16xf32, #tpu.memory_space<vmem>>, %arg23: memref<2048x16xf32, #tpu.memory_space<vmem>>, %arg24: memref<!tpu.dma_semaphore, #tpu.memory_space<semaphore_mem>>) attributes {dimension_semantics = [#tpu.dimension_semantics<core_parallel>, #tpu.dimension_semantics<subcore_parallel>], iteration_bounds = array<i64: 2, 16>, scalar_prefetch = 0 : i64, scratch_operands = 12 : i64, tpu.core_type = #tpu.core_type<sc_vector_subcore>, window_params = [{transform_indices = #map}, {transform_indices = #map}, {transform_indices = #map1}, {transform_indices = #map}, {transform_indices = #map}, {transform_indices = #map2}, {transform_indices = #map}, {transform_indices = #map}, {transform_indices = #map}, {transform_indices = #map2}, {transform_indices = #map2}]} {
    %mul3A = arith.constant 2 : i32
    %mul3A_0 = arith.muli %arg1, %mul3A : i32
    %add3A = arith.addi %mul3A_0, %arg0 : i32
    "tpu.region"() ({
      %run_scoped3A = tpu.sem_alloc : memref<!tpu.dma_semaphore, #tpu.memory_space<semaphore_mem>>
      tpu.enqueue_dma source(%arg7 : memref<16xf32, #tpu.memory_space<hbm>>) target(%arg20 : memref<16xf32, #tpu.memory_space<vmem>>) target_semaphore(%run_scoped3A : memref<!tpu.dma_semaphore, #tpu.memory_space<semaphore_mem>>)
      tpu.wait_dma2 semaphore(%run_scoped3A : memref<!tpu.dma_semaphore, #tpu.memory_space<semaphore_mem>>) src(%arg7 : memref<16xf32, #tpu.memory_space<hbm>>) dst(%arg20 : memref<16xf32, #tpu.memory_space<vmem>>)
      tpu.yield
    }) : () -> ()
    %get3A = arith.constant 0 : index
    %get3A_1 = tpu.vector_load %arg20[%get3A] {strides = array<i32>} : memref<16xf32, #tpu.memory_space<vmem>>, vector<16xf32>,
    %iota3A = tpu.iota {dimensions = array<i32: 0>} : vector<16xi32>
    %broadcast_in_dim3A = arith.constant 0 : i32
    %broadcast_in_dim3A_2 = vector.broadcast %broadcast_in_dim3A : i32 to vector<16xi32>
    %scan3A = arith.constant 0 : i32
    %scan3A_3 = arith.constant 0 : i32
    %scan3A_4 = arith.constant 256 : i32
    %scan3A_5 = arith.addi %scan3A_3, %scan3A_4 : i32
    %scan3A_6 = arith.constant 1 : i32
    scf.for %scan3A_14 = %scan3A_3 to %scan3A_5 step %scan3A_6  : i32 {
      %mul3A_15 = arith.constant 16 : i32
      %mul3A_16 = arith.muli %scan3A_14, %mul3A_15 : i32
      %swap3A = arith.index_cast %mul3A_16 : i32 to index
      %swap3A_17 = tpu.vector_load %arg15[%swap3A] {strides = array<i32>} : memref<4096xi32, #tpu.memory_space<vmem>>, vector<16xi32>,
      tpu.vector_store %arg15[%swap3A], %broadcast_in_dim3A_2 {strides = array<i32>} : memref<4096xi32, #tpu.memory_space<vmem>>, vector<16xi32>,
      %mul3A_18 = arith.constant 16 : i32
      %mul3A_19 = arith.muli %scan3A_14, %mul3A_18 : i32
      %swap3A_20 = arith.index_cast %mul3A_19 : i32 to index
      %swap3A_21 = tpu.vector_load %arg16[%swap3A_20] {strides = array<i32>} : memref<4096xi32, #tpu.memory_space<vmem>>, vector<16xi32>,
      tpu.vector_store %arg16[%swap3A_20], %broadcast_in_dim3A_2 {strides = array<i32>} : memref<4096xi32, #tpu.memory_space<vmem>>, vector<16xi32>,
      %mul3A_22 = arith.constant 16 : i32
      %mul3A_23 = arith.muli %scan3A_14, %mul3A_22 : i32
      %swap3A_24 = arith.index_cast %mul3A_23 : i32 to index
      %swap3A_25 = tpu.vector_load %arg17[%swap3A_24] {strides = array<i32>} : memref<4096xi32, #tpu.memory_space<vmem>>, vector<16xi32>,
      tpu.vector_store %arg17[%swap3A_24], %broadcast_in_dim3A_2 {strides = array<i32>} : memref<4096xi32, #tpu.memory_space<vmem>>, vector<16xi32>,
    }
    %scan3A_7 = arith.constant 256 : i32
    %scan3A_8 = arith.constant 0 : i32
    %scan3A_9 = arith.constant 0 : i32
    %scan3A_10 = arith.constant 4 : i32
    %scan3A_11 = arith.addi %scan3A_9, %scan3A_10 : i32
    %scan3A_12 = arith.constant 1 : i32
    scf.for %scan3A_14 = %scan3A_9 to %scan3A_11 step %scan3A_12  : i32 {
      %mul3A_15 = arith.constant 4 : i32
      %mul3A_16 = arith.muli %add3A, %mul3A_15 : i32
      %add3A_17 = arith.addi %mul3A_16, %scan3A_14 : i32
      "tpu.region"() ({
        %run_scoped3A = tpu.sem_alloc : memref<!tpu.dma_semaphore, #tpu.memory_space<semaphore_mem>>
        %dma_start3A_498 = arith.constant 0 : i32
        %dma_start3A_499 = arith.constant 0 : i32
        %dma_start3A_500 = tpu.memref_slice %arg4[%add3A_17, %dma_start3A_498, %dma_start3A_499] : memref<128x512x128xi32, #tpu.memory_space<hbm>> -> memref<1x512x128xi32, #tpu.memory_space<hbm>>
        %dma_start3A_501 = tpu.memref_squeeze %dma_start3A_500 : memref<1x512x128xi32, #tpu.memory_space<hbm>> -> memref<512x128xi32, #tpu.memory_space<hbm>>
        %dma_start3A_502 = arith.constant 0 : i32
        %dma_start3A_503 = arith.constant 0 : i32
        %dma_start3A_504 = tpu.memref_slice %arg4[%add3A_17, %dma_start3A_502, %dma_start3A_503] : memref<128x512x128xi32, #tpu.memory_space<hbm>> -> memref<1x512x128xi32, #tpu.memory_space<hbm>>
        %dma_start3A_505 = tpu.memref_squeeze %dma_start3A_504 : memref<1x512x128xi32, #tpu.memory_space<hbm>> -> memref<512x128xi32, #tpu.memory_space<hbm>>
        tpu.enqueue_dma source(%dma_start3A_505 : memref<512x128xi32, #tpu.memory_space<hbm>>) target(%arg14 : memref<512x128xi32, #tpu.memory_space<vmem>>) target_semaphore(%run_scoped3A : memref<!tpu.dma_semaphore, #tpu.memory_space<semaphore_mem>>)
        %dma_wait3A_506 = arith.constant 0 : i32
        %dma_wait3A_507 = arith.constant 0 : i32
        %dma_wait3A_508 = tpu.memref_slice %arg4[%add3A_17, %dma_wait3A_506, %dma_wait3A_507] : memref<128x512x128xi32, #tpu.memory_space<hbm>> -> memref<1x512x128xi32, #tpu.memory_space<hbm>>
        %dma_wait3A_509 = tpu.memref_squeeze %dma_wait3A_508 : memref<1x512x128xi32, #tpu.memory_space<hbm>> -> memref<512x128xi32, #tpu.memory_space<hbm>>
        %dma_wait3A_510 = arith.constant 0 : i32
        %dma_wait3A_511 = arith.constant 0 : i32
        %dma_wait3A_512 = tpu.memref_slice %arg4[%add3A_17, %dma_wait3A_510, %dma_wait3A_511] : memref<128x512x128xi32, #tpu.memory_space<hbm>> -> memref<1x512x128xi32, #tpu.memory_space<hbm>>
        %dma_wait3A_513 = tpu.memref_squeeze %dma_wait3A_512 : memref<1x512x128xi32, #tpu.memory_space<hbm>> -> memref<512x128xi32, #tpu.memory_space<hbm>>
        tpu.wait_dma2 semaphore(%run_scoped3A : memref<!tpu.dma_semaphore, #tpu.memory_space<semaphore_mem>>) src(%dma_wait3A_513 : memref<512x128xi32, #tpu.memory_space<hbm>>) dst(%arg14 : memref<512x128xi32, #tpu.memory_space<vmem>>)
        tpu.yield
      }) : () -> ()
      "tpu.region"() ({
        %run_scoped3A = tpu.sem_alloc : memref<!tpu.dma_semaphore, #tpu.memory_space<semaphore_mem>>
        %dma_start3A_498 = arith.constant 0 : i32
        %dma_start3A_499 = tpu.memref_slice %arg6[%add3A_17, %dma_start3A_498] : memref<128x4096xi32, #tpu.memory_space<hbm>> -> memref<1x4096xi32, #tpu.memory_space<hbm>>
        %dma_start3A_500 = tpu.memref_squeeze %dma_start3A_499 : memref<1x4096xi32, #tpu.memory_space<hbm>> -> memref<4096xi32, #tpu.memory_space<hbm>>
        %dma_start3A_501 = arith.constant 0 : i32
        %dma_start3A_502 = tpu.memref_slice %arg6[%add3A_17, %dma_start3A_501] : memref<128x4096xi32, #tpu.memory_space<hbm>> -> memref<1x4096xi32, #tpu.memory_space<hbm>>
        %dma_start3A_503 = tpu.memref_squeeze %dma_start3A_502 : memref<1x4096xi32, #tpu.memory_space<hbm>> -> memref<4096xi32, #tpu.memory_space<hbm>>
        tpu.enqueue_dma source(%dma_start3A_503 : memref<4096xi32, #tpu.memory_space<hbm>>) target(%arg13 : memref<4096xi32, #tpu.memory_space<vmem>>) target_semaphore(%run_scoped3A : memref<!tpu.dma_semaphore, #tpu.memory_space<semaphore_mem>>)
        %dma_wait3A_504 = arith.constant 0 : i32
        %dma_wait3A_505 = tpu.memref_slice %arg6[%add3A_17, %dma_wait3A_504] : memref<128x4096xi32, #tpu.memory_space<hbm>> -> memref<1x4096xi32, #tpu.memory_space<hbm>>
        %dma_wait3A_506 = tpu.memref_squeeze %dma_wait3A_505 : memref<1x4096xi32, #tpu.memory_space<hbm>> -> memref<4096xi32, #tpu.memory_space<hbm>>
        %dma_wait3A_507 = arith.constant 0 : i32
        %dma_wait3A_508 = tpu.memref_slice %arg6[%add3A_17, %dma_wait3A_507] : memref<128x4096xi32, #tpu.memory_space<hbm>> -> memref<1x4096xi32, #tpu.memory_space<hbm>>
        %dma_wait3A_509 = tpu.memref_squeeze %dma_wait3A_508 : memref<1x4096xi32, #tpu.memory_space<hbm>> -> memref<4096xi32, #tpu.memory_space<hbm>>
        tpu.wait_dma2 semaphore(%run_scoped3A : memref<!tpu.dma_semaphore, #tpu.memory_space<semaphore_mem>>) src(%dma_wait3A_509 : memref<4096xi32, #tpu.memory_space<hbm>>) dst(%arg13 : memref<4096xi32, #tpu.memory_space<vmem>>)
        tpu.yield
      }) : () -> ()
      "tpu.region"() ({
        %run_scoped3A = tpu.sem_alloc : memref<!tpu.dma_semaphore, #tpu.memory_space<semaphore_mem>>
        %dma_start3A_498 = arith.constant 0 : i32
        %dma_start3A_499 = tpu.memref_slice %arg5[%add3A_17, %dma_start3A_498] : memref<128x16xi32, #tpu.memory_space<hbm>> -> memref<1x16xi32, #tpu.memory_space<hbm>>
        %dma_start3A_500 = tpu.memref_squeeze %dma_start3A_499 : memref<1x16xi32, #tpu.memory_space<hbm>> -> memref<16xi32, #tpu.memory_space<hbm>>
        %dma_start3A_501 = arith.constant 0 : i32
        %dma_start3A_502 = tpu.memref_slice %arg5[%add3A_17, %dma_start3A_501] : memref<128x16xi32, #tpu.memory_space<hbm>> -> memref<1x16xi32, #tpu.memory_space<hbm>>
        %dma_start3A_503 = tpu.memref_squeeze %dma_start3A_502 : memref<1x16xi32, #tpu.memory_space<hbm>> -> memref<16xi32, #tpu.memory_space<hbm>>
        tpu.enqueue_dma source(%dma_start3A_503 : memref<16xi32, #tpu.memory_space<hbm>>) target(%arg19 : memref<16xi32, #tpu.memory_space<vmem>>) target_semaphore(%run_scoped3A : memref<!tpu.dma_semaphore, #tpu.memory_space<semaphore_mem>>)
        %dma_wait3A_504 = arith.constant 0 : i32
        %dma_wait3A_505 = tpu.memref_slice %arg5[%add3A_17, %dma_wait3A_504] : memref<128x16xi32, #tpu.memory_space<hbm>> -> memref<1x16xi32, #tpu.memory_space<hbm>>
        %dma_wait3A_506 = tpu.memref_squeeze %dma_wait3A_505 : memref<1x16xi32, #tpu.memory_space<hbm>> -> memref<16xi32, #tpu.memory_space<hbm>>
        %dma_wait3A_507 = arith.constant 0 : i32
        %dma_wait3A_508 = tpu.memref_slice %arg5[%add3A_17, %dma_wait3A_507] : memref<128x16xi32, #tpu.memory_space<hbm>> -> memref<1x16xi32, #tpu.memory_space<hbm>>
        %dma_wait3A_509 = tpu.memref_squeeze %dma_wait3A_508 : memref<1x16xi32, #tpu.memory_space<hbm>> -> memref<16xi32, #tpu.memory_space<hbm>>
        tpu.wait_dma2 semaphore(%run_scoped3A : memref<!tpu.dma_semaphore, #tpu.memory_space<semaphore_mem>>) src(%dma_wait3A_509 : memref<16xi32, #tpu.memory_space<hbm>>) dst(%arg19 : memref<16xi32, #tpu.memory_space<vmem>>)
        tpu.yield
      }) : () -> ()
      %get3A_18 = arith.constant 0 : index
      %get3A_19 = tpu.vector_load %arg19[%get3A_18] {strides = array<i32>} : memref<16xi32, #tpu.memory_space<vmem>>, vector<16xi32>,
      %reduce_max3A = arith.constant true
      %reduce_max3A_20 = vector.broadcast %reduce_max3A : i1 to vector<16xi1>
      %reduce_max3A_21 = arith.constant -2147483648 : i32
      %reduce_max3A_22 = vector.broadcast %reduce_max3A_21 : i32 to vector<16xi32>
      %reduce_max3A_23 = arith.xori %get3A_19, %reduce_max3A_22 : vector<16xi32>
      %reduce_max3A_24 = tpu.scan <max>, %reduce_max3A_23 masked %reduce_max3A_20 : vector<16xi32>, vector<16xi1> -> vector<16xi32>
      %reduce_max3A_25 = arith.xori %reduce_max3A_24, %reduce_max3A_22 : vector<16xi32>
      %reduce_max3A_26 = vector.extract %reduce_max3A_25[15] : i32 from vector<16xi32>
      %swap3A = arith.constant 0 : index
      %swap3A_27 = tpu.vector_load %arg18[%swap3A] {strides = array<i32>} : memref<48xi32, #tpu.memory_space<vmem>>, vector<16xi32>,
      tpu.vector_store %arg18[%swap3A], %broadcast_in_dim3A_2 {strides = array<i32>} : memref<48xi32, #tpu.memory_space<vmem>>, vector<16xi32>,
      %swap3A_28 = arith.constant 16 : index
      %swap3A_29 = tpu.vector_load %arg18[%swap3A_28] {strides = array<i32>} : memref<48xi32, #tpu.memory_space<vmem>>, vector<16xi32>,
      tpu.vector_store %arg18[%swap3A_28], %broadcast_in_dim3A_2 {strides = array<i32>} : memref<48xi32, #tpu.memory_space<vmem>>, vector<16xi32>,
      %swap3A_30 = arith.constant 32 : index
      %swap3A_31 = tpu.vector_load %arg18[%swap3A_30] {strides = array<i32>} : memref<48xi32, #tpu.memory_space<vmem>>, vector<16xi32>,
      tpu.vector_store %arg18[%swap3A_30], %broadcast_in_dim3A_2 {strides = array<i32>} : memref<48xi32, #tpu.memory_space<vmem>>, vector<16xi32>,
      %gt3A = arith.constant 0 : i32
      %gt3A_32 = arith.cmpi sgt, %reduce_max3A_26, %gt3A : i32
      %convert_element_type3A = arith.extui %gt3A_32 : i1 to i32
      %cond3A = arith.constant 0 : i32
      %cond3A_33 = arith.cmpi ne, %convert_element_type3A, %cond3A : i32
      scf.if %cond3A_33 {
        %while3A = arith.constant 0 : i32
        %while3A_498 = arith.constant 0 : i32
        %while3A_499:2 = scf.while (%while3A_525 = %while3A, %while3A_526 = %while3A_498) : (i32, i32) -> (i32, i32) {
          %lt3A_527 = arith.constant 40 : i32
          %lt3A_528 = arith.cmpi slt, %while3A_526, %lt3A_527 : i32
          %lt3A_529 = arith.constant 256 : i32
          %lt3A_530 = arith.cmpi slt, %while3A_525, %lt3A_529 : i32
          %and3A = arith.andi %lt3A_528, %lt3A_530 : i1
          scf.condition(%and3A) %while3A_525, %while3A_526 : i32, i32
        } do {
        ^bb0(%while3A_525: i32, %while3A_526: i32):
          %mul3A_527 = arith.constant 16 : i32
          %mul3A_528 = arith.muli %while3A_525, %mul3A_527 : i32
          %get3A_529 = arith.index_cast %mul3A_528 : i32 to index
          %get3A_530 = tpu.vector_load %arg13[%get3A_529] {strides = array<i32>} : memref<4096xi32, #tpu.memory_space<vmem>>, vector<16xi32>,
          %jit3A = arith.constant 8 : i32
          %div3A = vector.broadcast %jit3A : i32 to vector<16xi32>
          %div3A_531 = arith.divsi %get3A_530, %div3A : vector<16xi32>
          %sign3A = arith.constant 0 : i32
          %sign3A_532 = vector.broadcast %sign3A : i32 to vector<16xi32>
          %sign3A_533 = arith.cmpi sgt, %get3A_530, %sign3A_532 : vector<16xi32>
          %sign3A_534 = arith.extui %sign3A_533 : vector<16xi1> to vector<16xi32>
          %sign3A_535 = arith.constant 0 : i32
          %sign3A_536 = vector.broadcast %sign3A_535 : i32 to vector<16xi32>
          %sign3A_537 = arith.cmpi slt, %get3A_530, %sign3A_536 : vector<16xi32>
          %sign3A_538 = arith.extui %sign3A_537 : vector<16xi1> to vector<16xi32>
          %sign3A_539 = arith.subi %sign3A_534, %sign3A_538 : vector<16xi32>
          %sign3A_540 = arith.constant 0 : i32
          %sign3A_541 = arith.cmpi sgt, %jit3A, %sign3A_540 : i32
          %sign3A_542 = arith.extui %sign3A_541 : i1 to i32
          %sign3A_543 = arith.constant 0 : i32
          %sign3A_544 = arith.cmpi slt, %jit3A, %sign3A_543 : i32
          %sign3A_545 = arith.extui %sign3A_544 : i1 to i32
          %sign3A_546 = arith.subi %sign3A_542, %sign3A_545 : i32
          %ne3A = vector.broadcast %sign3A_546 : i32 to vector<16xi32>
          %ne3A_547 = arith.cmpi ne, %sign3A_539, %ne3A : vector<16xi32>
          %rem3A = vector.broadcast %jit3A : i32 to vector<16xi32>
          %rem3A_548 = arith.remsi %get3A_530, %rem3A : vector<16xi32>
          %ne3A_549 = arith.constant 0 : i32
          %ne3A_550 = vector.broadcast %ne3A_549 : i32 to vector<16xi32>
          %ne3A_551 = arith.cmpi ne, %rem3A_548, %ne3A_550 : vector<16xi32>
          %and3A = arith.andi %ne3A_547, %ne3A_551 : vector<16xi1>
          %sub3A = arith.constant 1 : i32
          %sub3A_552 = vector.broadcast %sub3A : i32 to vector<16xi32>
          %sub3A_553 = arith.subi %div3A_531, %sub3A_552 : vector<16xi32>
          %select_n3A_554 = arith.select %and3A, %sub3A_553, %div3A_531 : vector<16xi1>, vector<16xi32>
          %jit3A_555 = arith.constant 8 : i32
          %eq3A = arith.constant 0 : i32
          %eq3A_556 = arith.cmpi eq, %jit3A_555, %eq3A : i32
          %jit3A_557 = arith.constant 1 : i32
          %select_n3A_558 = arith.select %eq3A_556, %jit3A_557, %jit3A_555 : i32
          %rem3A_559 = vector.broadcast %select_n3A_558 : i32 to vector<16xi32>
          %rem3A_560 = arith.remsi %get3A_530, %rem3A_559 : vector<16xi32>
          %ne3A_561 = arith.constant 0 : i32
          %ne3A_562 = vector.broadcast %ne3A_561 : i32 to vector<16xi32>
          %ne3A_563 = arith.cmpi ne, %rem3A_560, %ne3A_562 : vector<16xi32>
          %lt3A_564 = arith.constant 0 : i32
          %lt3A_565 = vector.broadcast %lt3A_564 : i32 to vector<16xi32>
          %lt3A_566 = arith.cmpi slt, %rem3A_560, %lt3A_565 : vector<16xi32>
          %lt3A_567 = arith.constant 0 : i32
          %lt3A_568 = arith.cmpi slt, %select_n3A_558, %lt3A_567 : i32
          %ne3A_569 = vector.broadcast %lt3A_568 : i1 to vector<16xi1>
          %ne3A_570 = vector.broadcast %ne3A_569 : vector<16xi1> to vector<16xi1>
          %ne3A_571 = arith.xori %lt3A_566, %ne3A_570 : vector<16xi1>
          %and3A_572 = arith.andi %ne3A_571, %ne3A_563 : vector<16xi1>
          %add3A_573 = vector.broadcast %select_n3A_558 : i32 to vector<16xi32>
          %add3A_574 = arith.addi %rem3A_560, %add3A_573 : vector<16xi32>
          %select_n3A_575 = arith.select %and3A_572, %add3A_574, %rem3A_560 : vector<16xi1>, vector<16xi32>
          %mul3A_576 = arith.constant 16 : i32
          %mul3A_577 = vector.broadcast %mul3A_576 : i32 to vector<16xi32>
          %mul3A_578 = arith.muli %select_n3A_575, %mul3A_577 : vector<16xi32>
          %gather3A = tpu.vector_load_idx %arg14[%select_n3A_554, %mul3A_578] : memref<512x128xi32, #tpu.memory_space<vmem>>[vector<16xi32>, vector<16xi32>], vector<16xi32>,
          %broadcast_in_dim3A_579 = arith.constant true
          %broadcast_in_dim3A_580 = vector.broadcast %broadcast_in_dim3A_579 : i1 to vector<16xi1>
          %masked_cumsum3A = tpu.scan <sum>, %gather3A masked %broadcast_in_dim3A_580 : vector<16xi32>, vector<16xi1> -> vector<16xi32>
          %add3A_581 = vector.broadcast %while3A_526 : i32 to vector<16xi32>
          %add3A_582 = arith.addi %add3A_581, %masked_cumsum3A : vector<16xi32>
          %sub3A_583 = arith.constant 1 : i32
          %sub3A_584 = vector.broadcast %sub3A_583 : i32 to vector<16xi32>
          %sub3A_585 = arith.subi %add3A_582, %sub3A_584 : vector<16xi32>
          %gt3A_586 = arith.constant 0 : i32
          %gt3A_587 = vector.broadcast %gt3A_586 : i32 to vector<16xi32>
          %gt3A_588 = arith.cmpi sgt, %gather3A, %gt3A_587 : vector<16xi32>
          %lt3A_589 = arith.constant 40 : i32
          %lt3A_590 = vector.broadcast %lt3A_589 : i32 to vector<16xi32>
          %lt3A_591 = arith.cmpi slt, %sub3A_585, %lt3A_590 : vector<16xi32>
          %and3A_592 = arith.andi %gt3A_588, %lt3A_591 : vector<16xi1>
          tpu.vector_store_idx %arg18[%sub3A_585], %get3A_530 masked %and3A_592 : memref<48xi32, #tpu.memory_space<vmem>>[vector<16xi32>], vector<16xi32>, vector<16xi1>
          %add3A_593 = arith.constant 1 : i32
          %add3A_594 = arith.addi %while3A_525, %add3A_593 : i32
          %reduce_sum3A = arith.constant true
          %reduce_sum3A_595 = vector.broadcast %reduce_sum3A : i1 to vector<16xi1>
          %reduce_sum3A_596 = tpu.scan <sum>, %gather3A masked %reduce_sum3A_595 : vector<16xi32>, vector<16xi1> -> vector<16xi32>
          %reduce_sum3A_597 = vector.extract %reduce_sum3A_596[15] : i32 from vector<16xi32>
          %add3A_598 = arith.addi %while3A_526, %reduce_sum3A_597 : i32
          scf.yield %add3A_594, %add3A_598 : i32, i32
        }
        %broadcast_in_dim3A_500 = arith.constant 1 : i32
        %broadcast_in_dim3A_501 = vector.broadcast %broadcast_in_dim3A_500 : i32 to vector<16xi32>
        %get3A_502 = arith.constant 0 : index
        %get3A_503 = tpu.vector_load %arg18[%get3A_502] {strides = array<i32>} : memref<48xi32, #tpu.memory_space<vmem>>, vector<16xi32>,
        %add3A_504 = arith.constant 0 : i32
        %add3A_505 = vector.broadcast %add3A_504 : i32 to vector<16xi32>
        %add3A_506 = arith.addi %iota3A, %add3A_505 : vector<16xi32>
        %lt3A = arith.constant 40 : i32
        %lt3A_507 = vector.broadcast %lt3A : i32 to vector<16xi32>
        %lt3A_508 = arith.cmpi slt, %add3A_506, %lt3A_507 : vector<16xi32>
        tpu.vector_store_idx %arg15[%get3A_503], %broadcast_in_dim3A_501 masked %lt3A_508 : memref<4096xi32, #tpu.memory_space<vmem>>[vector<16xi32>], vector<16xi32>, vector<16xi1>
        %get3A_509 = arith.constant 16 : index
        %get3A_510 = tpu.vector_load %arg18[%get3A_509] {strides = array<i32>} : memref<48xi32, #tpu.memory_space<vmem>>, vector<16xi32>,
        %add3A_511 = arith.constant 16 : i32
        %add3A_512 = vector.broadcast %add3A_511 : i32 to vector<16xi32>
        %add3A_513 = arith.addi %iota3A, %add3A_512 : vector<16xi32>
        %lt3A_514 = arith.constant 40 : i32
        %lt3A_515 = vector.broadcast %lt3A_514 : i32 to vector<16xi32>
        %lt3A_516 = arith.cmpi slt, %add3A_513, %lt3A_515 : vector<16xi32>
        tpu.vector_store_idx %arg15[%get3A_510], %broadcast_in_dim3A_501 masked %lt3A_516 : memref<4096xi32, #tpu.memory_space<vmem>>[vector<16xi32>], vector<16xi32>, vector<16xi1>
        %get3A_517 = arith.constant 32 : index
        %get3A_518 = tpu.vector_load %arg18[%get3A_517] {strides = array<i32>} : memref<48xi32, #tpu.memory_space<vmem>>, vector<16xi32>,
        %add3A_519 = arith.constant 32 : i32
        %add3A_520 = vector.broadcast %add3A_519 : i32 to vector<16xi32>
        %add3A_521 = arith.addi %iota3A, %add3A_520 : vector<16xi32>
        %lt3A_522 = arith.constant 40 : i32
        %lt3A_523 = vector.broadcast %lt3A_522 : i32 to vector<16xi32>
        %lt3A_524 = arith.cmpi slt, %add3A_521, %lt3A_523 : vector<16xi32>
        tpu.vector_store_idx %arg15[%get3A_518], %broadcast_in_dim3A_501 masked %lt3A_524 : memref<4096xi32, #tpu.memory_space<vmem>>[vector<16xi32>], vector<16xi32>, vector<16xi1>
      } else {
      }
      %mul3A_34 = arith.constant 4096 : i32
      %mul3A_35 = arith.muli %add3A_17, %mul3A_34 : i32
      %scan3A_36 = arith.constant 0 : i32
      %scan3A_37 = arith.constant 0 : i32
      %scan3A_38 = arith.constant 256 : i32
      %scan3A_39 = arith.addi %scan3A_37, %scan3A_38 : i32
      %scan3A_40 = arith.constant 1 : i32
      %scan3A_41 = scf.for %scan3A_498 = %scan3A_37 to %scan3A_39 step %scan3A_40 iter_args(%scan3A_499 = %scan3A_36) -> (i32)  : i32 {
        %mul3A_500 = arith.constant 16 : i32
        %mul3A_501 = arith.muli %scan3A_498, %mul3A_500 : i32
        %get3A_502 = arith.index_cast %mul3A_501 : i32 to index
        %get3A_503 = tpu.vector_load %arg15[%get3A_502] {strides = array<i32>} : memref<4096xi32, #tpu.memory_space<vmem>>, vector<16xi32>,
        %eq3A = arith.constant 0 : i32
        %eq3A_504 = vector.broadcast %eq3A : i32 to vector<16xi32>
        %eq3A_505 = arith.cmpi eq, %get3A_503, %eq3A_504 : vector<16xi32>
        %jit3A = arith.constant 1 : i32
        %jit3A_506 = arith.constant 0 : i32
        %broadcast_in_dim3A_507 = vector.broadcast %jit3A : i32 to vector<16xi32>
        %broadcast_in_dim3A_508 = vector.broadcast %jit3A_506 : i32 to vector<16xi32>
        %select_n3A_509 = arith.select %eq3A_505, %broadcast_in_dim3A_507, %broadcast_in_dim3A_508 : vector<16xi1>, vector<16xi32>
        %broadcast_in_dim3A_510 = arith.constant true
        %broadcast_in_dim3A_511 = vector.broadcast %broadcast_in_dim3A_510 : i1 to vector<16xi1>
        %masked_cumsum3A = tpu.scan <sum>, %select_n3A_509 masked %broadcast_in_dim3A_511 : vector<16xi32>, vector<16xi1> -> vector<16xi32>
        %add3A_512 = vector.broadcast %scan3A_499 : i32 to vector<16xi32>
        %add3A_513 = arith.addi %add3A_512, %masked_cumsum3A : vector<16xi32>
        %sub3A = arith.constant 1 : i32
        %sub3A_514 = vector.broadcast %sub3A : i32 to vector<16xi32>
        %sub3A_515 = arith.subi %add3A_513, %sub3A_514 : vector<16xi32>
        %mul3A_516 = arith.constant 16 : i32
        %mul3A_517 = arith.muli %scan3A_498, %mul3A_516 : i32
        %add3A_518 = vector.broadcast %mul3A_517 : i32 to vector<16xi32>
        %add3A_519 = arith.addi %iota3A, %add3A_518 : vector<16xi32>
        tpu.vector_store_idx %arg16[%sub3A_515], %add3A_519 masked %eq3A_505 : memref<4096xi32, #tpu.memory_space<vmem>>[vector<16xi32>], vector<16xi32>, vector<16xi1>
        %add3A_520 = vector.broadcast %mul3A_35 : i32 to vector<16xi32>
        %add3A_521 = arith.addi %add3A_519, %add3A_520 : vector<16xi32>
        tpu.vector_store_idx %arg17[%sub3A_515], %add3A_521 masked %eq3A_505 : memref<4096xi32, #tpu.memory_space<vmem>>[vector<16xi32>], vector<16xi32>, vector<16xi1>
        %mul3A_522 = arith.constant 16 : i32
        %mul3A_523 = arith.muli %scan3A_498, %mul3A_522 : i32
        %swap3A_524 = arith.index_cast %mul3A_523 : i32 to index
        %swap3A_525 = tpu.vector_load %arg15[%swap3A_524] {strides = array<i32>} : memref<4096xi32, #tpu.memory_space<vmem>>, vector<16xi32>,
        tpu.vector_store %arg15[%swap3A_524], %broadcast_in_dim3A_2 {strides = array<i32>} : memref<4096xi32, #tpu.memory_space<vmem>>, vector<16xi32>,
        %reduce_sum3A = arith.constant true
        %reduce_sum3A_526 = vector.broadcast %reduce_sum3A : i1 to vector<16xi1>
        %reduce_sum3A_527 = tpu.scan <sum>, %select_n3A_509 masked %reduce_sum3A_526 : vector<16xi32>, vector<16xi1> -> vector<16xi32>
        %reduce_sum3A_528 = vector.extract %reduce_sum3A_527[15] : i32 from vector<16xi32>
        %add3A_529 = arith.addi %scan3A_499, %reduce_sum3A_528 : i32
        scf.yield %add3A_529 : i32
      }
      %scan3A_42 = arith.constant 256 : i32
      %mul3A_43 = arith.constant 40 : i32
      %mul3A_44 = arith.muli %add3A_17, %mul3A_43 : i32
      "tpu.region"() ({
        %run_scoped3A = tpu.sem_alloc : memref<!tpu.dma_semaphore, #tpu.memory_space<semaphore_mem>>
        %dma_start3A_498 = arith.constant 0 : i32
        %dma_start3A_499 = tpu.memref_slice %arg18[%dma_start3A_498] : memref<48xi32, #tpu.memory_space<vmem>> -> memref<40xi32, #tpu.memory_space<vmem>>
        %dma_start3A_500 = tpu.memref_slice %arg11[%mul3A_44] : memref<5120xi32, #tpu.memory_space<hbm>> -> memref<40xi32, #tpu.memory_space<hbm>>
        %dma_start3A_501 = tpu.memref_slice %arg11[%mul3A_44] : memref<5120xi32, #tpu.memory_space<hbm>> -> memref<40xi32, #tpu.memory_space<hbm>>
        %dma_start3A_502 = arith.constant 0 : i32
        %dma_start3A_503 = tpu.memref_slice %arg18[%dma_start3A_502] : memref<48xi32, #tpu.memory_space<vmem>> -> memref<40xi32, #tpu.memory_space<vmem>>
        tpu.enqueue_dma source(%dma_start3A_503 : memref<40xi32, #tpu.memory_space<vmem>>) target(%dma_start3A_501 : memref<40xi32, #tpu.memory_space<hbm>>) target_semaphore(%run_scoped3A : memref<!tpu.dma_semaphore, #tpu.memory_space<semaphore_mem>>)
        %dma_wait3A_504 = arith.constant 0 : i32
        %dma_wait3A_505 = tpu.memref_slice %arg18[%dma_wait3A_504] : memref<48xi32, #tpu.memory_space<vmem>> -> memref<40xi32, #tpu.memory_space<vmem>>
        %dma_wait3A_506 = tpu.memref_slice %arg11[%mul3A_44] : memref<5120xi32, #tpu.memory_space<hbm>> -> memref<40xi32, #tpu.memory_space<hbm>>
        %dma_wait3A_507 = tpu.memref_slice %arg11[%mul3A_44] : memref<5120xi32, #tpu.memory_space<hbm>> -> memref<40xi32, #tpu.memory_space<hbm>>
        %dma_wait3A_508 = arith.constant 0 : i32
        %dma_wait3A_509 = tpu.memref_slice %arg18[%dma_wait3A_508] : memref<48xi32, #tpu.memory_space<vmem>> -> memref<40xi32, #tpu.memory_space<vmem>>
        tpu.wait_dma2 semaphore(%run_scoped3A : memref<!tpu.dma_semaphore, #tpu.memory_space<semaphore_mem>>) src(%dma_wait3A_509 : memref<40xi32, #tpu.memory_space<vmem>>) dst(%dma_wait3A_507 : memref<40xi32, #tpu.memory_space<hbm>>)
        tpu.yield
      }) : () -> ()
      %mul3A_45 = arith.constant 4056 : i32
      %mul3A_46 = arith.muli %add3A_17, %mul3A_45 : i32
      "tpu.region"() ({
        %run_scoped3A = tpu.sem_alloc : memref<!tpu.dma_semaphore, #tpu.memory_space<semaphore_mem>>
        %dma_start3A_498 = arith.constant 0 : i32
        %dma_start3A_499 = tpu.memref_slice %arg16[%dma_start3A_498] : memref<4096xi32, #tpu.memory_space<vmem>> -> memref<4056xi32, #tpu.memory_space<vmem>>
        %dma_start3A_500 = tpu.memref_slice %arg12[%mul3A_46] : memref<519168xi32, #tpu.memory_space<hbm>> -> memref<4056xi32, #tpu.memory_space<hbm>>
        %dma_start3A_501 = tpu.memref_slice %arg12[%mul3A_46] : memref<519168xi32, #tpu.memory_space<hbm>> -> memref<4056xi32, #tpu.memory_space<hbm>>
        %dma_start3A_502 = arith.constant 0 : i32
        %dma_start3A_503 = tpu.memref_slice %arg16[%dma_start3A_502] : memref<4096xi32, #tpu.memory_space<vmem>> -> memref<4056xi32, #tpu.memory_space<vmem>>
        tpu.enqueue_dma source(%dma_start3A_503 : memref<4056xi32, #tpu.memory_space<vmem>>) target(%dma_start3A_501 : memref<4056xi32, #tpu.memory_space<hbm>>) target_semaphore(%run_scoped3A : memref<!tpu.dma_semaphore, #tpu.memory_space<semaphore_mem>>)
        %dma_wait3A_504 = arith.constant 0 : i32
        %dma_wait3A_505 = tpu.memref_slice %arg16[%dma_wait3A_504] : memref<4096xi32, #tpu.memory_space<vmem>> -> memref<4056xi32, #tpu.memory_space<vmem>>
        %dma_wait3A_506 = tpu.memref_slice %arg12[%mul3A_46] : memref<519168xi32, #tpu.memory_space<hbm>> -> memref<4056xi32, #tpu.memory_space<hbm>>
        %dma_wait3A_507 = tpu.memref_slice %arg12[%mul3A_46] : memref<519168xi32, #tpu.memory_space<hbm>> -> memref<4056xi32, #tpu.memory_space<hbm>>
        %dma_wait3A_508 = arith.constant 0 : i32
        %dma_wait3A_509 = tpu.memref_slice %arg16[%dma_wait3A_508] : memref<4096xi32, #tpu.memory_space<vmem>> -> memref<4056xi32, #tpu.memory_space<vmem>>
        tpu.wait_dma2 semaphore(%run_scoped3A : memref<!tpu.dma_semaphore, #tpu.memory_space<semaphore_mem>>) src(%dma_wait3A_509 : memref<4056xi32, #tpu.memory_space<vmem>>) dst(%dma_wait3A_507 : memref<4056xi32, #tpu.memory_space<hbm>>)
        tpu.yield
      }) : () -> ()
      %scan3A_47 = arith.constant 0 : i32
      %scan3A_48 = arith.constant 0 : i32
      %scan3A_49 = arith.constant 2 : i32
      %scan3A_50 = arith.addi %scan3A_48, %scan3A_49 : i32
      %scan3A_51 = arith.constant 1 : i32
      scf.for %scan3A_498 = %scan3A_48 to %scan3A_50 step %scan3A_51  : i32 {
        %mul3A_499 = arith.constant 1024 : i32
        %mul3A_500 = arith.muli %scan3A_498, %mul3A_499 : i32
        %add3A_501 = arith.constant 0 : i32
        %add3A_502 = arith.addi %add3A_501, %mul3A_500 : i32
        %add3A_503 = arith.constant 0 : i32
        %add3A_504 = arith.addi %add3A_502, %add3A_503 : i32
        %mul3A_505 = arith.constant 1024 : i32
        %mul3A_506 = arith.muli %scan3A_498, %mul3A_505 : i32
        %add3A_507 = arith.constant 0 : i32
        %add3A_508 = arith.addi %mul3A_506, %add3A_507 : i32
        %dma_start3A_509 = arith.constant 0 : i32
        %dma_start3A_510 = tpu.memref_slice %arg23[%add3A_508, %dma_start3A_509] : memref<2048x16xf32, #tpu.memory_space<vmem>> -> memref<128x16xf32, #tpu.memory_space<vmem>>
        %dma_start3A_511 = tpu.memref_slice %arg17[%add3A_504] : memref<4096xi32, #tpu.memory_space<vmem>> -> memref<128xi32, #tpu.memory_space<vmem>>
        %dma_start3A_512 = arith.constant 0 : i32
        %dma_start3A_513 = arith.constant 0 : i32
        %dma_start3A_514 = tpu.memref_slice %arg2[%dma_start3A_512, %dma_start3A_513] : memref<524288x16xf32, #tpu.memory_space<hbm>> -> memref<524288x16xf32, #tpu.memory_space<hbm>>
        tpu.enqueue_indirect_dma source(%dma_start3A_514 : memref<524288x16xf32, #tpu.memory_space<hbm>>) target(%dma_start3A_510 : memref<128x16xf32, #tpu.memory_space<vmem>>) offsets(%dma_start3A_511 : memref<128xi32, #tpu.memory_space<vmem>>) semaphore(%arg24 : memref<!tpu.dma_semaphore, #tpu.memory_space<semaphore_mem>>)
        %mul3A_515 = arith.constant 1024 : i32
        %mul3A_516 = arith.muli %scan3A_498, %mul3A_515 : i32
        %add3A_517 = arith.constant 0 : i32
        %add3A_518 = arith.addi %add3A_517, %mul3A_516 : i32
        %add3A_519 = arith.constant 128 : i32
        %add3A_520 = arith.addi %add3A_518, %add3A_519 : i32
        %mul3A_521 = arith.constant 1024 : i32
        %mul3A_522 = arith.muli %scan3A_498, %mul3A_521 : i32
        %add3A_523 = arith.constant 128 : i32
        %add3A_524 = arith.addi %mul3A_522, %add3A_523 : i32
        %dma_start3A_525 = arith.constant 0 : i32
        %dma_start3A_526 = tpu.memref_slice %arg23[%add3A_524, %dma_start3A_525] : memref<2048x16xf32, #tpu.memory_space<vmem>> -> memref<128x16xf32, #tpu.memory_space<vmem>>
        %dma_start3A_527 = tpu.memref_slice %arg17[%add3A_520] : memref<4096xi32, #tpu.memory_space<vmem>> -> memref<128xi32, #tpu.memory_space<vmem>>
        %dma_start3A_528 = arith.constant 0 : i32
        %dma_start3A_529 = arith.constant 0 : i32
        %dma_start3A_530 = tpu.memref_slice %arg2[%dma_start3A_528, %dma_start3A_529] : memref<524288x16xf32, #tpu.memory_space<hbm>> -> memref<524288x16xf32, #tpu.memory_space<hbm>>
        tpu.enqueue_indirect_dma source(%dma_start3A_530 : memref<524288x16xf32, #tpu.memory_space<hbm>>) target(%dma_start3A_526 : memref<128x16xf32, #tpu.memory_space<vmem>>) offsets(%dma_start3A_527 : memref<128xi32, #tpu.memory_space<vmem>>) semaphore(%arg24 : memref<!tpu.dma_semaphore, #tpu.memory_space<semaphore_mem>>)
        %mul3A_531 = arith.constant 1024 : i32
        %mul3A_532 = arith.muli %scan3A_498, %mul3A_531 : i32
        %add3A_533 = arith.constant 0 : i32
        %add3A_534 = arith.addi %add3A_533, %mul3A_532 : i32
        %add3A_535 = arith.constant 256 : i32
        %add3A_536 = arith.addi %add3A_534, %add3A_535 : i32
        %mul3A_537 = arith.constant 1024 : i32
        %mul3A_538 = arith.muli %scan3A_498, %mul3A_537 : i32
        %add3A_539 = arith.constant 256 : i32
        %add3A_540 = arith.addi %mul3A_538, %add3A_539 : i32
        %dma_start3A_541 = arith.constant 0 : i32
        %dma_start3A_542 = tpu.memref_slice %arg23[%add3A_540, %dma_start3A_541] : memref<2048x16xf32, #tpu.memory_space<vmem>> -> memref<128x16xf32, #tpu.memory_space<vmem>>
        %dma_start3A_543 = tpu.memref_slice %arg17[%add3A_536] : memref<4096xi32, #tpu.memory_space<vmem>> -> memref<128xi32, #tpu.memory_space<vmem>>
        %dma_start3A_544 = arith.constant 0 : i32
        %dma_start3A_545 = arith.constant 0 : i32
        %dma_start3A_546 = tpu.memref_slice %arg2[%dma_start3A_544, %dma_start3A_545] : memref<524288x16xf32, #tpu.memory_space<hbm>> -> memref<524288x16xf32, #tpu.memory_space<hbm>>
        tpu.enqueue_indirect_dma source(%dma_start3A_546 : memref<524288x16xf32, #tpu.memory_space<hbm>>) target(%dma_start3A_542 : memref<128x16xf32, #tpu.memory_space<vmem>>) offsets(%dma_start3A_543 : memref<128xi32, #tpu.memory_space<vmem>>) semaphore(%arg24 : memref<!tpu.dma_semaphore, #tpu.memory_space<semaphore_mem>>)
        %mul3A_547 = arith.constant 1024 : i32
        %mul3A_548 = arith.muli %scan3A_498, %mul3A_547 : i32
        %add3A_549 = arith.constant 0 : i32
        %add3A_550 = arith.addi %add3A_549, %mul3A_548 : i32
        %add3A_551 = arith.constant 384 : i32
        %add3A_552 = arith.addi %add3A_550, %add3A_551 : i32
        %mul3A_553 = arith.constant 1024 : i32
        %mul3A_554 = arith.muli %scan3A_498, %mul3A_553 : i32
        %add3A_555 = arith.constant 384 : i32
        %add3A_556 = arith.addi %mul3A_554, %add3A_555 : i32
        %dma_start3A_557 = arith.constant 0 : i32
        %dma_start3A_558 = tpu.memref_slice %arg23[%add3A_556, %dma_start3A_557] : memref<2048x16xf32, #tpu.memory_space<vmem>> -> memref<128x16xf32, #tpu.memory_space<vmem>>
        %dma_start3A_559 = tpu.memref_slice %arg17[%add3A_552] : memref<4096xi32, #tpu.memory_space<vmem>> -> memref<128xi32, #tpu.memory_space<vmem>>
        %dma_start3A_560 = arith.constant 0 : i32
        %dma_start3A_561 = arith.constant 0 : i32
        %dma_start3A_562 = tpu.memref_slice %arg2[%dma_start3A_560, %dma_start3A_561] : memref<524288x16xf32, #tpu.memory_space<hbm>> -> memref<524288x16xf32, #tpu.memory_space<hbm>>
        tpu.enqueue_indirect_dma source(%dma_start3A_562 : memref<524288x16xf32, #tpu.memory_space<hbm>>) target(%dma_start3A_558 : memref<128x16xf32, #tpu.memory_space<vmem>>) offsets(%dma_start3A_559 : memref<128xi32, #tpu.memory_space<vmem>>) semaphore(%arg24 : memref<!tpu.dma_semaphore, #tpu.memory_space<semaphore_mem>>)
        %mul3A_563 = arith.constant 1024 : i32
        %mul3A_564 = arith.muli %scan3A_498, %mul3A_563 : i32
        %add3A_565 = arith.constant 0 : i32
        %add3A_566 = arith.addi %add3A_565, %mul3A_564 : i32
        %add3A_567 = arith.constant 512 : i32
        %add3A_568 = arith.addi %add3A_566, %add3A_567 : i32
        %mul3A_569 = arith.constant 1024 : i32
        %mul3A_570 = arith.muli %scan3A_498, %mul3A_569 : i32
        %add3A_571 = arith.constant 512 : i32
        %add3A_572 = arith.addi %mul3A_570, %add3A_571 : i32
        %dma_start3A_573 = arith.constant 0 : i32
        %dma_start3A_574 = tpu.memref_slice %arg23[%add3A_572, %dma_start3A_573] : memref<2048x16xf32, #tpu.memory_space<vmem>> -> memref<128x16xf32, #tpu.memory_space<vmem>>
        %dma_start3A_575 = tpu.memref_slice %arg17[%add3A_568] : memref<4096xi32, #tpu.memory_space<vmem>> -> memref<128xi32, #tpu.memory_space<vmem>>
        %dma_start3A_576 = arith.constant 0 : i32
        %dma_start3A_577 = arith.constant 0 : i32
        %dma_start3A_578 = tpu.memref_slice %arg2[%dma_start3A_576, %dma_start3A_577] : memref<524288x16xf32, #tpu.memory_space<hbm>> -> memref<524288x16xf32, #tpu.memory_space<hbm>>
        tpu.enqueue_indirect_dma source(%dma_start3A_578 : memref<524288x16xf32, #tpu.memory_space<hbm>>) target(%dma_start3A_574 : memref<128x16xf32, #tpu.memory_space<vmem>>) offsets(%dma_start3A_575 : memref<128xi32, #tpu.memory_space<vmem>>) semaphore(%arg24 : memref<!tpu.dma_semaphore, #tpu.memory_space<semaphore_mem>>)
        %mul3A_579 = arith.constant 1024 : i32
        %mul3A_580 = arith.muli %scan3A_498, %mul3A_579 : i32
        %add3A_581 = arith.constant 0 : i32
        %add3A_582 = arith.addi %add3A_581, %mul3A_580 : i32
        %add3A_583 = arith.constant 640 : i32
        %add3A_584 = arith.addi %add3A_582, %add3A_583 : i32
        %mul3A_585 = arith.constant 1024 : i32
        %mul3A_586 = arith.muli %scan3A_498, %mul3A_585 : i32
        %add3A_587 = arith.constant 640 : i32
        %add3A_588 = arith.addi %mul3A_586, %add3A_587 : i32
        %dma_start3A_589 = arith.constant 0 : i32
        %dma_start3A_590 = tpu.memref_slice %arg23[%add3A_588, %dma_start3A_589] : memref<2048x16xf32, #tpu.memory_space<vmem>> -> memref<128x16xf32, #tpu.memory_space<vmem>>
        %dma_start3A_591 = tpu.memref_slice %arg17[%add3A_584] : memref<4096xi32, #tpu.memory_space<vmem>> -> memref<128xi32, #tpu.memory_space<vmem>>
        %dma_start3A_592 = arith.constant 0 : i32
        %dma_start3A_593 = arith.constant 0 : i32
        %dma_start3A_594 = tpu.memref_slice %arg2[%dma_start3A_592, %dma_start3A_593] : memref<524288x16xf32, #tpu.memory_space<hbm>> -> memref<524288x16xf32, #tpu.memory_space<hbm>>
        tpu.enqueue_indirect_dma source(%dma_start3A_594 : memref<524288x16xf32, #tpu.memory_space<hbm>>) target(%dma_start3A_590 : memref<128x16xf32, #tpu.memory_space<vmem>>) offsets(%dma_start3A_591 : memref<128xi32, #tpu.memory_space<vmem>>) semaphore(%arg24 : memref<!tpu.dma_semaphore, #tpu.memory_space<semaphore_mem>>)
        %mul3A_595 = arith.constant 1024 : i32
        %mul3A_596 = arith.muli %scan3A_498, %mul3A_595 : i32
        %add3A_597 = arith.constant 0 : i32
        %add3A_598 = arith.addi %add3A_597, %mul3A_596 : i32
        %add3A_599 = arith.constant 768 : i32
        %add3A_600 = arith.addi %add3A_598, %add3A_599 : i32
        %mul3A_601 = arith.constant 1024 : i32
        %mul3A_602 = arith.muli %scan3A_498, %mul3A_601 : i32
        %add3A_603 = arith.constant 768 : i32
        %add3A_604 = arith.addi %mul3A_602, %add3A_603 : i32
        %dma_start3A_605 = arith.constant 0 : i32
        %dma_start3A_606 = tpu.memref_slice %arg23[%add3A_604, %dma_start3A_605] : memref<2048x16xf32, #tpu.memory_space<vmem>> -> memref<128x16xf32, #tpu.memory_space<vmem>>
        %dma_start3A_607 = tpu.memref_slice %arg17[%add3A_600] : memref<4096xi32, #tpu.memory_space<vmem>> -> memref<128xi32, #tpu.memory_space<vmem>>
        %dma_start3A_608 = arith.constant 0 : i32
        %dma_start3A_609 = arith.constant 0 : i32
        %dma_start3A_610 = tpu.memref_slice %arg2[%dma_start3A_608, %dma_start3A_609] : memref<524288x16xf32, #tpu.memory_space<hbm>> -> memref<524288x16xf32, #tpu.memory_space<hbm>>
        tpu.enqueue_indirect_dma source(%dma_start3A_610 : memref<524288x16xf32, #tpu.memory_space<hbm>>) target(%dma_start3A_606 : memref<128x16xf32, #tpu.memory_space<vmem>>) offsets(%dma_start3A_607 : memref<128xi32, #tpu.memory_space<vmem>>) semaphore(%arg24 : memref<!tpu.dma_semaphore, #tpu.memory_space<semaphore_mem>>)
        %mul3A_611 = arith.constant 1024 : i32
        %mul3A_612 = arith.muli %scan3A_498, %mul3A_611 : i32
        %add3A_613 = arith.constant 0 : i32
        %add3A_614 = arith.addi %add3A_613, %mul3A_612 : i32
        %add3A_615 = arith.constant 896 : i32
        %add3A_616 = arith.addi %add3A_614, %add3A_615 : i32
        %mul3A_617 = arith.constant 1024 : i32
        %mul3A_618 = arith.muli %scan3A_498, %mul3A_617 : i32
        %add3A_619 = arith.constant 896 : i32
        %add3A_620 = arith.addi %mul3A_618, %add3A_619 : i32
        %dma_start3A_621 = arith.constant 0 : i32
        %dma_start3A_622 = tpu.memref_slice %arg23[%add3A_620, %dma_start3A_621] : memref<2048x16xf32, #tpu.memory_space<vmem>> -> memref<128x16xf32, #tpu.memory_space<vmem>>
        %dma_start3A_623 = tpu.memref_slice %arg17[%add3A_616] : memref<4096xi32, #tpu.memory_space<vmem>> -> memref<128xi32, #tpu.memory_space<vmem>>
        %dma_start3A_624 = arith.constant 0 : i32
        %dma_start3A_625 = arith.constant 0 : i32
        %dma_start3A_626 = tpu.memref_slice %arg2[%dma_start3A_624, %dma_start3A_625] : memref<524288x16xf32, #tpu.memory_space<hbm>> -> memref<524288x16xf32, #tpu.memory_space<hbm>>
        tpu.enqueue_indirect_dma source(%dma_start3A_626 : memref<524288x16xf32, #tpu.memory_space<hbm>>) target(%dma_start3A_622 : memref<128x16xf32, #tpu.memory_space<vmem>>) offsets(%dma_start3A_623 : memref<128xi32, #tpu.memory_space<vmem>>) semaphore(%arg24 : memref<!tpu.dma_semaphore, #tpu.memory_space<semaphore_mem>>)
        %dma_wait3A_627 = arith.constant 0 : i32
        %dma_wait3A_628 = tpu.memref_slice %arg23[%add3A_508, %dma_wait3A_627] : memref<2048x16xf32, #tpu.memory_space<vmem>> -> memref<128x16xf32, #tpu.memory_space<vmem>>
        %dma_wait3A_629 = tpu.memref_slice %arg17[%add3A_504] : memref<4096xi32, #tpu.memory_space<vmem>> -> memref<128xi32, #tpu.memory_space<vmem>>
        %dma_wait3A_630 = arith.constant 0 : i32
        %dma_wait3A_631 = arith.constant 0 : i32
        %dma_wait3A_632 = tpu.memref_slice %arg2[%dma_wait3A_630, %dma_wait3A_631] : memref<524288x16xf32, #tpu.memory_space<hbm>> -> memref<524288x16xf32, #tpu.memory_space<hbm>>
        tpu.wait_indirect_dma semaphore(%arg24 : memref<!tpu.dma_semaphore, #tpu.memory_space<semaphore_mem>>) src(%dma_wait3A_632 : memref<524288x16xf32, #tpu.memory_space<hbm>>) dst(%dma_wait3A_628 : memref<128x16xf32, #tpu.memory_space<vmem>>)
        %dma_wait3A_633 = arith.constant 0 : i32
        %dma_wait3A_634 = tpu.memref_slice %arg23[%add3A_524, %dma_wait3A_633] : memref<2048x16xf32, #tpu.memory_space<vmem>> -> memref<128x16xf32, #tpu.memory_space<vmem>>
        %dma_wait3A_635 = tpu.memref_slice %arg17[%add3A_520] : memref<4096xi32, #tpu.memory_space<vmem>> -> memref<128xi32, #tpu.memory_space<vmem>>
        %dma_wait3A_636 = arith.constant 0 : i32
        %dma_wait3A_637 = arith.constant 0 : i32
        %dma_wait3A_638 = tpu.memref_slice %arg2[%dma_wait3A_636, %dma_wait3A_637] : memref<524288x16xf32, #tpu.memory_space<hbm>> -> memref<524288x16xf32, #tpu.memory_space<hbm>>
        tpu.wait_indirect_dma semaphore(%arg24 : memref<!tpu.dma_semaphore, #tpu.memory_space<semaphore_mem>>) src(%dma_wait3A_638 : memref<524288x16xf32, #tpu.memory_space<hbm>>) dst(%dma_wait3A_634 : memref<128x16xf32, #tpu.memory_space<vmem>>)
        %dma_wait3A_639 = arith.constant 0 : i32
        %dma_wait3A_640 = tpu.memref_slice %arg23[%add3A_540, %dma_wait3A_639] : memref<2048x16xf32, #tpu.memory_space<vmem>> -> memref<128x16xf32, #tpu.memory_space<vmem>>
        %dma_wait3A_641 = tpu.memref_slice %arg17[%add3A_536] : memref<4096xi32, #tpu.memory_space<vmem>> -> memref<128xi32, #tpu.memory_space<vmem>>
        %dma_wait3A_642 = arith.constant 0 : i32
        %dma_wait3A_643 = arith.constant 0 : i32
        %dma_wait3A_644 = tpu.memref_slice %arg2[%dma_wait3A_642, %dma_wait3A_643] : memref<524288x16xf32, #tpu.memory_space<hbm>> -> memref<524288x16xf32, #tpu.memory_space<hbm>>
        tpu.wait_indirect_dma semaphore(%arg24 : memref<!tpu.dma_semaphore, #tpu.memory_space<semaphore_mem>>) src(%dma_wait3A_644 : memref<524288x16xf32, #tpu.memory_space<hbm>>) dst(%dma_wait3A_640 : memref<128x16xf32, #tpu.memory_space<vmem>>)
        %dma_wait3A_645 = arith.constant 0 : i32
        %dma_wait3A_646 = tpu.memref_slice %arg23[%add3A_556, %dma_wait3A_645] : memref<2048x16xf32, #tpu.memory_space<vmem>> -> memref<128x16xf32, #tpu.memory_space<vmem>>
        %dma_wait3A_647 = tpu.memref_slice %arg17[%add3A_552] : memref<4096xi32, #tpu.memory_space<vmem>> -> memref<128xi32, #tpu.memory_space<vmem>>
        %dma_wait3A_648 = arith.constant 0 : i32
        %dma_wait3A_649 = arith.constant 0 : i32
        %dma_wait3A_650 = tpu.memref_slice %arg2[%dma_wait3A_648, %dma_wait3A_649] : memref<524288x16xf32, #tpu.memory_space<hbm>> -> memref<524288x16xf32, #tpu.memory_space<hbm>>
        tpu.wait_indirect_dma semaphore(%arg24 : memref<!tpu.dma_semaphore, #tpu.memory_space<semaphore_mem>>) src(%dma_wait3A_650 : memref<524288x16xf32, #tpu.memory_space<hbm>>) dst(%dma_wait3A_646 : memref<128x16xf32, #tpu.memory_space<vmem>>)
        %dma_wait3A_651 = arith.constant 0 : i32
        %dma_wait3A_652 = tpu.memref_slice %arg23[%add3A_572, %dma_wait3A_651] : memref<2048x16xf32, #tpu.memory_space<vmem>> -> memref<128x16xf32, #tpu.memory_space<vmem>>
        %dma_wait3A_653 = tpu.memref_slice %arg17[%add3A_568] : memref<4096xi32, #tpu.memory_space<vmem>> -> memref<128xi32, #tpu.memory_space<vmem>>
        %dma_wait3A_654 = arith.constant 0 : i32
        %dma_wait3A_655 = arith.constant 0 : i32
        %dma_wait3A_656 = tpu.memref_slice %arg2[%dma_wait3A_654, %dma_wait3A_655] : memref<524288x16xf32, #tpu.memory_space<hbm>> -> memref<524288x16xf32, #tpu.memory_space<hbm>>
        tpu.wait_indirect_dma semaphore(%arg24 : memref<!tpu.dma_semaphore, #tpu.memory_space<semaphore_mem>>) src(%dma_wait3A_656 : memref<524288x16xf32, #tpu.memory_space<hbm>>) dst(%dma_wait3A_652 : memref<128x16xf32, #tpu.memory_space<vmem>>)
        %dma_wait3A_657 = arith.constant 0 : i32
        %dma_wait3A_658 = tpu.memref_slice %arg23[%add3A_588, %dma_wait3A_657] : memref<2048x16xf32, #tpu.memory_space<vmem>> -> memref<128x16xf32, #tpu.memory_space<vmem>>
        %dma_wait3A_659 = tpu.memref_slice %arg17[%add3A_584] : memref<4096xi32, #tpu.memory_space<vmem>> -> memref<128xi32, #tpu.memory_space<vmem>>
        %dma_wait3A_660 = arith.constant 0 : i32
        %dma_wait3A_661 = arith.constant 0 : i32
        %dma_wait3A_662 = tpu.memref_slice %arg2[%dma_wait3A_660, %dma_wait3A_661] : memref<524288x16xf32, #tpu.memory_space<hbm>> -> memref<524288x16xf32, #tpu.memory_space<hbm>>
        tpu.wait_indirect_dma semaphore(%arg24 : memref<!tpu.dma_semaphore, #tpu.memory_space<semaphore_mem>>) src(%dma_wait3A_662 : memref<524288x16xf32, #tpu.memory_space<hbm>>) dst(%dma_wait3A_658 : memref<128x16xf32, #tpu.memory_space<vmem>>)
        %dma_wait3A_663 = arith.constant 0 : i32
        %dma_wait3A_664 = tpu.memref_slice %arg23[%add3A_604, %dma_wait3A_663] : memref<2048x16xf32, #tpu.memory_space<vmem>> -> memref<128x16xf32, #tpu.memory_space<vmem>>
        %dma_wait3A_665 = tpu.memref_slice %arg17[%add3A_600] : memref<4096xi32, #tpu.memory_space<vmem>> -> memref<128xi32, #tpu.memory_space<vmem>>
        %dma_wait3A_666 = arith.constant 0 : i32
        %dma_wait3A_667 = arith.constant 0 : i32
        %dma_wait3A_668 = tpu.memref_slice %arg2[%dma_wait3A_666, %dma_wait3A_667] : memref<524288x16xf32, #tpu.memory_space<hbm>> -> memref<524288x16xf32, #tpu.memory_space<hbm>>
        tpu.wait_indirect_dma semaphore(%arg24 : memref<!tpu.dma_semaphore, #tpu.memory_space<semaphore_mem>>) src(%dma_wait3A_668 : memref<524288x16xf32, #tpu.memory_space<hbm>>) dst(%dma_wait3A_664 : memref<128x16xf32, #tpu.memory_space<vmem>>)
        %dma_wait3A_669 = arith.constant 0 : i32
        %dma_wait3A_670 = tpu.memref_slice %arg23[%add3A_620, %dma_wait3A_669] : memref<2048x16xf32, #tpu.memory_space<vmem>> -> memref<128x16xf32, #tpu.memory_space<vmem>>
        %dma_wait3A_671 = tpu.memref_slice %arg17[%add3A_616] : memref<4096xi32, #tpu.memory_space<vmem>> -> memref<128xi32, #tpu.memory_space<vmem>>
        %dma_wait3A_672 = arith.constant 0 : i32
        %dma_wait3A_673 = arith.constant 0 : i32
        %dma_wait3A_674 = tpu.memref_slice %arg2[%dma_wait3A_672, %dma_wait3A_673] : memref<524288x16xf32, #tpu.memory_space<hbm>> -> memref<524288x16xf32, #tpu.memory_space<hbm>>
        tpu.wait_indirect_dma semaphore(%arg24 : memref<!tpu.dma_semaphore, #tpu.memory_space<semaphore_mem>>) src(%dma_wait3A_674 : memref<524288x16xf32, #tpu.memory_space<hbm>>) dst(%dma_wait3A_670 : memref<128x16xf32, #tpu.memory_space<vmem>>)
      }
      %scan3A_52 = arith.constant 2 : i32
      %mul3A_53 = arith.constant 4056 : i32
      %mul3A_54 = arith.muli %add3A_17, %mul3A_53 : i32
      %add3A_55 = arith.constant 0 : i32
      %add3A_56 = arith.addi %mul3A_54, %add3A_55 : i32
      "tpu.region"() ({
        %run_scoped3A = tpu.sem_alloc : memref<!tpu.dma_semaphore, #tpu.memory_space<semaphore_mem>>
        %dma_start3A_498 = arith.constant 0 : i32
        %dma_start3A_499 = arith.constant 0 : i32
        %dma_start3A_500 = tpu.memref_slice %arg23[%dma_start3A_498, %dma_start3A_499] : memref<2048x16xf32, #tpu.memory_space<vmem>> -> memref<2048x16xf32, #tpu.memory_space<vmem>>
        %dma_start3A_501 = arith.constant 0 : i32
        %dma_start3A_502 = tpu.memref_slice %arg8[%add3A_56, %dma_start3A_501] : memref<519168x16xf32, #tpu.memory_space<hbm>> -> memref<2048x16xf32, #tpu.memory_space<hbm>>
        %dma_start3A_503 = arith.constant 0 : i32
        %dma_start3A_504 = tpu.memref_slice %arg8[%add3A_56, %dma_start3A_503] : memref<519168x16xf32, #tpu.memory_space<hbm>> -> memref<2048x16xf32, #tpu.memory_space<hbm>>
        %dma_start3A_505 = arith.constant 0 : i32
        %dma_start3A_506 = arith.constant 0 : i32
        %dma_start3A_507 = tpu.memref_slice %arg23[%dma_start3A_505, %dma_start3A_506] : memref<2048x16xf32, #tpu.memory_space<vmem>> -> memref<2048x16xf32, #tpu.memory_space<vmem>>
        tpu.enqueue_dma source(%dma_start3A_507 : memref<2048x16xf32, #tpu.memory_space<vmem>>) target(%dma_start3A_504 : memref<2048x16xf32, #tpu.memory_space<hbm>>) target_semaphore(%run_scoped3A : memref<!tpu.dma_semaphore, #tpu.memory_space<semaphore_mem>>)
        %dma_wait3A_508 = arith.constant 0 : i32
        %dma_wait3A_509 = arith.constant 0 : i32
        %dma_wait3A_510 = tpu.memref_slice %arg23[%dma_wait3A_508, %dma_wait3A_509] : memref<2048x16xf32, #tpu.memory_space<vmem>> -> memref<2048x16xf32, #tpu.memory_space<vmem>>
        %dma_wait3A_511 = arith.constant 0 : i32
        %dma_wait3A_512 = tpu.memref_slice %arg8[%add3A_56, %dma_wait3A_511] : memref<519168x16xf32, #tpu.memory_space<hbm>> -> memref<2048x16xf32, #tpu.memory_space<hbm>>
        %dma_wait3A_513 = arith.constant 0 : i32
        %dma_wait3A_514 = tpu.memref_slice %arg8[%add3A_56, %dma_wait3A_513] : memref<519168x16xf32, #tpu.memory_space<hbm>> -> memref<2048x16xf32, #tpu.memory_space<hbm>>
        %dma_wait3A_515 = arith.constant 0 : i32
        %dma_wait3A_516 = arith.constant 0 : i32
        %dma_wait3A_517 = tpu.memref_slice %arg23[%dma_wait3A_515, %dma_wait3A_516] : memref<2048x16xf32, #tpu.memory_space<vmem>> -> memref<2048x16xf32, #tpu.memory_space<vmem>>
        tpu.wait_dma2 semaphore(%run_scoped3A : memref<!tpu.dma_semaphore, #tpu.memory_space<semaphore_mem>>) src(%dma_wait3A_517 : memref<2048x16xf32, #tpu.memory_space<vmem>>) dst(%dma_wait3A_514 : memref<2048x16xf32, #tpu.memory_space<hbm>>)
        tpu.yield
      }) : () -> ()
      %scan3A_57 = arith.constant 0 : i32
      %scan3A_58 = arith.constant 0 : i32
      %scan3A_59 = arith.constant 2 : i32
      %scan3A_60 = arith.addi %scan3A_58, %scan3A_59 : i32
      %scan3A_61 = arith.constant 1 : i32
      scf.for %scan3A_498 = %scan3A_58 to %scan3A_60 step %scan3A_61  : i32 {
        %mul3A_499 = arith.constant 1024 : i32
        %mul3A_500 = arith.muli %scan3A_498, %mul3A_499 : i32
        %add3A_501 = arith.constant 2048 : i32
        %add3A_502 = arith.addi %add3A_501, %mul3A_500 : i32
        %add3A_503 = arith.constant 0 : i32
        %add3A_504 = arith.addi %add3A_502, %add3A_503 : i32
        %mul3A_505 = arith.constant 1024 : i32
        %mul3A_506 = arith.muli %scan3A_498, %mul3A_505 : i32
        %add3A_507 = arith.constant 0 : i32
        %add3A_508 = arith.addi %mul3A_506, %add3A_507 : i32
        %dma_start3A_509 = arith.constant 0 : i32
        %dma_start3A_510 = tpu.memref_slice %arg23[%add3A_508, %dma_start3A_509] : memref<2048x16xf32, #tpu.memory_space<vmem>> -> memref<128x16xf32, #tpu.memory_space<vmem>>
        %dma_start3A_511 = tpu.memref_slice %arg17[%add3A_504] : memref<4096xi32, #tpu.memory_space<vmem>> -> memref<128xi32, #tpu.memory_space<vmem>>
        %dma_start3A_512 = arith.constant 0 : i32
        %dma_start3A_513 = arith.constant 0 : i32
        %dma_start3A_514 = tpu.memref_slice %arg2[%dma_start3A_512, %dma_start3A_513] : memref<524288x16xf32, #tpu.memory_space<hbm>> -> memref<524288x16xf32, #tpu.memory_space<hbm>>
        tpu.enqueue_indirect_dma source(%dma_start3A_514 : memref<524288x16xf32, #tpu.memory_space<hbm>>) target(%dma_start3A_510 : memref<128x16xf32, #tpu.memory_space<vmem>>) offsets(%dma_start3A_511 : memref<128xi32, #tpu.memory_space<vmem>>) semaphore(%arg24 : memref<!tpu.dma_semaphore, #tpu.memory_space<semaphore_mem>>)
        %mul3A_515 = arith.constant 1024 : i32
        %mul3A_516 = arith.muli %scan3A_498, %mul3A_515 : i32
        %add3A_517 = arith.constant 2048 : i32
        %add3A_518 = arith.addi %add3A_517, %mul3A_516 : i32
        %add3A_519 = arith.constant 128 : i32
        %add3A_520 = arith.addi %add3A_518, %add3A_519 : i32
        %mul3A_521 = arith.constant 1024 : i32
        %mul3A_522 = arith.muli %scan3A_498, %mul3A_521 : i32
        %add3A_523 = arith.constant 128 : i32
        %add3A_524 = arith.addi %mul3A_522, %add3A_523 : i32
        %dma_start3A_525 = arith.constant 0 : i32
        %dma_start3A_526 = tpu.memref_slice %arg23[%add3A_524, %dma_start3A_525] : memref<2048x16xf32, #tpu.memory_space<vmem>> -> memref<128x16xf32, #tpu.memory_space<vmem>>
        %dma_start3A_527 = tpu.memref_slice %arg17[%add3A_520] : memref<4096xi32, #tpu.memory_space<vmem>> -> memref<128xi32, #tpu.memory_space<vmem>>
        %dma_start3A_528 = arith.constant 0 : i32
        %dma_start3A_529 = arith.constant 0 : i32
        %dma_start3A_530 = tpu.memref_slice %arg2[%dma_start3A_528, %dma_start3A_529] : memref<524288x16xf32, #tpu.memory_space<hbm>> -> memref<524288x16xf32, #tpu.memory_space<hbm>>
        tpu.enqueue_indirect_dma source(%dma_start3A_530 : memref<524288x16xf32, #tpu.memory_space<hbm>>) target(%dma_start3A_526 : memref<128x16xf32, #tpu.memory_space<vmem>>) offsets(%dma_start3A_527 : memref<128xi32, #tpu.memory_space<vmem>>) semaphore(%arg24 : memref<!tpu.dma_semaphore, #tpu.memory_space<semaphore_mem>>)
        %mul3A_531 = arith.constant 1024 : i32
        %mul3A_532 = arith.muli %scan3A_498, %mul3A_531 : i32
        %add3A_533 = arith.constant 2048 : i32
        %add3A_534 = arith.addi %add3A_533, %mul3A_532 : i32
        %add3A_535 = arith.constant 256 : i32
        %add3A_536 = arith.addi %add3A_534, %add3A_535 : i32
        %mul3A_537 = arith.constant 1024 : i32
        %mul3A_538 = arith.muli %scan3A_498, %mul3A_537 : i32
        %add3A_539 = arith.constant 256 : i32
        %add3A_540 = arith.addi %mul3A_538, %add3A_539 : i32
        %dma_start3A_541 = arith.constant 0 : i32
        %dma_start3A_542 = tpu.memref_slice %arg23[%add3A_540, %dma_start3A_541] : memref<2048x16xf32, #tpu.memory_space<vmem>> -> memref<128x16xf32, #tpu.memory_space<vmem>>
        %dma_start3A_543 = tpu.memref_slice %arg17[%add3A_536] : memref<4096xi32, #tpu.memory_space<vmem>> -> memref<128xi32, #tpu.memory_space<vmem>>
        %dma_start3A_544 = arith.constant 0 : i32
        %dma_start3A_545 = arith.constant 0 : i32
        %dma_start3A_546 = tpu.memref_slice %arg2[%dma_start3A_544, %dma_start3A_545] : memref<524288x16xf32, #tpu.memory_space<hbm>> -> memref<524288x16xf32, #tpu.memory_space<hbm>>
        tpu.enqueue_indirect_dma source(%dma_start3A_546 : memref<524288x16xf32, #tpu.memory_space<hbm>>) target(%dma_start3A_542 : memref<128x16xf32, #tpu.memory_space<vmem>>) offsets(%dma_start3A_543 : memref<128xi32, #tpu.memory_space<vmem>>) semaphore(%arg24 : memref<!tpu.dma_semaphore, #tpu.memory_space<semaphore_mem>>)
        %mul3A_547 = arith.constant 1024 : i32
        %mul3A_548 = arith.muli %scan3A_498, %mul3A_547 : i32
        %add3A_549 = arith.constant 2048 : i32
        %add3A_550 = arith.addi %add3A_549, %mul3A_548 : i32
        %add3A_551 = arith.constant 384 : i32
        %add3A_552 = arith.addi %add3A_550, %add3A_551 : i32
        %mul3A_553 = arith.constant 1024 : i32
        %mul3A_554 = arith.muli %scan3A_498, %mul3A_553 : i32
        %add3A_555 = arith.constant 384 : i32
        %add3A_556 = arith.addi %mul3A_554, %add3A_555 : i32
        %dma_start3A_557 = arith.constant 0 : i32
        %dma_start3A_558 = tpu.memref_slice %arg23[%add3A_556, %dma_start3A_557] : memref<2048x16xf32, #tpu.memory_space<vmem>> -> memref<128x16xf32, #tpu.memory_space<vmem>>
        %dma_start3A_559 = tpu.memref_slice %arg17[%add3A_552] : memref<4096xi32, #tpu.memory_space<vmem>> -> memref<128xi32, #tpu.memory_space<vmem>>
        %dma_start3A_560 = arith.constant 0 : i32
        %dma_start3A_561 = arith.constant 0 : i32
        %dma_start3A_562 = tpu.memref_slice %arg2[%dma_start3A_560, %dma_start3A_561] : memref<524288x16xf32, #tpu.memory_space<hbm>> -> memref<524288x16xf32, #tpu.memory_space<hbm>>
        tpu.enqueue_indirect_dma source(%dma_start3A_562 : memref<524288x16xf32, #tpu.memory_space<hbm>>) target(%dma_start3A_558 : memref<128x16xf32, #tpu.memory_space<vmem>>) offsets(%dma_start3A_559 : memref<128xi32, #tpu.memory_space<vmem>>) semaphore(%arg24 : memref<!tpu.dma_semaphore, #tpu.memory_space<semaphore_mem>>)
        %mul3A_563 = arith.constant 1024 : i32
        %mul3A_564 = arith.muli %scan3A_498, %mul3A_563 : i32
        %add3A_565 = arith.constant 2048 : i32
        %add3A_566 = arith.addi %add3A_565, %mul3A_564 : i32
        %add3A_567 = arith.constant 512 : i32
        %add3A_568 = arith.addi %add3A_566, %add3A_567 : i32
        %mul3A_569 = arith.constant 1024 : i32
        %mul3A_570 = arith.muli %scan3A_498, %mul3A_569 : i32
        %add3A_571 = arith.constant 512 : i32
        %add3A_572 = arith.addi %mul3A_570, %add3A_571 : i32
        %dma_start3A_573 = arith.constant 0 : i32
        %dma_start3A_574 = tpu.memref_slice %arg23[%add3A_572, %dma_start3A_573] : memref<2048x16xf32, #tpu.memory_space<vmem>> -> memref<128x16xf32, #tpu.memory_space<vmem>>
        %dma_start3A_575 = tpu.memref_slice %arg17[%add3A_568] : memref<4096xi32, #tpu.memory_space<vmem>> -> memref<128xi32, #tpu.memory_space<vmem>>
        %dma_start3A_576 = arith.constant 0 : i32
        %dma_start3A_577 = arith.constant 0 : i32
        %dma_start3A_578 = tpu.memref_slice %arg2[%dma_start3A_576, %dma_start3A_577] : memref<524288x16xf32, #tpu.memory_space<hbm>> -> memref<524288x16xf32, #tpu.memory_space<hbm>>
        tpu.enqueue_indirect_dma source(%dma_start3A_578 : memref<524288x16xf32, #tpu.memory_space<hbm>>) target(%dma_start3A_574 : memref<128x16xf32, #tpu.memory_space<vmem>>) offsets(%dma_start3A_575 : memref<128xi32, #tpu.memory_space<vmem>>) semaphore(%arg24 : memref<!tpu.dma_semaphore, #tpu.memory_space<semaphore_mem>>)
        %mul3A_579 = arith.constant 1024 : i32
        %mul3A_580 = arith.muli %scan3A_498, %mul3A_579 : i32
        %add3A_581 = arith.constant 2048 : i32
        %add3A_582 = arith.addi %add3A_581, %mul3A_580 : i32
        %add3A_583 = arith.constant 640 : i32
        %add3A_584 = arith.addi %add3A_582, %add3A_583 : i32
        %mul3A_585 = arith.constant 1024 : i32
        %mul3A_586 = arith.muli %scan3A_498, %mul3A_585 : i32
        %add3A_587 = arith.constant 640 : i32
        %add3A_588 = arith.addi %mul3A_586, %add3A_587 : i32
        %dma_start3A_589 = arith.constant 0 : i32
        %dma_start3A_590 = tpu.memref_slice %arg23[%add3A_588, %dma_start3A_589] : memref<2048x16xf32, #tpu.memory_space<vmem>> -> memref<128x16xf32, #tpu.memory_space<vmem>>
        %dma_start3A_591 = tpu.memref_slice %arg17[%add3A_584] : memref<4096xi32, #tpu.memory_space<vmem>> -> memref<128xi32, #tpu.memory_space<vmem>>
        %dma_start3A_592 = arith.constant 0 : i32
        %dma_start3A_593 = arith.constant 0 : i32
        %dma_start3A_594 = tpu.memref_slice %arg2[%dma_start3A_592, %dma_start3A_593] : memref<524288x16xf32, #tpu.memory_space<hbm>> -> memref<524288x16xf32, #tpu.memory_space<hbm>>
        tpu.enqueue_indirect_dma source(%dma_start3A_594 : memref<524288x16xf32, #tpu.memory_space<hbm>>) target(%dma_start3A_590 : memref<128x16xf32, #tpu.memory_space<vmem>>) offsets(%dma_start3A_591 : memref<128xi32, #tpu.memory_space<vmem>>) semaphore(%arg24 : memref<!tpu.dma_semaphore, #tpu.memory_space<semaphore_mem>>)
        %mul3A_595 = arith.constant 1024 : i32
        %mul3A_596 = arith.muli %scan3A_498, %mul3A_595 : i32
        %add3A_597 = arith.constant 2048 : i32
        %add3A_598 = arith.addi %add3A_597, %mul3A_596 : i32
        %add3A_599 = arith.constant 768 : i32
        %add3A_600 = arith.addi %add3A_598, %add3A_599 : i32
        %mul3A_601 = arith.constant 1024 : i32
        %mul3A_602 = arith.muli %scan3A_498, %mul3A_601 : i32
        %add3A_603 = arith.constant 768 : i32
        %add3A_604 = arith.addi %mul3A_602, %add3A_603 : i32
        %dma_start3A_605 = arith.constant 0 : i32
        %dma_start3A_606 = tpu.memref_slice %arg23[%add3A_604, %dma_start3A_605] : memref<2048x16xf32, #tpu.memory_space<vmem>> -> memref<128x16xf32, #tpu.memory_space<vmem>>
        %dma_start3A_607 = tpu.memref_slice %arg17[%add3A_600] : memref<4096xi32, #tpu.memory_space<vmem>> -> memref<128xi32, #tpu.memory_space<vmem>>
        %dma_start3A_608 = arith.constant 0 : i32
        %dma_start3A_609 = arith.constant 0 : i32
        %dma_start3A_610 = tpu.memref_slice %arg2[%dma_start3A_608, %dma_start3A_609] : memref<524288x16xf32, #tpu.memory_space<hbm>> -> memref<524288x16xf32, #tpu.memory_space<hbm>>
        tpu.enqueue_indirect_dma source(%dma_start3A_610 : memref<524288x16xf32, #tpu.memory_space<hbm>>) target(%dma_start3A_606 : memref<128x16xf32, #tpu.memory_space<vmem>>) offsets(%dma_start3A_607 : memref<128xi32, #tpu.memory_space<vmem>>) semaphore(%arg24 : memref<!tpu.dma_semaphore, #tpu.memory_space<semaphore_mem>>)
        %mul3A_611 = arith.constant 1024 : i32
        %mul3A_612 = arith.muli %scan3A_498, %mul3A_611 : i32
        %add3A_613 = arith.constant 2048 : i32
        %add3A_614 = arith.addi %add3A_613, %mul3A_612 : i32
        %add3A_615 = arith.constant 896 : i32
        %add3A_616 = arith.addi %add3A_614, %add3A_615 : i32
        %mul3A_617 = arith.constant 1024 : i32
        %mul3A_618 = arith.muli %scan3A_498, %mul3A_617 : i32
        %add3A_619 = arith.constant 896 : i32
        %add3A_620 = arith.addi %mul3A_618, %add3A_619 : i32
        %dma_start3A_621 = arith.constant 0 : i32
        %dma_start3A_622 = tpu.memref_slice %arg23[%add3A_620, %dma_start3A_621] : memref<2048x16xf32, #tpu.memory_space<vmem>> -> memref<128x16xf32, #tpu.memory_space<vmem>>
        %dma_start3A_623 = tpu.memref_slice %arg17[%add3A_616] : memref<4096xi32, #tpu.memory_space<vmem>> -> memref<128xi32, #tpu.memory_space<vmem>>
        %dma_start3A_624 = arith.constant 0 : i32
        %dma_start3A_625 = arith.constant 0 : i32
        %dma_start3A_626 = tpu.memref_slice %arg2[%dma_start3A_624, %dma_start3A_625] : memref<524288x16xf32, #tpu.memory_space<hbm>> -> memref<524288x16xf32, #tpu.memory_space<hbm>>
        tpu.enqueue_indirect_dma source(%dma_start3A_626 : memref<524288x16xf32, #tpu.memory_space<hbm>>) target(%dma_start3A_622 : memref<128x16xf32, #tpu.memory_space<vmem>>) offsets(%dma_start3A_623 : memref<128xi32, #tpu.memory_space<vmem>>) semaphore(%arg24 : memref<!tpu.dma_semaphore, #tpu.memory_space<semaphore_mem>>)
        %dma_wait3A_627 = arith.constant 0 : i32
        %dma_wait3A_628 = tpu.memref_slice %arg23[%add3A_508, %dma_wait3A_627] : memref<2048x16xf32, #tpu.memory_space<vmem>> -> memref<128x16xf32, #tpu.memory_space<vmem>>
        %dma_wait3A_629 = tpu.memref_slice %arg17[%add3A_504] : memref<4096xi32, #tpu.memory_space<vmem>> -> memref<128xi32, #tpu.memory_space<vmem>>
        %dma_wait3A_630 = arith.constant 0 : i32
        %dma_wait3A_631 = arith.constant 0 : i32
        %dma_wait3A_632 = tpu.memref_slice %arg2[%dma_wait3A_630, %dma_wait3A_631] : memref<524288x16xf32, #tpu.memory_space<hbm>> -> memref<524288x16xf32, #tpu.memory_space<hbm>>
        tpu.wait_indirect_dma semaphore(%arg24 : memref<!tpu.dma_semaphore, #tpu.memory_space<semaphore_mem>>) src(%dma_wait3A_632 : memref<524288x16xf32, #tpu.memory_space<hbm>>) dst(%dma_wait3A_628 : memref<128x16xf32, #tpu.memory_space<vmem>>)
        %dma_wait3A_633 = arith.constant 0 : i32
        %dma_wait3A_634 = tpu.memref_slice %arg23[%add3A_524, %dma_wait3A_633] : memref<2048x16xf32, #tpu.memory_space<vmem>> -> memref<128x16xf32, #tpu.memory_space<vmem>>
        %dma_wait3A_635 = tpu.memref_slice %arg17[%add3A_520] : memref<4096xi32, #tpu.memory_space<vmem>> -> memref<128xi32, #tpu.memory_space<vmem>>
        %dma_wait3A_636 = arith.constant 0 : i32
        %dma_wait3A_637 = arith.constant 0 : i32
        %dma_wait3A_638 = tpu.memref_slice %arg2[%dma_wait3A_636, %dma_wait3A_637] : memref<524288x16xf32, #tpu.memory_space<hbm>> -> memref<524288x16xf32, #tpu.memory_space<hbm>>
        tpu.wait_indirect_dma semaphore(%arg24 : memref<!tpu.dma_semaphore, #tpu.memory_space<semaphore_mem>>) src(%dma_wait3A_638 : memref<524288x16xf32, #tpu.memory_space<hbm>>) dst(%dma_wait3A_634 : memref<128x16xf32, #tpu.memory_space<vmem>>)
        %dma_wait3A_639 = arith.constant 0 : i32
        %dma_wait3A_640 = tpu.memref_slice %arg23[%add3A_540, %dma_wait3A_639] : memref<2048x16xf32, #tpu.memory_space<vmem>> -> memref<128x16xf32, #tpu.memory_space<vmem>>
        %dma_wait3A_641 = tpu.memref_slice %arg17[%add3A_536] : memref<4096xi32, #tpu.memory_space<vmem>> -> memref<128xi32, #tpu.memory_space<vmem>>
        %dma_wait3A_642 = arith.constant 0 : i32
        %dma_wait3A_643 = arith.constant 0 : i32
        %dma_wait3A_644 = tpu.memref_slice %arg2[%dma_wait3A_642, %dma_wait3A_643] : memref<524288x16xf32, #tpu.memory_space<hbm>> -> memref<524288x16xf32, #tpu.memory_space<hbm>>
        tpu.wait_indirect_dma semaphore(%arg24 : memref<!tpu.dma_semaphore, #tpu.memory_space<semaphore_mem>>) src(%dma_wait3A_644 : memref<524288x16xf32, #tpu.memory_space<hbm>>) dst(%dma_wait3A_640 : memref<128x16xf32, #tpu.memory_space<vmem>>)
        %dma_wait3A_645 = arith.constant 0 : i32
        %dma_wait3A_646 = tpu.memref_slice %arg23[%add3A_556, %dma_wait3A_645] : memref<2048x16xf32, #tpu.memory_space<vmem>> -> memref<128x16xf32, #tpu.memory_space<vmem>>
        %dma_wait3A_647 = tpu.memref_slice %arg17[%add3A_552] : memref<4096xi32, #tpu.memory_space<vmem>> -> memref<128xi32, #tpu.memory_space<vmem>>
        %dma_wait3A_648 = arith.constant 0 : i32
        %dma_wait3A_649 = arith.constant 0 : i32
        %dma_wait3A_650 = tpu.memref_slice %arg2[%dma_wait3A_648, %dma_wait3A_649] : memref<524288x16xf32, #tpu.memory_space<hbm>> -> memref<524288x16xf32, #tpu.memory_space<hbm>>
        tpu.wait_indirect_dma semaphore(%arg24 : memref<!tpu.dma_semaphore, #tpu.memory_space<semaphore_mem>>) src(%dma_wait3A_650 : memref<524288x16xf32, #tpu.memory_space<hbm>>) dst(%dma_wait3A_646 : memref<128x16xf32, #tpu.memory_space<vmem>>)
        %dma_wait3A_651 = arith.constant 0 : i32
        %dma_wait3A_652 = tpu.memref_slice %arg23[%add3A_572, %dma_wait3A_651] : memref<2048x16xf32, #tpu.memory_space<vmem>> -> memref<128x16xf32, #tpu.memory_space<vmem>>
        %dma_wait3A_653 = tpu.memref_slice %arg17[%add3A_568] : memref<4096xi32, #tpu.memory_space<vmem>> -> memref<128xi32, #tpu.memory_space<vmem>>
        %dma_wait3A_654 = arith.constant 0 : i32
        %dma_wait3A_655 = arith.constant 0 : i32
        %dma_wait3A_656 = tpu.memref_slice %arg2[%dma_wait3A_654, %dma_wait3A_655] : memref<524288x16xf32, #tpu.memory_space<hbm>> -> memref<524288x16xf32, #tpu.memory_space<hbm>>
        tpu.wait_indirect_dma semaphore(%arg24 : memref<!tpu.dma_semaphore, #tpu.memory_space<semaphore_mem>>) src(%dma_wait3A_656 : memref<524288x16xf32, #tpu.memory_space<hbm>>) dst(%dma_wait3A_652 : memref<128x16xf32, #tpu.memory_space<vmem>>)
        %dma_wait3A_657 = arith.constant 0 : i32
        %dma_wait3A_658 = tpu.memref_slice %arg23[%add3A_588, %dma_wait3A_657] : memref<2048x16xf32, #tpu.memory_space<vmem>> -> memref<128x16xf32, #tpu.memory_space<vmem>>
        %dma_wait3A_659 = tpu.memref_slice %arg17[%add3A_584] : memref<4096xi32, #tpu.memory_space<vmem>> -> memref<128xi32, #tpu.memory_space<vmem>>
        %dma_wait3A_660 = arith.constant 0 : i32
        %dma_wait3A_661 = arith.constant 0 : i32
        %dma_wait3A_662 = tpu.memref_slice %arg2[%dma_wait3A_660, %dma_wait3A_661] : memref<524288x16xf32, #tpu.memory_space<hbm>> -> memref<524288x16xf32, #tpu.memory_space<hbm>>
        tpu.wait_indirect_dma semaphore(%arg24 : memref<!tpu.dma_semaphore, #tpu.memory_space<semaphore_mem>>) src(%dma_wait3A_662 : memref<524288x16xf32, #tpu.memory_space<hbm>>) dst(%dma_wait3A_658 : memref<128x16xf32, #tpu.memory_space<vmem>>)
        %dma_wait3A_663 = arith.constant 0 : i32
        %dma_wait3A_664 = tpu.memref_slice %arg23[%add3A_604, %dma_wait3A_663] : memref<2048x16xf32, #tpu.memory_space<vmem>> -> memref<128x16xf32, #tpu.memory_space<vmem>>
        %dma_wait3A_665 = tpu.memref_slice %arg17[%add3A_600] : memref<4096xi32, #tpu.memory_space<vmem>> -> memref<128xi32, #tpu.memory_space<vmem>>
        %dma_wait3A_666 = arith.constant 0 : i32
        %dma_wait3A_667 = arith.constant 0 : i32
        %dma_wait3A_668 = tpu.memref_slice %arg2[%dma_wait3A_666, %dma_wait3A_667] : memref<524288x16xf32, #tpu.memory_space<hbm>> -> memref<524288x16xf32, #tpu.memory_space<hbm>>
        tpu.wait_indirect_dma semaphore(%arg24 : memref<!tpu.dma_semaphore, #tpu.memory_space<semaphore_mem>>) src(%dma_wait3A_668 : memref<524288x16xf32, #tpu.memory_space<hbm>>) dst(%dma_wait3A_664 : memref<128x16xf32, #tpu.memory_space<vmem>>)
        %dma_wait3A_669 = arith.constant 0 : i32
        %dma_wait3A_670 = tpu.memref_slice %arg23[%add3A_620, %dma_wait3A_669] : memref<2048x16xf32, #tpu.memory_space<vmem>> -> memref<128x16xf32, #tpu.memory_space<vmem>>
        %dma_wait3A_671 = tpu.memref_slice %arg17[%add3A_616] : memref<4096xi32, #tpu.memory_space<vmem>> -> memref<128xi32, #tpu.memory_space<vmem>>
        %dma_wait3A_672 = arith.constant 0 : i32
        %dma_wait3A_673 = arith.constant 0 : i32
        %dma_wait3A_674 = tpu.memref_slice %arg2[%dma_wait3A_672, %dma_wait3A_673] : memref<524288x16xf32, #tpu.memory_space<hbm>> -> memref<524288x16xf32, #tpu.memory_space<hbm>>
        tpu.wait_indirect_dma semaphore(%arg24 : memref<!tpu.dma_semaphore, #tpu.memory_space<semaphore_mem>>) src(%dma_wait3A_674 : memref<524288x16xf32, #tpu.memory_space<hbm>>) dst(%dma_wait3A_670 : memref<128x16xf32, #tpu.memory_space<vmem>>)
      }
      %scan3A_62 = arith.constant 2 : i32
      %mul3A_63 = arith.constant 4056 : i32
      %mul3A_64 = arith.muli %add3A_17, %mul3A_63 : i32
      %add3A_65 = arith.constant 2048 : i32
      %add3A_66 = arith.addi %mul3A_64, %add3A_65 : i32
      "tpu.region"() ({
        %run_scoped3A = tpu.sem_alloc : memref<!tpu.dma_semaphore, #tpu.memory_space<semaphore_mem>>
        %dma_start3A_498 = arith.constant 0 : i32
        %dma_start3A_499 = arith.constant 0 : i32
        %dma_start3A_500 = tpu.memref_slice %arg23[%dma_start3A_498, %dma_start3A_499] : memref<2048x16xf32, #tpu.memory_space<vmem>> -> memref<2008x16xf32, #tpu.memory_space<vmem>>
        %dma_start3A_501 = arith.constant 0 : i32
        %dma_start3A_502 = tpu.memref_slice %arg8[%add3A_66, %dma_start3A_501] : memref<519168x16xf32, #tpu.memory_space<hbm>> -> memref<2008x16xf32, #tpu.memory_space<hbm>>
        %dma_start3A_503 = arith.constant 0 : i32
        %dma_start3A_504 = tpu.memref_slice %arg8[%add3A_66, %dma_start3A_503] : memref<519168x16xf32, #tpu.memory_space<hbm>> -> memref<2008x16xf32, #tpu.memory_space<hbm>>
        %dma_start3A_505 = arith.constant 0 : i32
        %dma_start3A_506 = arith.constant 0 : i32
        %dma_start3A_507 = tpu.memref_slice %arg23[%dma_start3A_505, %dma_start3A_506] : memref<2048x16xf32, #tpu.memory_space<vmem>> -> memref<2008x16xf32, #tpu.memory_space<vmem>>
        tpu.enqueue_dma source(%dma_start3A_507 : memref<2008x16xf32, #tpu.memory_space<vmem>>) target(%dma_start3A_504 : memref<2008x16xf32, #tpu.memory_space<hbm>>) target_semaphore(%run_scoped3A : memref<!tpu.dma_semaphore, #tpu.memory_space<semaphore_mem>>)
        %dma_wait3A_508 = arith.constant 0 : i32
        %dma_wait3A_509 = arith.constant 0 : i32
        %dma_wait3A_510 = tpu.memref_slice %arg23[%dma_wait3A_508, %dma_wait3A_509] : memref<2048x16xf32, #tpu.memory_space<vmem>> -> memref<2008x16xf32, #tpu.memory_space<vmem>>
        %dma_wait3A_511 = arith.constant 0 : i32
        %dma_wait3A_512 = tpu.memref_slice %arg8[%add3A_66, %dma_wait3A_511] : memref<519168x16xf32, #tpu.memory_space<hbm>> -> memref<2008x16xf32, #tpu.memory_space<hbm>>
        %dma_wait3A_513 = arith.constant 0 : i32
        %dma_wait3A_514 = tpu.memref_slice %arg8[%add3A_66, %dma_wait3A_513] : memref<519168x16xf32, #tpu.memory_space<hbm>> -> memref<2008x16xf32, #tpu.memory_space<hbm>>
        %dma_wait3A_515 = arith.constant 0 : i32
        %dma_wait3A_516 = arith.constant 0 : i32
        %dma_wait3A_517 = tpu.memref_slice %arg23[%dma_wait3A_515, %dma_wait3A_516] : memref<2048x16xf32, #tpu.memory_space<vmem>> -> memref<2008x16xf32, #tpu.memory_space<vmem>>
        tpu.wait_dma2 semaphore(%run_scoped3A : memref<!tpu.dma_semaphore, #tpu.memory_space<semaphore_mem>>) src(%dma_wait3A_517 : memref<2008x16xf32, #tpu.memory_space<vmem>>) dst(%dma_wait3A_514 : memref<2008x16xf32, #tpu.memory_space<hbm>>)
        tpu.yield
      }) : () -> ()
      %scan3A_67 = arith.constant 0 : i32
      %scan3A_68 = arith.constant 0 : i32
      %scan3A_69 = arith.constant 2 : i32
      %scan3A_70 = arith.addi %scan3A_68, %scan3A_69 : i32
      %scan3A_71 = arith.constant 1 : i32
      scf.for %scan3A_498 = %scan3A_68 to %scan3A_70 step %scan3A_71  : i32 {
        %mul3A_499 = arith.constant 1024 : i32
        %mul3A_500 = arith.muli %scan3A_498, %mul3A_499 : i32
        %add3A_501 = arith.constant 0 : i32
        %add3A_502 = arith.addi %add3A_501, %mul3A_500 : i32
        %add3A_503 = arith.constant 0 : i32
        %add3A_504 = arith.addi %add3A_502, %add3A_503 : i32
        %mul3A_505 = arith.constant 1024 : i32
        %mul3A_506 = arith.muli %scan3A_498, %mul3A_505 : i32
        %add3A_507 = arith.constant 0 : i32
        %add3A_508 = arith.addi %mul3A_506, %add3A_507 : i32
        %dma_start3A_509 = arith.constant 0 : i32
        %dma_start3A_510 = tpu.memref_slice %arg23[%add3A_508, %dma_start3A_509] : memref<2048x16xf32, #tpu.memory_space<vmem>> -> memref<128x16xf32, #tpu.memory_space<vmem>>
        %dma_start3A_511 = tpu.memref_slice %arg16[%add3A_504] : memref<4096xi32, #tpu.memory_space<vmem>> -> memref<128xi32, #tpu.memory_space<vmem>>
        %dma_start3A_512 = arith.constant 0 : i32
        %dma_start3A_513 = arith.constant 0 : i32
        %dma_start3A_514 = tpu.memref_slice %arg3[%dma_start3A_512, %dma_start3A_513] : memref<4096x16xf32, #tpu.memory_space<hbm>> -> memref<4096x16xf32, #tpu.memory_space<hbm>>
        tpu.enqueue_indirect_dma source(%dma_start3A_514 : memref<4096x16xf32, #tpu.memory_space<hbm>>) target(%dma_start3A_510 : memref<128x16xf32, #tpu.memory_space<vmem>>) offsets(%dma_start3A_511 : memref<128xi32, #tpu.memory_space<vmem>>) semaphore(%arg24 : memref<!tpu.dma_semaphore, #tpu.memory_space<semaphore_mem>>)
        %mul3A_515 = arith.constant 1024 : i32
        %mul3A_516 = arith.muli %scan3A_498, %mul3A_515 : i32
        %add3A_517 = arith.constant 0 : i32
        %add3A_518 = arith.addi %add3A_517, %mul3A_516 : i32
        %add3A_519 = arith.constant 128 : i32
        %add3A_520 = arith.addi %add3A_518, %add3A_519 : i32
        %mul3A_521 = arith.constant 1024 : i32
        %mul3A_522 = arith.muli %scan3A_498, %mul3A_521 : i32
        %add3A_523 = arith.constant 128 : i32
        %add3A_524 = arith.addi %mul3A_522, %add3A_523 : i32
        %dma_start3A_525 = arith.constant 0 : i32
        %dma_start3A_526 = tpu.memref_slice %arg23[%add3A_524, %dma_start3A_525] : memref<2048x16xf32, #tpu.memory_space<vmem>> -> memref<128x16xf32, #tpu.memory_space<vmem>>
        %dma_start3A_527 = tpu.memref_slice %arg16[%add3A_520] : memref<4096xi32, #tpu.memory_space<vmem>> -> memref<128xi32, #tpu.memory_space<vmem>>
        %dma_start3A_528 = arith.constant 0 : i32
        %dma_start3A_529 = arith.constant 0 : i32
        %dma_start3A_530 = tpu.memref_slice %arg3[%dma_start3A_528, %dma_start3A_529] : memref<4096x16xf32, #tpu.memory_space<hbm>> -> memref<4096x16xf32, #tpu.memory_space<hbm>>
        tpu.enqueue_indirect_dma source(%dma_start3A_530 : memref<4096x16xf32, #tpu.memory_space<hbm>>) target(%dma_start3A_526 : memref<128x16xf32, #tpu.memory_space<vmem>>) offsets(%dma_start3A_527 : memref<128xi32, #tpu.memory_space<vmem>>) semaphore(%arg24 : memref<!tpu.dma_semaphore, #tpu.memory_space<semaphore_mem>>)
        %mul3A_531 = arith.constant 1024 : i32
        %mul3A_532 = arith.muli %scan3A_498, %mul3A_531 : i32
        %add3A_533 = arith.constant 0 : i32
        %add3A_534 = arith.addi %add3A_533, %mul3A_532 : i32
        %add3A_535 = arith.constant 256 : i32
        %add3A_536 = arith.addi %add3A_534, %add3A_535 : i32
        %mul3A_537 = arith.constant 1024 : i32
        %mul3A_538 = arith.muli %scan3A_498, %mul3A_537 : i32
        %add3A_539 = arith.constant 256 : i32
        %add3A_540 = arith.addi %mul3A_538, %add3A_539 : i32
        %dma_start3A_541 = arith.constant 0 : i32
        %dma_start3A_542 = tpu.memref_slice %arg23[%add3A_540, %dma_start3A_541] : memref<2048x16xf32, #tpu.memory_space<vmem>> -> memref<128x16xf32, #tpu.memory_space<vmem>>
        %dma_start3A_543 = tpu.memref_slice %arg16[%add3A_536] : memref<4096xi32, #tpu.memory_space<vmem>> -> memref<128xi32, #tpu.memory_space<vmem>>
        %dma_start3A_544 = arith.constant 0 : i32
        %dma_start3A_545 = arith.constant 0 : i32
        %dma_start3A_546 = tpu.memref_slice %arg3[%dma_start3A_544, %dma_start3A_545] : memref<4096x16xf32, #tpu.memory_space<hbm>> -> memref<4096x16xf32, #tpu.memory_space<hbm>>
        tpu.enqueue_indirect_dma source(%dma_start3A_546 : memref<4096x16xf32, #tpu.memory_space<hbm>>) target(%dma_start3A_542 : memref<128x16xf32, #tpu.memory_space<vmem>>) offsets(%dma_start3A_543 : memref<128xi32, #tpu.memory_space<vmem>>) semaphore(%arg24 : memref<!tpu.dma_semaphore, #tpu.memory_space<semaphore_mem>>)
        %mul3A_547 = arith.constant 1024 : i32
        %mul3A_548 = arith.muli %scan3A_498, %mul3A_547 : i32
        %add3A_549 = arith.constant 0 : i32
        %add3A_550 = arith.addi %add3A_549, %mul3A_548 : i32
        %add3A_551 = arith.constant 384 : i32
        %add3A_552 = arith.addi %add3A_550, %add3A_551 : i32
        %mul3A_553 = arith.constant 1024 : i32
        %mul3A_554 = arith.muli %scan3A_498, %mul3A_553 : i32
        %add3A_555 = arith.constant 384 : i32
        %add3A_556 = arith.addi %mul3A_554, %add3A_555 : i32
        %dma_start3A_557 = arith.constant 0 : i32
        %dma_start3A_558 = tpu.memref_slice %arg23[%add3A_556, %dma_start3A_557] : memref<2048x16xf32, #tpu.memory_space<vmem>> -> memref<128x16xf32, #tpu.memory_space<vmem>>
        %dma_start3A_559 = tpu.memref_slice %arg16[%add3A_552] : memref<4096xi32, #tpu.memory_space<vmem>> -> memref<128xi32, #tpu.memory_space<vmem>>
        %dma_start3A_560 = arith.constant 0 : i32
        %dma_start3A_561 = arith.constant 0 : i32
        %dma_start3A_562 = tpu.memref_slice %arg3[%dma_start3A_560, %dma_start3A_561] : memref<4096x16xf32, #tpu.memory_space<hbm>> -> memref<4096x16xf32, #tpu.memory_space<hbm>>
        tpu.enqueue_indirect_dma source(%dma_start3A_562 : memref<4096x16xf32, #tpu.memory_space<hbm>>) target(%dma_start3A_558 : memref<128x16xf32, #tpu.memory_space<vmem>>) offsets(%dma_start3A_559 : memref<128xi32, #tpu.memory_space<vmem>>) semaphore(%arg24 : memref<!tpu.dma_semaphore, #tpu.memory_space<semaphore_mem>>)
        %mul3A_563 = arith.constant 1024 : i32
        %mul3A_564 = arith.muli %scan3A_498, %mul3A_563 : i32
        %add3A_565 = arith.constant 0 : i32
        %add3A_566 = arith.addi %add3A_565, %mul3A_564 : i32
        %add3A_567 = arith.constant 512 : i32
        %add3A_568 = arith.addi %add3A_566, %add3A_567 : i32
        %mul3A_569 = arith.constant 1024 : i32
        %mul3A_570 = arith.muli %scan3A_498, %mul3A_569 : i32
        %add3A_571 = arith.constant 512 : i32
        %add3A_572 = arith.addi %mul3A_570, %add3A_571 : i32
        %dma_start3A_573 = arith.constant 0 : i32
        %dma_start3A_574 = tpu.memref_slice %arg23[%add3A_572, %dma_start3A_573] : memref<2048x16xf32, #tpu.memory_space<vmem>> -> memref<128x16xf32, #tpu.memory_space<vmem>>
        %dma_start3A_575 = tpu.memref_slice %arg16[%add3A_568] : memref<4096xi32, #tpu.memory_space<vmem>> -> memref<128xi32, #tpu.memory_space<vmem>>
        %dma_start3A_576 = arith.constant 0 : i32
        %dma_start3A_577 = arith.constant 0 : i32
        %dma_start3A_578 = tpu.memref_slice %arg3[%dma_start3A_576, %dma_start3A_577] : memref<4096x16xf32, #tpu.memory_space<hbm>> -> memref<4096x16xf32, #tpu.memory_space<hbm>>
        tpu.enqueue_indirect_dma source(%dma_start3A_578 : memref<4096x16xf32, #tpu.memory_space<hbm>>) target(%dma_start3A_574 : memref<128x16xf32, #tpu.memory_space<vmem>>) offsets(%dma_start3A_575 : memref<128xi32, #tpu.memory_space<vmem>>) semaphore(%arg24 : memref<!tpu.dma_semaphore, #tpu.memory_space<semaphore_mem>>)
        %mul3A_579 = arith.constant 1024 : i32
        %mul3A_580 = arith.muli %scan3A_498, %mul3A_579 : i32
        %add3A_581 = arith.constant 0 : i32
        %add3A_582 = arith.addi %add3A_581, %mul3A_580 : i32
        %add3A_583 = arith.constant 640 : i32
        %add3A_584 = arith.addi %add3A_582, %add3A_583 : i32
        %mul3A_585 = arith.constant 1024 : i32
        %mul3A_586 = arith.muli %scan3A_498, %mul3A_585 : i32
        %add3A_587 = arith.constant 640 : i32
        %add3A_588 = arith.addi %mul3A_586, %add3A_587 : i32
        %dma_start3A_589 = arith.constant 0 : i32
        %dma_start3A_590 = tpu.memref_slice %arg23[%add3A_588, %dma_start3A_589] : memref<2048x16xf32, #tpu.memory_space<vmem>> -> memref<128x16xf32, #tpu.memory_space<vmem>>
        %dma_start3A_591 = tpu.memref_slice %arg16[%add3A_584] : memref<4096xi32, #tpu.memory_space<vmem>> -> memref<128xi32, #tpu.memory_space<vmem>>
        %dma_start3A_592 = arith.constant 0 : i32
        %dma_start3A_593 = arith.constant 0 : i32
        %dma_start3A_594 = tpu.memref_slice %arg3[%dma_start3A_592, %dma_start3A_593] : memref<4096x16xf32, #tpu.memory_space<hbm>> -> memref<4096x16xf32, #tpu.memory_space<hbm>>
        tpu.enqueue_indirect_dma source(%dma_start3A_594 : memref<4096x16xf32, #tpu.memory_space<hbm>>) target(%dma_start3A_590 : memref<128x16xf32, #tpu.memory_space<vmem>>) offsets(%dma_start3A_591 : memref<128xi32, #tpu.memory_space<vmem>>) semaphore(%arg24 : memref<!tpu.dma_semaphore, #tpu.memory_space<semaphore_mem>>)
        %mul3A_595 = arith.constant 1024 : i32
        %mul3A_596 = arith.muli %scan3A_498, %mul3A_595 : i32
        %add3A_597 = arith.constant 0 : i32
        %add3A_598 = arith.addi %add3A_597, %mul3A_596 : i32
        %add3A_599 = arith.constant 768 : i32
        %add3A_600 = arith.addi %add3A_598, %add3A_599 : i32
        %mul3A_601 = arith.constant 1024 : i32
        %mul3A_602 = arith.muli %scan3A_498, %mul3A_601 : i32
        %add3A_603 = arith.constant 768 : i32
        %add3A_604 = arith.addi %mul3A_602, %add3A_603 : i32
        %dma_start3A_605 = arith.constant 0 : i32
        %dma_start3A_606 = tpu.memref_slice %arg23[%add3A_604, %dma_start3A_605] : memref<2048x16xf32, #tpu.memory_space<vmem>> -> memref<128x16xf32, #tpu.memory_space<vmem>>
        %dma_start3A_607 = tpu.memref_slice %arg16[%add3A_600] : memref<4096xi32, #tpu.memory_space<vmem>> -> memref<128xi32, #tpu.memory_space<vmem>>
        %dma_start3A_608 = arith.constant 0 : i32
        %dma_start3A_609 = arith.constant 0 : i32
        %dma_start3A_610 = tpu.memref_slice %arg3[%dma_start3A_608, %dma_start3A_609] : memref<4096x16xf32, #tpu.memory_space<hbm>> -> memref<4096x16xf32, #tpu.memory_space<hbm>>
        tpu.enqueue_indirect_dma source(%dma_start3A_610 : memref<4096x16xf32, #tpu.memory_space<hbm>>) target(%dma_start3A_606 : memref<128x16xf32, #tpu.memory_space<vmem>>) offsets(%dma_start3A_607 : memref<128xi32, #tpu.memory_space<vmem>>) semaphore(%arg24 : memref<!tpu.dma_semaphore, #tpu.memory_space<semaphore_mem>>)
        %mul3A_611 = arith.constant 1024 : i32
        %mul3A_612 = arith.muli %scan3A_498, %mul3A_611 : i32
        %add3A_613 = arith.constant 0 : i32
        %add3A_614 = arith.addi %add3A_613, %mul3A_612 : i32
        %add3A_615 = arith.constant 896 : i32
        %add3A_616 = arith.addi %add3A_614, %add3A_615 : i32
        %mul3A_617 = arith.constant 1024 : i32
        %mul3A_618 = arith.muli %scan3A_498, %mul3A_617 : i32
        %add3A_619 = arith.constant 896 : i32
        %add3A_620 = arith.addi %mul3A_618, %add3A_619 : i32
        %dma_start3A_621 = arith.constant 0 : i32
        %dma_start3A_622 = tpu.memref_slice %arg23[%add3A_620, %dma_start3A_621] : memref<2048x16xf32, #tpu.memory_space<vmem>> -> memref<128x16xf32, #tpu.memory_space<vmem>>
        %dma_start3A_623 = tpu.memref_slice %arg16[%add3A_616] : memref<4096xi32, #tpu.memory_space<vmem>> -> memref<128xi32, #tpu.memory_space<vmem>>
        %dma_start3A_624 = arith.constant 0 : i32
        %dma_start3A_625 = arith.constant 0 : i32
        %dma_start3A_626 = tpu.memref_slice %arg3[%dma_start3A_624, %dma_start3A_625] : memref<4096x16xf32, #tpu.memory_space<hbm>> -> memref<4096x16xf32, #tpu.memory_space<hbm>>
        tpu.enqueue_indirect_dma source(%dma_start3A_626 : memref<4096x16xf32, #tpu.memory_space<hbm>>) target(%dma_start3A_622 : memref<128x16xf32, #tpu.memory_space<vmem>>) offsets(%dma_start3A_623 : memref<128xi32, #tpu.memory_space<vmem>>) semaphore(%arg24 : memref<!tpu.dma_semaphore, #tpu.memory_space<semaphore_mem>>)
        %dma_wait3A_627 = arith.constant 0 : i32
        %dma_wait3A_628 = tpu.memref_slice %arg23[%add3A_508, %dma_wait3A_627] : memref<2048x16xf32, #tpu.memory_space<vmem>> -> memref<128x16xf32, #tpu.memory_space<vmem>>
        %dma_wait3A_629 = tpu.memref_slice %arg16[%add3A_504] : memref<4096xi32, #tpu.memory_space<vmem>> -> memref<128xi32, #tpu.memory_space<vmem>>
        %dma_wait3A_630 = arith.constant 0 : i32
        %dma_wait3A_631 = arith.constant 0 : i32
        %dma_wait3A_632 = tpu.memref_slice %arg3[%dma_wait3A_630, %dma_wait3A_631] : memref<4096x16xf32, #tpu.memory_space<hbm>> -> memref<4096x16xf32, #tpu.memory_space<hbm>>
        tpu.wait_indirect_dma semaphore(%arg24 : memref<!tpu.dma_semaphore, #tpu.memory_space<semaphore_mem>>) src(%dma_wait3A_632 : memref<4096x16xf32, #tpu.memory_space<hbm>>) dst(%dma_wait3A_628 : memref<128x16xf32, #tpu.memory_space<vmem>>)
        %dma_wait3A_633 = arith.constant 0 : i32
        %dma_wait3A_634 = tpu.memref_slice %arg23[%add3A_524, %dma_wait3A_633] : memref<2048x16xf32, #tpu.memory_space<vmem>> -> memref<128x16xf32, #tpu.memory_space<vmem>>
        %dma_wait3A_635 = tpu.memref_slice %arg16[%add3A_520] : memref<4096xi32, #tpu.memory_space<vmem>> -> memref<128xi32, #tpu.memory_space<vmem>>
        %dma_wait3A_636 = arith.constant 0 : i32
        %dma_wait3A_637 = arith.constant 0 : i32
        %dma_wait3A_638 = tpu.memref_slice %arg3[%dma_wait3A_636, %dma_wait3A_637] : memref<4096x16xf32, #tpu.memory_space<hbm>> -> memref<4096x16xf32, #tpu.memory_space<hbm>>
        tpu.wait_indirect_dma semaphore(%arg24 : memref<!tpu.dma_semaphore, #tpu.memory_space<semaphore_mem>>) src(%dma_wait3A_638 : memref<4096x16xf32, #tpu.memory_space<hbm>>) dst(%dma_wait3A_634 : memref<128x16xf32, #tpu.memory_space<vmem>>)
        %dma_wait3A_639 = arith.constant 0 : i32
        %dma_wait3A_640 = tpu.memref_slice %arg23[%add3A_540, %dma_wait3A_639] : memref<2048x16xf32, #tpu.memory_space<vmem>> -> memref<128x16xf32, #tpu.memory_space<vmem>>
        %dma_wait3A_641 = tpu.memref_slice %arg16[%add3A_536] : memref<4096xi32, #tpu.memory_space<vmem>> -> memref<128xi32, #tpu.memory_space<vmem>>
        %dma_wait3A_642 = arith.constant 0 : i32
        %dma_wait3A_643 = arith.constant 0 : i32
        %dma_wait3A_644 = tpu.memref_slice %arg3[%dma_wait3A_642, %dma_wait3A_643] : memref<4096x16xf32, #tpu.memory_space<hbm>> -> memref<4096x16xf32, #tpu.memory_space<hbm>>
        tpu.wait_indirect_dma semaphore(%arg24 : memref<!tpu.dma_semaphore, #tpu.memory_space<semaphore_mem>>) src(%dma_wait3A_644 : memref<4096x16xf32, #tpu.memory_space<hbm>>) dst(%dma_wait3A_640 : memref<128x16xf32, #tpu.memory_space<vmem>>)
        %dma_wait3A_645 = arith.constant 0 : i32
        %dma_wait3A_646 = tpu.memref_slice %arg23[%add3A_556, %dma_wait3A_645] : memref<2048x16xf32, #tpu.memory_space<vmem>> -> memref<128x16xf32, #tpu.memory_space<vmem>>
        %dma_wait3A_647 = tpu.memref_slice %arg16[%add3A_552] : memref<4096xi32, #tpu.memory_space<vmem>> -> memref<128xi32, #tpu.memory_space<vmem>>
        %dma_wait3A_648 = arith.constant 0 : i32
        %dma_wait3A_649 = arith.constant 0 : i32
        %dma_wait3A_650 = tpu.memref_slice %arg3[%dma_wait3A_648, %dma_wait3A_649] : memref<4096x16xf32, #tpu.memory_space<hbm>> -> memref<4096x16xf32, #tpu.memory_space<hbm>>
        tpu.wait_indirect_dma semaphore(%arg24 : memref<!tpu.dma_semaphore, #tpu.memory_space<semaphore_mem>>) src(%dma_wait3A_650 : memref<4096x16xf32, #tpu.memory_space<hbm>>) dst(%dma_wait3A_646 : memref<128x16xf32, #tpu.memory_space<vmem>>)
        %dma_wait3A_651 = arith.constant 0 : i32
        %dma_wait3A_652 = tpu.memref_slice %arg23[%add3A_572, %dma_wait3A_651] : memref<2048x16xf32, #tpu.memory_space<vmem>> -> memref<128x16xf32, #tpu.memory_space<vmem>>
        %dma_wait3A_653 = tpu.memref_slice %arg16[%add3A_568] : memref<4096xi32, #tpu.memory_space<vmem>> -> memref<128xi32, #tpu.memory_space<vmem>>
        %dma_wait3A_654 = arith.constant 0 : i32
        %dma_wait3A_655 = arith.constant 0 : i32
        %dma_wait3A_656 = tpu.memref_slice %arg3[%dma_wait3A_654, %dma_wait3A_655] : memref<4096x16xf32, #tpu.memory_space<hbm>> -> memref<4096x16xf32, #tpu.memory_space<hbm>>
        tpu.wait_indirect_dma semaphore(%arg24 : memref<!tpu.dma_semaphore, #tpu.memory_space<semaphore_mem>>) src(%dma_wait3A_656 : memref<4096x16xf32, #tpu.memory_space<hbm>>) dst(%dma_wait3A_652 : memref<128x16xf32, #tpu.memory_space<vmem>>)
        %dma_wait3A_657 = arith.constant 0 : i32
        %dma_wait3A_658 = tpu.memref_slice %arg23[%add3A_588, %dma_wait3A_657] : memref<2048x16xf32, #tpu.memory_space<vmem>> -> memref<128x16xf32, #tpu.memory_space<vmem>>
        %dma_wait3A_659 = tpu.memref_slice %arg16[%add3A_584] : memref<4096xi32, #tpu.memory_space<vmem>> -> memref<128xi32, #tpu.memory_space<vmem>>
        %dma_wait3A_660 = arith.constant 0 : i32
        %dma_wait3A_661 = arith.constant 0 : i32
        %dma_wait3A_662 = tpu.memref_slice %arg3[%dma_wait3A_660, %dma_wait3A_661] : memref<4096x16xf32, #tpu.memory_space<hbm>> -> memref<4096x16xf32, #tpu.memory_space<hbm>>
        tpu.wait_indirect_dma semaphore(%arg24 : memref<!tpu.dma_semaphore, #tpu.memory_space<semaphore_mem>>) src(%dma_wait3A_662 : memref<4096x16xf32, #tpu.memory_space<hbm>>) dst(%dma_wait3A_658 : memref<128x16xf32, #tpu.memory_space<vmem>>)
        %dma_wait3A_663 = arith.constant 0 : i32
        %dma_wait3A_664 = tpu.memref_slice %arg23[%add3A_604, %dma_wait3A_663] : memref<2048x16xf32, #tpu.memory_space<vmem>> -> memref<128x16xf32, #tpu.memory_space<vmem>>
        %dma_wait3A_665 = tpu.memref_slice %arg16[%add3A_600] : memref<4096xi32, #tpu.memory_space<vmem>> -> memref<128xi32, #tpu.memory_space<vmem>>
        %dma_wait3A_666 = arith.constant 0 : i32
        %dma_wait3A_667 = arith.constant 0 : i32
        %dma_wait3A_668 = tpu.memref_slice %arg3[%dma_wait3A_666, %dma_wait3A_667] : memref<4096x16xf32, #tpu.memory_space<hbm>> -> memref<4096x16xf32, #tpu.memory_space<hbm>>
        tpu.wait_indirect_dma semaphore(%arg24 : memref<!tpu.dma_semaphore, #tpu.memory_space<semaphore_mem>>) src(%dma_wait3A_668 : memref<4096x16xf32, #tpu.memory_space<hbm>>) dst(%dma_wait3A_664 : memref<128x16xf32, #tpu.memory_space<vmem>>)
        %dma_wait3A_669 = arith.constant 0 : i32
        %dma_wait3A_670 = tpu.memref_slice %arg23[%add3A_620, %dma_wait3A_669] : memref<2048x16xf32, #tpu.memory_space<vmem>> -> memref<128x16xf32, #tpu.memory_space<vmem>>
        %dma_wait3A_671 = tpu.memref_slice %arg16[%add3A_616] : memref<4096xi32, #tpu.memory_space<vmem>> -> memref<128xi32, #tpu.memory_space<vmem>>
        %dma_wait3A_672 = arith.constant 0 : i32
        %dma_wait3A_673 = arith.constant 0 : i32
        %dma_wait3A_674 = tpu.memref_slice %arg3[%dma_wait3A_672, %dma_wait3A_673] : memref<4096x16xf32, #tpu.memory_space<hbm>> -> memref<4096x16xf32, #tpu.memory_space<hbm>>
        tpu.wait_indirect_dma semaphore(%arg24 : memref<!tpu.dma_semaphore, #tpu.memory_space<semaphore_mem>>) src(%dma_wait3A_674 : memref<4096x16xf32, #tpu.memory_space<hbm>>) dst(%dma_wait3A_670 : memref<128x16xf32, #tpu.memory_space<vmem>>)
      }
      %scan3A_72 = arith.constant 2 : i32
      %mul3A_73 = arith.constant 4056 : i32
      %mul3A_74 = arith.muli %add3A_17, %mul3A_73 : i32
      %add3A_75 = arith.constant 0 : i32
      %add3A_76 = arith.addi %mul3A_74, %add3A_75 : i32
      "tpu.region"() ({
        %run_scoped3A = tpu.sem_alloc : memref<!tpu.dma_semaphore, #tpu.memory_space<semaphore_mem>>
        %dma_start3A_498 = arith.constant 0 : i32
        %dma_start3A_499 = arith.constant 0 : i32
        %dma_start3A_500 = tpu.memref_slice %arg23[%dma_start3A_498, %dma_start3A_499] : memref<2048x16xf32, #tpu.memory_space<vmem>> -> memref<2048x16xf32, #tpu.memory_space<vmem>>
        %dma_start3A_501 = arith.constant 0 : i32
        %dma_start3A_502 = tpu.memref_slice %arg10[%add3A_76, %dma_start3A_501] : memref<519168x16xf32, #tpu.memory_space<hbm>> -> memref<2048x16xf32, #tpu.memory_space<hbm>>
        %dma_start3A_503 = arith.constant 0 : i32
        %dma_start3A_504 = tpu.memref_slice %arg10[%add3A_76, %dma_start3A_503] : memref<519168x16xf32, #tpu.memory_space<hbm>> -> memref<2048x16xf32, #tpu.memory_space<hbm>>
        %dma_start3A_505 = arith.constant 0 : i32
        %dma_start3A_506 = arith.constant 0 : i32
        %dma_start3A_507 = tpu.memref_slice %arg23[%dma_start3A_505, %dma_start3A_506] : memref<2048x16xf32, #tpu.memory_space<vmem>> -> memref<2048x16xf32, #tpu.memory_space<vmem>>
        tpu.enqueue_dma source(%dma_start3A_507 : memref<2048x16xf32, #tpu.memory_space<vmem>>) target(%dma_start3A_504 : memref<2048x16xf32, #tpu.memory_space<hbm>>) target_semaphore(%run_scoped3A : memref<!tpu.dma_semaphore, #tpu.memory_space<semaphore_mem>>)
        %dma_wait3A_508 = arith.constant 0 : i32
        %dma_wait3A_509 = arith.constant 0 : i32
        %dma_wait3A_510 = tpu.memref_slice %arg23[%dma_wait3A_508, %dma_wait3A_509] : memref<2048x16xf32, #tpu.memory_space<vmem>> -> memref<2048x16xf32, #tpu.memory_space<vmem>>
        %dma_wait3A_511 = arith.constant 0 : i32
        %dma_wait3A_512 = tpu.memref_slice %arg10[%add3A_76, %dma_wait3A_511] : memref<519168x16xf32, #tpu.memory_space<hbm>> -> memref<2048x16xf32, #tpu.memory_space<hbm>>
        %dma_wait3A_513 = arith.constant 0 : i32
        %dma_wait3A_514 = tpu.memref_slice %arg10[%add3A_76, %dma_wait3A_513] : memref<519168x16xf32, #tpu.memory_space<hbm>> -> memref<2048x16xf32, #tpu.memory_space<hbm>>
        %dma_wait3A_515 = arith.constant 0 : i32
        %dma_wait3A_516 = arith.constant 0 : i32
        %dma_wait3A_517 = tpu.memref_slice %arg23[%dma_wait3A_515, %dma_wait3A_516] : memref<2048x16xf32, #tpu.memory_space<vmem>> -> memref<2048x16xf32, #tpu.memory_space<vmem>>
        tpu.wait_dma2 semaphore(%run_scoped3A : memref<!tpu.dma_semaphore, #tpu.memory_space<semaphore_mem>>) src(%dma_wait3A_517 : memref<2048x16xf32, #tpu.memory_space<vmem>>) dst(%dma_wait3A_514 : memref<2048x16xf32, #tpu.memory_space<hbm>>)
        tpu.yield
      }) : () -> ()
      %scan3A_77 = arith.constant 0 : i32
      %scan3A_78 = arith.constant 0 : i32
      %scan3A_79 = arith.constant 2 : i32
      %scan3A_80 = arith.addi %scan3A_78, %scan3A_79 : i32
      %scan3A_81 = arith.constant 1 : i32
      scf.for %scan3A_498 = %scan3A_78 to %scan3A_80 step %scan3A_81  : i32 {
        %mul3A_499 = arith.constant 1024 : i32
        %mul3A_500 = arith.muli %scan3A_498, %mul3A_499 : i32
        %add3A_501 = arith.constant 2048 : i32
        %add3A_502 = arith.addi %add3A_501, %mul3A_500 : i32
        %add3A_503 = arith.constant 0 : i32
        %add3A_504 = arith.addi %add3A_502, %add3A_503 : i32
        %mul3A_505 = arith.constant 1024 : i32
        %mul3A_506 = arith.muli %scan3A_498, %mul3A_505 : i32
        %add3A_507 = arith.constant 0 : i32
        %add3A_508 = arith.addi %mul3A_506, %add3A_507 : i32
        %dma_start3A_509 = arith.constant 0 : i32
        %dma_start3A_510 = tpu.memref_slice %arg23[%add3A_508, %dma_start3A_509] : memref<2048x16xf32, #tpu.memory_space<vmem>> -> memref<128x16xf32, #tpu.memory_space<vmem>>
        %dma_start3A_511 = tpu.memref_slice %arg16[%add3A_504] : memref<4096xi32, #tpu.memory_space<vmem>> -> memref<128xi32, #tpu.memory_space<vmem>>
        %dma_start3A_512 = arith.constant 0 : i32
        %dma_start3A_513 = arith.constant 0 : i32
        %dma_start3A_514 = tpu.memref_slice %arg3[%dma_start3A_512, %dma_start3A_513] : memref<4096x16xf32, #tpu.memory_space<hbm>> -> memref<4096x16xf32, #tpu.memory_space<hbm>>
        tpu.enqueue_indirect_dma source(%dma_start3A_514 : memref<4096x16xf32, #tpu.memory_space<hbm>>) target(%dma_start3A_510 : memref<128x16xf32, #tpu.memory_space<vmem>>) offsets(%dma_start3A_511 : memref<128xi32, #tpu.memory_space<vmem>>) semaphore(%arg24 : memref<!tpu.dma_semaphore, #tpu.memory_space<semaphore_mem>>)
        %mul3A_515 = arith.constant 1024 : i32
        %mul3A_516 = arith.muli %scan3A_498, %mul3A_515 : i32
        %add3A_517 = arith.constant 2048 : i32
        %add3A_518 = arith.addi %add3A_517, %mul3A_516 : i32
        %add3A_519 = arith.constant 128 : i32
        %add3A_520 = arith.addi %add3A_518, %add3A_519 : i32
        %mul3A_521 = arith.constant 1024 : i32
        %mul3A_522 = arith.muli %scan3A_498, %mul3A_521 : i32
        %add3A_523 = arith.constant 128 : i32
        %add3A_524 = arith.addi %mul3A_522, %add3A_523 : i32
        %dma_start3A_525 = arith.constant 0 : i32
        %dma_start3A_526 = tpu.memref_slice %arg23[%add3A_524, %dma_start3A_525] : memref<2048x16xf32, #tpu.memory_space<vmem>> -> memref<128x16xf32, #tpu.memory_space<vmem>>
        %dma_start3A_527 = tpu.memref_slice %arg16[%add3A_520] : memref<4096xi32, #tpu.memory_space<vmem>> -> memref<128xi32, #tpu.memory_space<vmem>>
        %dma_start3A_528 = arith.constant 0 : i32
        %dma_start3A_529 = arith.constant 0 : i32
        %dma_start3A_530 = tpu.memref_slice %arg3[%dma_start3A_528, %dma_start3A_529] : memref<4096x16xf32, #tpu.memory_space<hbm>> -> memref<4096x16xf32, #tpu.memory_space<hbm>>
        tpu.enqueue_indirect_dma source(%dma_start3A_530 : memref<4096x16xf32, #tpu.memory_space<hbm>>) target(%dma_start3A_526 : memref<128x16xf32, #tpu.memory_space<vmem>>) offsets(%dma_start3A_527 : memref<128xi32, #tpu.memory_space<vmem>>) semaphore(%arg24 : memref<!tpu.dma_semaphore, #tpu.memory_space<semaphore_mem>>)
        %mul3A_531 = arith.constant 1024 : i32
        %mul3A_532 = arith.muli %scan3A_498, %mul3A_531 : i32
        %add3A_533 = arith.constant 2048 : i32
        %add3A_534 = arith.addi %add3A_533, %mul3A_532 : i32
        %add3A_535 = arith.constant 256 : i32
        %add3A_536 = arith.addi %add3A_534, %add3A_535 : i32
        %mul3A_537 = arith.constant 1024 : i32
        %mul3A_538 = arith.muli %scan3A_498, %mul3A_537 : i32
        %add3A_539 = arith.constant 256 : i32
        %add3A_540 = arith.addi %mul3A_538, %add3A_539 : i32
        %dma_start3A_541 = arith.constant 0 : i32
        %dma_start3A_542 = tpu.memref_slice %arg23[%add3A_540, %dma_start3A_541] : memref<2048x16xf32, #tpu.memory_space<vmem>> -> memref<128x16xf32, #tpu.memory_space<vmem>>
        %dma_start3A_543 = tpu.memref_slice %arg16[%add3A_536] : memref<4096xi32, #tpu.memory_space<vmem>> -> memref<128xi32, #tpu.memory_space<vmem>>
        %dma_start3A_544 = arith.constant 0 : i32
        %dma_start3A_545 = arith.constant 0 : i32
        %dma_start3A_546 = tpu.memref_slice %arg3[%dma_start3A_544, %dma_start3A_545] : memref<4096x16xf32, #tpu.memory_space<hbm>> -> memref<4096x16xf32, #tpu.memory_space<hbm>>
        tpu.enqueue_indirect_dma source(%dma_start3A_546 : memref<4096x16xf32, #tpu.memory_space<hbm>>) target(%dma_start3A_542 : memref<128x16xf32, #tpu.memory_space<vmem>>) offsets(%dma_start3A_543 : memref<128xi32, #tpu.memory_space<vmem>>) semaphore(%arg24 : memref<!tpu.dma_semaphore, #tpu.memory_space<semaphore_mem>>)
        %mul3A_547 = arith.constant 1024 : i32
        %mul3A_548 = arith.muli %scan3A_498, %mul3A_547 : i32
        %add3A_549 = arith.constant 2048 : i32
        %add3A_550 = arith.addi %add3A_549, %mul3A_548 : i32
        %add3A_551 = arith.constant 384 : i32
        %add3A_552 = arith.addi %add3A_550, %add3A_551 : i32
        %mul3A_553 = arith.constant 1024 : i32
        %mul3A_554 = arith.muli %scan3A_498, %mul3A_553 : i32
        %add3A_555 = arith.constant 384 : i32
        %add3A_556 = arith.addi %mul3A_554, %add3A_555 : i32
        %dma_start3A_557 = arith.constant 0 : i32
        %dma_start3A_558 = tpu.memref_slice %arg23[%add3A_556, %dma_start3A_557] : memref<2048x16xf32, #tpu.memory_space<vmem>> -> memref<128x16xf32, #tpu.memory_space<vmem>>
        %dma_start3A_559 = tpu.memref_slice %arg16[%add3A_552] : memref<4096xi32, #tpu.memory_space<vmem>> -> memref<128xi32, #tpu.memory_space<vmem>>
        %dma_start3A_560 = arith.constant 0 : i32
        %dma_start3A_561 = arith.constant 0 : i32
        %dma_start3A_562 = tpu.memref_slice %arg3[%dma_start3A_560, %dma_start3A_561] : memref<4096x16xf32, #tpu.memory_space<hbm>> -> memref<4096x16xf32, #tpu.memory_space<hbm>>
        tpu.enqueue_indirect_dma source(%dma_start3A_562 : memref<4096x16xf32, #tpu.memory_space<hbm>>) target(%dma_start3A_558 : memref<128x16xf32, #tpu.memory_space<vmem>>) offsets(%dma_start3A_559 : memref<128xi32, #tpu.memory_space<vmem>>) semaphore(%arg24 : memref<!tpu.dma_semaphore, #tpu.memory_space<semaphore_mem>>)
        %mul3A_563 = arith.constant 1024 : i32
        %mul3A_564 = arith.muli %scan3A_498, %mul3A_563 : i32
        %add3A_565 = arith.constant 2048 : i32
        %add3A_566 = arith.addi %add3A_565, %mul3A_564 : i32
        %add3A_567 = arith.constant 512 : i32
        %add3A_568 = arith.addi %add3A_566, %add3A_567 : i32
        %mul3A_569 = arith.constant 1024 : i32
        %mul3A_570 = arith.muli %scan3A_498, %mul3A_569 : i32
        %add3A_571 = arith.constant 512 : i32
        %add3A_572 = arith.addi %mul3A_570, %add3A_571 : i32
        %dma_start3A_573 = arith.constant 0 : i32
        %dma_start3A_574 = tpu.memref_slice %arg23[%add3A_572, %dma_start3A_573] : memref<2048x16xf32, #tpu.memory_space<vmem>> -> memref<128x16xf32, #tpu.memory_space<vmem>>
        %dma_start3A_575 = tpu.memref_slice %arg16[%add3A_568] : memref<4096xi32, #tpu.memory_space<vmem>> -> memref<128xi32, #tpu.memory_space<vmem>>
        %dma_start3A_576 = arith.constant 0 : i32
        %dma_start3A_577 = arith.constant 0 : i32
        %dma_start3A_578 = tpu.memref_slice %arg3[%dma_start3A_576, %dma_start3A_577] : memref<4096x16xf32, #tpu.memory_space<hbm>> -> memref<4096x16xf32, #tpu.memory_space<hbm>>
        tpu.enqueue_indirect_dma source(%dma_start3A_578 : memref<4096x16xf32, #tpu.memory_space<hbm>>) target(%dma_start3A_574 : memref<128x16xf32, #tpu.memory_space<vmem>>) offsets(%dma_start3A_575 : memref<128xi32, #tpu.memory_space<vmem>>) semaphore(%arg24 : memref<!tpu.dma_semaphore, #tpu.memory_space<semaphore_mem>>)
        %mul3A_579 = arith.constant 1024 : i32
        %mul3A_580 = arith.muli %scan3A_498, %mul3A_579 : i32
        %add3A_581 = arith.constant 2048 : i32
        %add3A_582 = arith.addi %add3A_581, %mul3A_580 : i32
        %add3A_583 = arith.constant 640 : i32
        %add3A_584 = arith.addi %add3A_582, %add3A_583 : i32
        %mul3A_585 = arith.constant 1024 : i32
        %mul3A_586 = arith.muli %scan3A_498, %mul3A_585 : i32
        %add3A_587 = arith.constant 640 : i32
        %add3A_588 = arith.addi %mul3A_586, %add3A_587 : i32
        %dma_start3A_589 = arith.constant 0 : i32
        %dma_start3A_590 = tpu.memref_slice %arg23[%add3A_588, %dma_start3A_589] : memref<2048x16xf32, #tpu.memory_space<vmem>> -> memref<128x16xf32, #tpu.memory_space<vmem>>
        %dma_start3A_591 = tpu.memref_slice %arg16[%add3A_584] : memref<4096xi32, #tpu.memory_space<vmem>> -> memref<128xi32, #tpu.memory_space<vmem>>
        %dma_start3A_592 = arith.constant 0 : i32
        %dma_start3A_593 = arith.constant 0 : i32
        %dma_start3A_594 = tpu.memref_slice %arg3[%dma_start3A_592, %dma_start3A_593] : memref<4096x16xf32, #tpu.memory_space<hbm>> -> memref<4096x16xf32, #tpu.memory_space<hbm>>
        tpu.enqueue_indirect_dma source(%dma_start3A_594 : memref<4096x16xf32, #tpu.memory_space<hbm>>) target(%dma_start3A_590 : memref<128x16xf32, #tpu.memory_space<vmem>>) offsets(%dma_start3A_591 : memref<128xi32, #tpu.memory_space<vmem>>) semaphore(%arg24 : memref<!tpu.dma_semaphore, #tpu.memory_space<semaphore_mem>>)
        %mul3A_595 = arith.constant 1024 : i32
        %mul3A_596 = arith.muli %scan3A_498, %mul3A_595 : i32
        %add3A_597 = arith.constant 2048 : i32
        %add3A_598 = arith.addi %add3A_597, %mul3A_596 : i32
        %add3A_599 = arith.constant 768 : i32
        %add3A_600 = arith.addi %add3A_598, %add3A_599 : i32
        %mul3A_601 = arith.constant 1024 : i32
        %mul3A_602 = arith.muli %scan3A_498, %mul3A_601 : i32
        %add3A_603 = arith.constant 768 : i32
        %add3A_604 = arith.addi %mul3A_602, %add3A_603 : i32
        %dma_start3A_605 = arith.constant 0 : i32
        %dma_start3A_606 = tpu.memref_slice %arg23[%add3A_604, %dma_start3A_605] : memref<2048x16xf32, #tpu.memory_space<vmem>> -> memref<128x16xf32, #tpu.memory_space<vmem>>
        %dma_start3A_607 = tpu.memref_slice %arg16[%add3A_600] : memref<4096xi32, #tpu.memory_space<vmem>> -> memref<128xi32, #tpu.memory_space<vmem>>
        %dma_start3A_608 = arith.constant 0 : i32
        %dma_start3A_609 = arith.constant 0 : i32
        %dma_start3A_610 = tpu.memref_slice %arg3[%dma_start3A_608, %dma_start3A_609] : memref<4096x16xf32, #tpu.memory_space<hbm>> -> memref<4096x16xf32, #tpu.memory_space<hbm>>
        tpu.enqueue_indirect_dma source(%dma_start3A_610 : memref<4096x16xf32, #tpu.memory_space<hbm>>) target(%dma_start3A_606 : memref<128x16xf32, #tpu.memory_space<vmem>>) offsets(%dma_start3A_607 : memref<128xi32, #tpu.memory_space<vmem>>) semaphore(%arg24 : memref<!tpu.dma_semaphore, #tpu.memory_space<semaphore_mem>>)
        %mul3A_611 = arith.constant 1024 : i32
        %mul3A_612 = arith.muli %scan3A_498, %mul3A_611 : i32
        %add3A_613 = arith.constant 2048 : i32
        %add3A_614 = arith.addi %add3A_613, %mul3A_612 : i32
        %add3A_615 = arith.constant 896 : i32
        %add3A_616 = arith.addi %add3A_614, %add3A_615 : i32
        %mul3A_617 = arith.constant 1024 : i32
        %mul3A_618 = arith.muli %scan3A_498, %mul3A_617 : i32
        %add3A_619 = arith.constant 896 : i32
        %add3A_620 = arith.addi %mul3A_618, %add3A_619 : i32
        %dma_start3A_621 = arith.constant 0 : i32
        %dma_start3A_622 = tpu.memref_slice %arg23[%add3A_620, %dma_start3A_621] : memref<2048x16xf32, #tpu.memory_space<vmem>> -> memref<128x16xf32, #tpu.memory_space<vmem>>
        %dma_start3A_623 = tpu.memref_slice %arg16[%add3A_616] : memref<4096xi32, #tpu.memory_space<vmem>> -> memref<128xi32, #tpu.memory_space<vmem>>
        %dma_start3A_624 = arith.constant 0 : i32
        %dma_start3A_625 = arith.constant 0 : i32
        %dma_start3A_626 = tpu.memref_slice %arg3[%dma_start3A_624, %dma_start3A_625] : memref<4096x16xf32, #tpu.memory_space<hbm>> -> memref<4096x16xf32, #tpu.memory_space<hbm>>
        tpu.enqueue_indirect_dma source(%dma_start3A_626 : memref<4096x16xf32, #tpu.memory_space<hbm>>) target(%dma_start3A_622 : memref<128x16xf32, #tpu.memory_space<vmem>>) offsets(%dma_start3A_623 : memref<128xi32, #tpu.memory_space<vmem>>) semaphore(%arg24 : memref<!tpu.dma_semaphore, #tpu.memory_space<semaphore_mem>>)
        %dma_wait3A_627 = arith.constant 0 : i32
        %dma_wait3A_628 = tpu.memref_slice %arg23[%add3A_508, %dma_wait3A_627] : memref<2048x16xf32, #tpu.memory_space<vmem>> -> memref<128x16xf32, #tpu.memory_space<vmem>>
        %dma_wait3A_629 = tpu.memref_slice %arg16[%add3A_504] : memref<4096xi32, #tpu.memory_space<vmem>> -> memref<128xi32, #tpu.memory_space<vmem>>
        %dma_wait3A_630 = arith.constant 0 : i32
        %dma_wait3A_631 = arith.constant 0 : i32
        %dma_wait3A_632 = tpu.memref_slice %arg3[%dma_wait3A_630, %dma_wait3A_631] : memref<4096x16xf32, #tpu.memory_space<hbm>> -> memref<4096x16xf32, #tpu.memory_space<hbm>>
        tpu.wait_indirect_dma semaphore(%arg24 : memref<!tpu.dma_semaphore, #tpu.memory_space<semaphore_mem>>) src(%dma_wait3A_632 : memref<4096x16xf32, #tpu.memory_space<hbm>>) dst(%dma_wait3A_628 : memref<128x16xf32, #tpu.memory_space<vmem>>)
        %dma_wait3A_633 = arith.constant 0 : i32
        %dma_wait3A_634 = tpu.memref_slice %arg23[%add3A_524, %dma_wait3A_633] : memref<2048x16xf32, #tpu.memory_space<vmem>> -> memref<128x16xf32, #tpu.memory_space<vmem>>
        %dma_wait3A_635 = tpu.memref_slice %arg16[%add3A_520] : memref<4096xi32, #tpu.memory_space<vmem>> -> memref<128xi32, #tpu.memory_space<vmem>>
        %dma_wait3A_636 = arith.constant 0 : i32
        %dma_wait3A_637 = arith.constant 0 : i32
        %dma_wait3A_638 = tpu.memref_slice %arg3[%dma_wait3A_636, %dma_wait3A_637] : memref<4096x16xf32, #tpu.memory_space<hbm>> -> memref<4096x16xf32, #tpu.memory_space<hbm>>
        tpu.wait_indirect_dma semaphore(%arg24 : memref<!tpu.dma_semaphore, #tpu.memory_space<semaphore_mem>>) src(%dma_wait3A_638 : memref<4096x16xf32, #tpu.memory_space<hbm>>) dst(%dma_wait3A_634 : memref<128x16xf32, #tpu.memory_space<vmem>>)
        %dma_wait3A_639 = arith.constant 0 : i32
        %dma_wait3A_640 = tpu.memref_slice %arg23[%add3A_540, %dma_wait3A_639] : memref<2048x16xf32, #tpu.memory_space<vmem>> -> memref<128x16xf32, #tpu.memory_space<vmem>>
        %dma_wait3A_641 = tpu.memref_slice %arg16[%add3A_536] : memref<4096xi32, #tpu.memory_space<vmem>> -> memref<128xi32, #tpu.memory_space<vmem>>
        %dma_wait3A_642 = arith.constant 0 : i32
        %dma_wait3A_643 = arith.constant 0 : i32
        %dma_wait3A_644 = tpu.memref_slice %arg3[%dma_wait3A_642, %dma_wait3A_643] : memref<4096x16xf32, #tpu.memory_space<hbm>> -> memref<4096x16xf32, #tpu.memory_space<hbm>>
        tpu.wait_indirect_dma semaphore(%arg24 : memref<!tpu.dma_semaphore, #tpu.memory_space<semaphore_mem>>) src(%dma_wait3A_644 : memref<4096x16xf32, #tpu.memory_space<hbm>>) dst(%dma_wait3A_640 : memref<128x16xf32, #tpu.memory_space<vmem>>)
        %dma_wait3A_645 = arith.constant 0 : i32
        %dma_wait3A_646 = tpu.memref_slice %arg23[%add3A_556, %dma_wait3A_645] : memref<2048x16xf32, #tpu.memory_space<vmem>> -> memref<128x16xf32, #tpu.memory_space<vmem>>
        %dma_wait3A_647 = tpu.memref_slice %arg16[%add3A_552] : memref<4096xi32, #tpu.memory_space<vmem>> -> memref<128xi32, #tpu.memory_space<vmem>>
        %dma_wait3A_648 = arith.constant 0 : i32
        %dma_wait3A_649 = arith.constant 0 : i32
        %dma_wait3A_650 = tpu.memref_slice %arg3[%dma_wait3A_648, %dma_wait3A_649] : memref<4096x16xf32, #tpu.memory_space<hbm>> -> memref<4096x16xf32, #tpu.memory_space<hbm>>
        tpu.wait_indirect_dma semaphore(%arg24 : memref<!tpu.dma_semaphore, #tpu.memory_space<semaphore_mem>>) src(%dma_wait3A_650 : memref<4096x16xf32, #tpu.memory_space<hbm>>) dst(%dma_wait3A_646 : memref<128x16xf32, #tpu.memory_space<vmem>>)
        %dma_wait3A_651 = arith.constant 0 : i32
        %dma_wait3A_652 = tpu.memref_slice %arg23[%add3A_572, %dma_wait3A_651] : memref<2048x16xf32, #tpu.memory_space<vmem>> -> memref<128x16xf32, #tpu.memory_space<vmem>>
        %dma_wait3A_653 = tpu.memref_slice %arg16[%add3A_568] : memref<4096xi32, #tpu.memory_space<vmem>> -> memref<128xi32, #tpu.memory_space<vmem>>
        %dma_wait3A_654 = arith.constant 0 : i32
        %dma_wait3A_655 = arith.constant 0 : i32
        %dma_wait3A_656 = tpu.memref_slice %arg3[%dma_wait3A_654, %dma_wait3A_655] : memref<4096x16xf32, #tpu.memory_space<hbm>> -> memref<4096x16xf32, #tpu.memory_space<hbm>>
        tpu.wait_indirect_dma semaphore(%arg24 : memref<!tpu.dma_semaphore, #tpu.memory_space<semaphore_mem>>) src(%dma_wait3A_656 : memref<4096x16xf32, #tpu.memory_space<hbm>>) dst(%dma_wait3A_652 : memref<128x16xf32, #tpu.memory_space<vmem>>)
        %dma_wait3A_657 = arith.constant 0 : i32
        %dma_wait3A_658 = tpu.memref_slice %arg23[%add3A_588, %dma_wait3A_657] : memref<2048x16xf32, #tpu.memory_space<vmem>> -> memref<128x16xf32, #tpu.memory_space<vmem>>
        %dma_wait3A_659 = tpu.memref_slice %arg16[%add3A_584] : memref<4096xi32, #tpu.memory_space<vmem>> -> memref<128xi32, #tpu.memory_space<vmem>>
        %dma_wait3A_660 = arith.constant 0 : i32
        %dma_wait3A_661 = arith.constant 0 : i32
        %dma_wait3A_662 = tpu.memref_slice %arg3[%dma_wait3A_660, %dma_wait3A_661] : memref<4096x16xf32, #tpu.memory_space<hbm>> -> memref<4096x16xf32, #tpu.memory_space<hbm>>
        tpu.wait_indirect_dma semaphore(%arg24 : memref<!tpu.dma_semaphore, #tpu.memory_space<semaphore_mem>>) src(%dma_wait3A_662 : memref<4096x16xf32, #tpu.memory_space<hbm>>) dst(%dma_wait3A_658 : memref<128x16xf32, #tpu.memory_space<vmem>>)
        %dma_wait3A_663 = arith.constant 0 : i32
        %dma_wait3A_664 = tpu.memref_slice %arg23[%add3A_604, %dma_wait3A_663] : memref<2048x16xf32, #tpu.memory_space<vmem>> -> memref<128x16xf32, #tpu.memory_space<vmem>>
        %dma_wait3A_665 = tpu.memref_slice %arg16[%add3A_600] : memref<4096xi32, #tpu.memory_space<vmem>> -> memref<128xi32, #tpu.memory_space<vmem>>
        %dma_wait3A_666 = arith.constant 0 : i32
        %dma_wait3A_667 = arith.constant 0 : i32
        %dma_wait3A_668 = tpu.memref_slice %arg3[%dma_wait3A_666, %dma_wait3A_667] : memref<4096x16xf32, #tpu.memory_space<hbm>> -> memref<4096x16xf32, #tpu.memory_space<hbm>>
        tpu.wait_indirect_dma semaphore(%arg24 : memref<!tpu.dma_semaphore, #tpu.memory_space<semaphore_mem>>) src(%dma_wait3A_668 : memref<4096x16xf32, #tpu.memory_space<hbm>>) dst(%dma_wait3A_664 : memref<128x16xf32, #tpu.memory_space<vmem>>)
        %dma_wait3A_669 = arith.constant 0 : i32
        %dma_wait3A_670 = tpu.memref_slice %arg23[%add3A_620, %dma_wait3A_669] : memref<2048x16xf32, #tpu.memory_space<vmem>> -> memref<128x16xf32, #tpu.memory_space<vmem>>
        %dma_wait3A_671 = tpu.memref_slice %arg16[%add3A_616] : memref<4096xi32, #tpu.memory_space<vmem>> -> memref<128xi32, #tpu.memory_space<vmem>>
        %dma_wait3A_672 = arith.constant 0 : i32
        %dma_wait3A_673 = arith.constant 0 : i32
        %dma_wait3A_674 = tpu.memref_slice %arg3[%dma_wait3A_672, %dma_wait3A_673] : memref<4096x16xf32, #tpu.memory_space<hbm>> -> memref<4096x16xf32, #tpu.memory_space<hbm>>
        tpu.wait_indirect_dma semaphore(%arg24 : memref<!tpu.dma_semaphore, #tpu.memory_space<semaphore_mem>>) src(%dma_wait3A_674 : memref<4096x16xf32, #tpu.memory_space<hbm>>) dst(%dma_wait3A_670 : memref<128x16xf32, #tpu.memory_space<vmem>>)
      }
      %scan3A_82 = arith.constant 2 : i32
      %mul3A_83 = arith.constant 4056 : i32
      %mul3A_84 = arith.muli %add3A_17, %mul3A_83 : i32
      %add3A_85 = arith.constant 2048 : i32
      %add3A_86 = arith.addi %mul3A_84, %add3A_85 : i32
      "tpu.region"() ({
        %run_scoped3A = tpu.sem_alloc : memref<!tpu.dma_semaphore, #tpu.memory_space<semaphore_mem>>
        %dma_start3A_498 = arith.constant 0 : i32
        %dma_start3A_499 = arith.constant 0 : i32
        %dma_start3A_500 = tpu.memref_slice %arg23[%dma_start3A_498, %dma_start3A_499] : memref<2048x16xf32, #tpu.memory_space<vmem>> -> memref<2008x16xf32, #tpu.memory_space<vmem>>
        %dma_start3A_501 = arith.constant 0 : i32
        %dma_start3A_502 = tpu.memref_slice %arg10[%add3A_86, %dma_start3A_501] : memref<519168x16xf32, #tpu.memory_space<hbm>> -> memref<2008x16xf32, #tpu.memory_space<hbm>>
        %dma_start3A_503 = arith.constant 0 : i32
        %dma_start3A_504 = tpu.memref_slice %arg10[%add3A_86, %dma_start3A_503] : memref<519168x16xf32, #tpu.memory_space<hbm>> -> memref<2008x16xf32, #tpu.memory_space<hbm>>
        %dma_start3A_505 = arith.constant 0 : i32
        %dma_start3A_506 = arith.constant 0 : i32
        %dma_start3A_507 = tpu.memref_slice %arg23[%dma_start3A_505, %dma_start3A_506] : memref<2048x16xf32, #tpu.memory_space<vmem>> -> memref<2008x16xf32, #tpu.memory_space<vmem>>
        tpu.enqueue_dma source(%dma_start3A_507 : memref<2008x16xf32, #tpu.memory_space<vmem>>) target(%dma_start3A_504 : memref<2008x16xf32, #tpu.memory_space<hbm>>) target_semaphore(%run_scoped3A : memref<!tpu.dma_semaphore, #tpu.memory_space<semaphore_mem>>)
        %dma_wait3A_508 = arith.constant 0 : i32
        %dma_wait3A_509 = arith.constant 0 : i32
        %dma_wait3A_510 = tpu.memref_slice %arg23[%dma_wait3A_508, %dma_wait3A_509] : memref<2048x16xf32, #tpu.memory_space<vmem>> -> memref<2008x16xf32, #tpu.memory_space<vmem>>
        %dma_wait3A_511 = arith.constant 0 : i32
        %dma_wait3A_512 = tpu.memref_slice %arg10[%add3A_86, %dma_wait3A_511] : memref<519168x16xf32, #tpu.memory_space<hbm>> -> memref<2008x16xf32, #tpu.memory_space<hbm>>
        %dma_wait3A_513 = arith.constant 0 : i32
        %dma_wait3A_514 = tpu.memref_slice %arg10[%add3A_86, %dma_wait3A_513] : memref<519168x16xf32, #tpu.memory_space<hbm>> -> memref<2008x16xf32, #tpu.memory_space<hbm>>
        %dma_wait3A_515 = arith.constant 0 : i32
        %dma_wait3A_516 = arith.constant 0 : i32
        %dma_wait3A_517 = tpu.memref_slice %arg23[%dma_wait3A_515, %dma_wait3A_516] : memref<2048x16xf32, #tpu.memory_space<vmem>> -> memref<2008x16xf32, #tpu.memory_space<vmem>>
        tpu.wait_dma2 semaphore(%run_scoped3A : memref<!tpu.dma_semaphore, #tpu.memory_space<semaphore_mem>>) src(%dma_wait3A_517 : memref<2008x16xf32, #tpu.memory_space<vmem>>) dst(%dma_wait3A_514 : memref<2008x16xf32, #tpu.memory_space<hbm>>)
        tpu.yield
      }) : () -> ()
      %dma_start3A = arith.constant 0 : i32
      %dma_start3A_87 = arith.constant 0 : i32
      %dma_start3A_88 = tpu.memref_slice %arg3[%dma_start3A, %dma_start3A_87] : memref<4096x16xf32, #tpu.memory_space<hbm>> -> memref<4096x16xf32, #tpu.memory_space<hbm>>
      tpu.enqueue_indirect_dma source(%dma_start3A_88 : memref<4096x16xf32, #tpu.memory_space<hbm>>) target(%arg21 : memref<48x16xf32, #tpu.memory_space<vmem>>) offsets(%arg18 : memref<48xi32, #tpu.memory_space<vmem>>) semaphore(%arg24 : memref<!tpu.dma_semaphore, #tpu.memory_space<semaphore_mem>>)
      %dma_wait3A = arith.constant 0 : i32
      %dma_wait3A_89 = arith.constant 0 : i32
      %dma_wait3A_90 = tpu.memref_slice %arg3[%dma_wait3A, %dma_wait3A_89] : memref<4096x16xf32, #tpu.memory_space<hbm>> -> memref<4096x16xf32, #tpu.memory_space<hbm>>
      tpu.wait_indirect_dma semaphore(%arg24 : memref<!tpu.dma_semaphore, #tpu.memory_space<semaphore_mem>>) src(%dma_wait3A_90 : memref<4096x16xf32, #tpu.memory_space<hbm>>) dst(%arg21 : memref<48x16xf32, #tpu.memory_space<vmem>>)
      %broadcast_in_dim3A_91 = vector.broadcast %reduce_max3A_26 : i32 to vector<16xi32>
      %gt3A_92 = arith.constant 0 : i32
      %gt3A_93 = vector.broadcast %gt3A_92 : i32 to vector<16xi32>
      %gt3A_94 = arith.cmpi sgt, %broadcast_in_dim3A_91, %gt3A_93 : vector<16xi32>
      %broadcast_in_dim3A_95 = arith.constant 0.000000e+00 : f32
      %broadcast_in_dim3A_96 = vector.broadcast %broadcast_in_dim3A_95 : f32 to vector<16xf32>
      %get3A_97 = arith.constant 0 : i32
      %get3A_98 = arith.index_cast %get3A_97 : i32 to index
      %get3A_99 = arith.constant 0 : index
      %get3A_100 = tpu.vector_load %arg21[%get3A_98, %get3A_99] {strides = array<i32>} : memref<48x16xf32, #tpu.memory_space<vmem>>, vector<16xf32>,
      %add3A_101 = arith.addf %get3A_100, %get3A_1 : vector<16xf32>
      %select_n3A = arith.select %gt3A_94, %add3A_101, %broadcast_in_dim3A_96 : vector<16xi1>, vector<16xf32>
      %swap3A_102 = arith.constant 0 : i32
      %swap3A_103 = arith.index_cast %swap3A_102 : i32 to index
      %swap3A_104 = arith.constant 0 : index
      %swap3A_105 = tpu.vector_load %arg22[%swap3A_103, %swap3A_104] {strides = array<i32>} : memref<48x16xf32, #tpu.memory_space<vmem>>, vector<16xf32>,
      tpu.vector_store %arg22[%swap3A_103, %swap3A_104], %select_n3A {strides = array<i32>} : memref<48x16xf32, #tpu.memory_space<vmem>>, vector<16xf32>,
      %get3A_106 = arith.constant 1 : i32
      %get3A_107 = arith.index_cast %get3A_106 : i32 to index
      %get3A_108 = arith.constant 0 : index
      %get3A_109 = tpu.vector_load %arg21[%get3A_107, %get3A_108] {strides = array<i32>} : memref<48x16xf32, #tpu.memory_space<vmem>>, vector<16xf32>,
      %add3A_110 = arith.addf %get3A_109, %get3A_1 : vector<16xf32>
      %select_n3A_111 = arith.select %gt3A_94, %add3A_110, %broadcast_in_dim3A_96 : vector<16xi1>, vector<16xf32>
      %swap3A_112 = arith.constant 1 : i32
      %swap3A_113 = arith.index_cast %swap3A_112 : i32 to index
      %swap3A_114 = arith.constant 0 : index
      %swap3A_115 = tpu.vector_load %arg22[%swap3A_113, %swap3A_114] {strides = array<i32>} : memref<48x16xf32, #tpu.memory_space<vmem>>, vector<16xf32>,
      tpu.vector_store %arg22[%swap3A_113, %swap3A_114], %select_n3A_111 {strides = array<i32>} : memref<48x16xf32, #tpu.memory_space<vmem>>, vector<16xf32>,
      %get3A_116 = arith.constant 2 : i32
      %get3A_117 = arith.index_cast %get3A_116 : i32 to index
      %get3A_118 = arith.constant 0 : index
      %get3A_119 = tpu.vector_load %arg21[%get3A_117, %get3A_118] {strides = array<i32>} : memref<48x16xf32, #tpu.memory_space<vmem>>, vector<16xf32>,
      %add3A_120 = arith.addf %get3A_119, %get3A_1 : vector<16xf32>
      %select_n3A_121 = arith.select %gt3A_94, %add3A_120, %broadcast_in_dim3A_96 : vector<16xi1>, vector<16xf32>
      %swap3A_122 = arith.constant 2 : i32
      %swap3A_123 = arith.index_cast %swap3A_122 : i32 to index
      %swap3A_124 = arith.constant 0 : index
      %swap3A_125 = tpu.vector_load %arg22[%swap3A_123, %swap3A_124] {strides = array<i32>} : memref<48x16xf32, #tpu.memory_space<vmem>>, vector<16xf32>,
      tpu.vector_store %arg22[%swap3A_123, %swap3A_124], %select_n3A_121 {strides = array<i32>} : memref<48x16xf32, #tpu.memory_space<vmem>>, vector<16xf32>,
      %get3A_126 = arith.constant 3 : i32
      %get3A_127 = arith.index_cast %get3A_126 : i32 to index
      %get3A_128 = arith.constant 0 : index
      %get3A_129 = tpu.vector_load %arg21[%get3A_127, %get3A_128] {strides = array<i32>} : memref<48x16xf32, #tpu.memory_space<vmem>>, vector<16xf32>,
      %add3A_130 = arith.addf %get3A_129, %get3A_1 : vector<16xf32>
      %select_n3A_131 = arith.select %gt3A_94, %add3A_130, %broadcast_in_dim3A_96 : vector<16xi1>, vector<16xf32>
      %swap3A_132 = arith.constant 3 : i32
      %swap3A_133 = arith.index_cast %swap3A_132 : i32 to index
      %swap3A_134 = arith.constant 0 : index
      %swap3A_135 = tpu.vector_load %arg22[%swap3A_133, %swap3A_134] {strides = array<i32>} : memref<48x16xf32, #tpu.memory_space<vmem>>, vector<16xf32>,
      tpu.vector_store %arg22[%swap3A_133, %swap3A_134], %select_n3A_131 {strides = array<i32>} : memref<48x16xf32, #tpu.memory_space<vmem>>, vector<16xf32>,
      %get3A_136 = arith.constant 4 : i32
      %get3A_137 = arith.index_cast %get3A_136 : i32 to index
      %get3A_138 = arith.constant 0 : index
      %get3A_139 = tpu.vector_load %arg21[%get3A_137, %get3A_138] {strides = array<i32>} : memref<48x16xf32, #tpu.memory_space<vmem>>, vector<16xf32>,
      %add3A_140 = arith.addf %get3A_139, %get3A_1 : vector<16xf32>
      %select_n3A_141 = arith.select %gt3A_94, %add3A_140, %broadcast_in_dim3A_96 : vector<16xi1>, vector<16xf32>
      %swap3A_142 = arith.constant 4 : i32
      %swap3A_143 = arith.index_cast %swap3A_142 : i32 to index
      %swap3A_144 = arith.constant 0 : index
      %swap3A_145 = tpu.vector_load %arg22[%swap3A_143, %swap3A_144] {strides = array<i32>} : memref<48x16xf32, #tpu.memory_space<vmem>>, vector<16xf32>,
      tpu.vector_store %arg22[%swap3A_143, %swap3A_144], %select_n3A_141 {strides = array<i32>} : memref<48x16xf32, #tpu.memory_space<vmem>>, vector<16xf32>,
      %get3A_146 = arith.constant 5 : i32
      %get3A_147 = arith.index_cast %get3A_146 : i32 to index
      %get3A_148 = arith.constant 0 : index
      %get3A_149 = tpu.vector_load %arg21[%get3A_147, %get3A_148] {strides = array<i32>} : memref<48x16xf32, #tpu.memory_space<vmem>>, vector<16xf32>,
      %add3A_150 = arith.addf %get3A_149, %get3A_1 : vector<16xf32>
      %select_n3A_151 = arith.select %gt3A_94, %add3A_150, %broadcast_in_dim3A_96 : vector<16xi1>, vector<16xf32>
      %swap3A_152 = arith.constant 5 : i32
      %swap3A_153 = arith.index_cast %swap3A_152 : i32 to index
      %swap3A_154 = arith.constant 0 : index
      %swap3A_155 = tpu.vector_load %arg22[%swap3A_153, %swap3A_154] {strides = array<i32>} : memref<48x16xf32, #tpu.memory_space<vmem>>, vector<16xf32>,
      tpu.vector_store %arg22[%swap3A_153, %swap3A_154], %select_n3A_151 {strides = array<i32>} : memref<48x16xf32, #tpu.memory_space<vmem>>, vector<16xf32>,
      %get3A_156 = arith.constant 6 : i32
      %get3A_157 = arith.index_cast %get3A_156 : i32 to index
      %get3A_158 = arith.constant 0 : index
      %get3A_159 = tpu.vector_load %arg21[%get3A_157, %get3A_158] {strides = array<i32>} : memref<48x16xf32, #tpu.memory_space<vmem>>, vector<16xf32>,
      %add3A_160 = arith.addf %get3A_159, %get3A_1 : vector<16xf32>
      %select_n3A_161 = arith.select %gt3A_94, %add3A_160, %broadcast_in_dim3A_96 : vector<16xi1>, vector<16xf32>
      %swap3A_162 = arith.constant 6 : i32
      %swap3A_163 = arith.index_cast %swap3A_162 : i32 to index
      %swap3A_164 = arith.constant 0 : index
      %swap3A_165 = tpu.vector_load %arg22[%swap3A_163, %swap3A_164] {strides = array<i32>} : memref<48x16xf32, #tpu.memory_space<vmem>>, vector<16xf32>,
      tpu.vector_store %arg22[%swap3A_163, %swap3A_164], %select_n3A_161 {strides = array<i32>} : memref<48x16xf32, #tpu.memory_space<vmem>>, vector<16xf32>,
      %get3A_166 = arith.constant 7 : i32
      %get3A_167 = arith.index_cast %get3A_166 : i32 to index
      %get3A_168 = arith.constant 0 : index
      %get3A_169 = tpu.vector_load %arg21[%get3A_167, %get3A_168] {strides = array<i32>} : memref<48x16xf32, #tpu.memory_space<vmem>>, vector<16xf32>,
      %add3A_170 = arith.addf %get3A_169, %get3A_1 : vector<16xf32>
      %select_n3A_171 = arith.select %gt3A_94, %add3A_170, %broadcast_in_dim3A_96 : vector<16xi1>, vector<16xf32>
      %swap3A_172 = arith.constant 7 : i32
      %swap3A_173 = arith.index_cast %swap3A_172 : i32 to index
      %swap3A_174 = arith.constant 0 : index
      %swap3A_175 = tpu.vector_load %arg22[%swap3A_173, %swap3A_174] {strides = array<i32>} : memref<48x16xf32, #tpu.memory_space<vmem>>, vector<16xf32>,
      tpu.vector_store %arg22[%swap3A_173, %swap3A_174], %select_n3A_171 {strides = array<i32>} : memref<48x16xf32, #tpu.memory_space<vmem>>, vector<16xf32>,
      %get3A_176 = arith.constant 8 : i32
      %get3A_177 = arith.index_cast %get3A_176 : i32 to index
      %get3A_178 = arith.constant 0 : index
      %get3A_179 = tpu.vector_load %arg21[%get3A_177, %get3A_178] {strides = array<i32>} : memref<48x16xf32, #tpu.memory_space<vmem>>, vector<16xf32>,
      %add3A_180 = arith.addf %get3A_179, %get3A_1 : vector<16xf32>
      %select_n3A_181 = arith.select %gt3A_94, %add3A_180, %broadcast_in_dim3A_96 : vector<16xi1>, vector<16xf32>
      %swap3A_182 = arith.constant 8 : i32
      %swap3A_183 = arith.index_cast %swap3A_182 : i32 to index
      %swap3A_184 = arith.constant 0 : index
      %swap3A_185 = tpu.vector_load %arg22[%swap3A_183, %swap3A_184] {strides = array<i32>} : memref<48x16xf32, #tpu.memory_space<vmem>>, vector<16xf32>,
      tpu.vector_store %arg22[%swap3A_183, %swap3A_184], %select_n3A_181 {strides = array<i32>} : memref<48x16xf32, #tpu.memory_space<vmem>>, vector<16xf32>,
      %get3A_186 = arith.constant 9 : i32
      %get3A_187 = arith.index_cast %get3A_186 : i32 to index
      %get3A_188 = arith.constant 0 : index
      %get3A_189 = tpu.vector_load %arg21[%get3A_187, %get3A_188] {strides = array<i32>} : memref<48x16xf32, #tpu.memory_space<vmem>>, vector<16xf32>,
      %add3A_190 = arith.addf %get3A_189, %get3A_1 : vector<16xf32>
      %select_n3A_191 = arith.select %gt3A_94, %add3A_190, %broadcast_in_dim3A_96 : vector<16xi1>, vector<16xf32>
      %swap3A_192 = arith.constant 9 : i32
      %swap3A_193 = arith.index_cast %swap3A_192 : i32 to index
      %swap3A_194 = arith.constant 0 : index
      %swap3A_195 = tpu.vector_load %arg22[%swap3A_193, %swap3A_194] {strides = array<i32>} : memref<48x16xf32, #tpu.memory_space<vmem>>, vector<16xf32>,
      tpu.vector_store %arg22[%swap3A_193, %swap3A_194], %select_n3A_191 {strides = array<i32>} : memref<48x16xf32, #tpu.memory_space<vmem>>, vector<16xf32>,
      %get3A_196 = arith.constant 10 : i32
      %get3A_197 = arith.index_cast %get3A_196 : i32 to index
      %get3A_198 = arith.constant 0 : index
      %get3A_199 = tpu.vector_load %arg21[%get3A_197, %get3A_198] {strides = array<i32>} : memref<48x16xf32, #tpu.memory_space<vmem>>, vector<16xf32>,
      %add3A_200 = arith.addf %get3A_199, %get3A_1 : vector<16xf32>
      %select_n3A_201 = arith.select %gt3A_94, %add3A_200, %broadcast_in_dim3A_96 : vector<16xi1>, vector<16xf32>
      %swap3A_202 = arith.constant 10 : i32
      %swap3A_203 = arith.index_cast %swap3A_202 : i32 to index
      %swap3A_204 = arith.constant 0 : index
      %swap3A_205 = tpu.vector_load %arg22[%swap3A_203, %swap3A_204] {strides = array<i32>} : memref<48x16xf32, #tpu.memory_space<vmem>>, vector<16xf32>,
      tpu.vector_store %arg22[%swap3A_203, %swap3A_204], %select_n3A_201 {strides = array<i32>} : memref<48x16xf32, #tpu.memory_space<vmem>>, vector<16xf32>,
      %get3A_206 = arith.constant 11 : i32
      %get3A_207 = arith.index_cast %get3A_206 : i32 to index
      %get3A_208 = arith.constant 0 : index
      %get3A_209 = tpu.vector_load %arg21[%get3A_207, %get3A_208] {strides = array<i32>} : memref<48x16xf32, #tpu.memory_space<vmem>>, vector<16xf32>,
      %add3A_210 = arith.addf %get3A_209, %get3A_1 : vector<16xf32>
      %select_n3A_211 = arith.select %gt3A_94, %add3A_210, %broadcast_in_dim3A_96 : vector<16xi1>, vector<16xf32>
      %swap3A_212 = arith.constant 11 : i32
      %swap3A_213 = arith.index_cast %swap3A_212 : i32 to index
      %swap3A_214 = arith.constant 0 : index
      %swap3A_215 = tpu.vector_load %arg22[%swap3A_213, %swap3A_214] {strides = array<i32>} : memref<48x16xf32, #tpu.memory_space<vmem>>, vector<16xf32>,
      tpu.vector_store %arg22[%swap3A_213, %swap3A_214], %select_n3A_211 {strides = array<i32>} : memref<48x16xf32, #tpu.memory_space<vmem>>, vector<16xf32>,
      %get3A_216 = arith.constant 12 : i32
      %get3A_217 = arith.index_cast %get3A_216 : i32 to index
      %get3A_218 = arith.constant 0 : index
      %get3A_219 = tpu.vector_load %arg21[%get3A_217, %get3A_218] {strides = array<i32>} : memref<48x16xf32, #tpu.memory_space<vmem>>, vector<16xf32>,
      %add3A_220 = arith.addf %get3A_219, %get3A_1 : vector<16xf32>
      %select_n3A_221 = arith.select %gt3A_94, %add3A_220, %broadcast_in_dim3A_96 : vector<16xi1>, vector<16xf32>
      %swap3A_222 = arith.constant 12 : i32
      %swap3A_223 = arith.index_cast %swap3A_222 : i32 to index
      %swap3A_224 = arith.constant 0 : index
      %swap3A_225 = tpu.vector_load %arg22[%swap3A_223, %swap3A_224] {strides = array<i32>} : memref<48x16xf32, #tpu.memory_space<vmem>>, vector<16xf32>,
      tpu.vector_store %arg22[%swap3A_223, %swap3A_224], %select_n3A_221 {strides = array<i32>} : memref<48x16xf32, #tpu.memory_space<vmem>>, vector<16xf32>,
      %get3A_226 = arith.constant 13 : i32
      %get3A_227 = arith.index_cast %get3A_226 : i32 to index
      %get3A_228 = arith.constant 0 : index
      %get3A_229 = tpu.vector_load %arg21[%get3A_227, %get3A_228] {strides = array<i32>} : memref<48x16xf32, #tpu.memory_space<vmem>>, vector<16xf32>,
      %add3A_230 = arith.addf %get3A_229, %get3A_1 : vector<16xf32>
      %select_n3A_231 = arith.select %gt3A_94, %add3A_230, %broadcast_in_dim3A_96 : vector<16xi1>, vector<16xf32>
      %swap3A_232 = arith.constant 13 : i32
      %swap3A_233 = arith.index_cast %swap3A_232 : i32 to index
      %swap3A_234 = arith.constant 0 : index
      %swap3A_235 = tpu.vector_load %arg22[%swap3A_233, %swap3A_234] {strides = array<i32>} : memref<48x16xf32, #tpu.memory_space<vmem>>, vector<16xf32>,
      tpu.vector_store %arg22[%swap3A_233, %swap3A_234], %select_n3A_231 {strides = array<i32>} : memref<48x16xf32, #tpu.memory_space<vmem>>, vector<16xf32>,
      %get3A_236 = arith.constant 14 : i32
      %get3A_237 = arith.index_cast %get3A_236 : i32 to index
      %get3A_238 = arith.constant 0 : index
      %get3A_239 = tpu.vector_load %arg21[%get3A_237, %get3A_238] {strides = array<i32>} : memref<48x16xf32, #tpu.memory_space<vmem>>, vector<16xf32>,
      %add3A_240 = arith.addf %get3A_239, %get3A_1 : vector<16xf32>
      %select_n3A_241 = arith.select %gt3A_94, %add3A_240, %broadcast_in_dim3A_96 : vector<16xi1>, vector<16xf32>
      %swap3A_242 = arith.constant 14 : i32
      %swap3A_243 = arith.index_cast %swap3A_242 : i32 to index
      %swap3A_244 = arith.constant 0 : index
      %swap3A_245 = tpu.vector_load %arg22[%swap3A_243, %swap3A_244] {strides = array<i32>} : memref<48x16xf32, #tpu.memory_space<vmem>>, vector<16xf32>,
      tpu.vector_store %arg22[%swap3A_243, %swap3A_244], %select_n3A_241 {strides = array<i32>} : memref<48x16xf32, #tpu.memory_space<vmem>>, vector<16xf32>,
      %get3A_246 = arith.constant 15 : i32
      %get3A_247 = arith.index_cast %get3A_246 : i32 to index
      %get3A_248 = arith.constant 0 : index
      %get3A_249 = tpu.vector_load %arg21[%get3A_247, %get3A_248] {strides = array<i32>} : memref<48x16xf32, #tpu.memory_space<vmem>>, vector<16xf32>,
      %add3A_250 = arith.addf %get3A_249, %get3A_1 : vector<16xf32>
      %select_n3A_251 = arith.select %gt3A_94, %add3A_250, %broadcast_in_dim3A_96 : vector<16xi1>, vector<16xf32>
      %swap3A_252 = arith.constant 15 : i32
      %swap3A_253 = arith.index_cast %swap3A_252 : i32 to index
      %swap3A_254 = arith.constant 0 : index
      %swap3A_255 = tpu.vector_load %arg22[%swap3A_253, %swap3A_254] {strides = array<i32>} : memref<48x16xf32, #tpu.memory_space<vmem>>, vector<16xf32>,
      tpu.vector_store %arg22[%swap3A_253, %swap3A_254], %select_n3A_251 {strides = array<i32>} : memref<48x16xf32, #tpu.memory_space<vmem>>, vector<16xf32>,
      %get3A_256 = arith.constant 16 : i32
      %get3A_257 = arith.index_cast %get3A_256 : i32 to index
      %get3A_258 = arith.constant 0 : index
      %get3A_259 = tpu.vector_load %arg21[%get3A_257, %get3A_258] {strides = array<i32>} : memref<48x16xf32, #tpu.memory_space<vmem>>, vector<16xf32>,
      %add3A_260 = arith.addf %get3A_259, %get3A_1 : vector<16xf32>
      %select_n3A_261 = arith.select %gt3A_94, %add3A_260, %broadcast_in_dim3A_96 : vector<16xi1>, vector<16xf32>
      %swap3A_262 = arith.constant 16 : i32
      %swap3A_263 = arith.index_cast %swap3A_262 : i32 to index
      %swap3A_264 = arith.constant 0 : index
      %swap3A_265 = tpu.vector_load %arg22[%swap3A_263, %swap3A_264] {strides = array<i32>} : memref<48x16xf32, #tpu.memory_space<vmem>>, vector<16xf32>,
      tpu.vector_store %arg22[%swap3A_263, %swap3A_264], %select_n3A_261 {strides = array<i32>} : memref<48x16xf32, #tpu.memory_space<vmem>>, vector<16xf32>,
      %get3A_266 = arith.constant 17 : i32
      %get3A_267 = arith.index_cast %get3A_266 : i32 to index
      %get3A_268 = arith.constant 0 : index
      %get3A_269 = tpu.vector_load %arg21[%get3A_267, %get3A_268] {strides = array<i32>} : memref<48x16xf32, #tpu.memory_space<vmem>>, vector<16xf32>,
      %add3A_270 = arith.addf %get3A_269, %get3A_1 : vector<16xf32>
      %select_n3A_271 = arith.select %gt3A_94, %add3A_270, %broadcast_in_dim3A_96 : vector<16xi1>, vector<16xf32>
      %swap3A_272 = arith.constant 17 : i32
      %swap3A_273 = arith.index_cast %swap3A_272 : i32 to index
      %swap3A_274 = arith.constant 0 : index
      %swap3A_275 = tpu.vector_load %arg22[%swap3A_273, %swap3A_274] {strides = array<i32>} : memref<48x16xf32, #tpu.memory_space<vmem>>, vector<16xf32>,
      tpu.vector_store %arg22[%swap3A_273, %swap3A_274], %select_n3A_271 {strides = array<i32>} : memref<48x16xf32, #tpu.memory_space<vmem>>, vector<16xf32>,
      %get3A_276 = arith.constant 18 : i32
      %get3A_277 = arith.index_cast %get3A_276 : i32 to index
      %get3A_278 = arith.constant 0 : index
      %get3A_279 = tpu.vector_load %arg21[%get3A_277, %get3A_278] {strides = array<i32>} : memref<48x16xf32, #tpu.memory_space<vmem>>, vector<16xf32>,
      %add3A_280 = arith.addf %get3A_279, %get3A_1 : vector<16xf32>
      %select_n3A_281 = arith.select %gt3A_94, %add3A_280, %broadcast_in_dim3A_96 : vector<16xi1>, vector<16xf32>
      %swap3A_282 = arith.constant 18 : i32
      %swap3A_283 = arith.index_cast %swap3A_282 : i32 to index
      %swap3A_284 = arith.constant 0 : index
      %swap3A_285 = tpu.vector_load %arg22[%swap3A_283, %swap3A_284] {strides = array<i32>} : memref<48x16xf32, #tpu.memory_space<vmem>>, vector<16xf32>,
      tpu.vector_store %arg22[%swap3A_283, %swap3A_284], %select_n3A_281 {strides = array<i32>} : memref<48x16xf32, #tpu.memory_space<vmem>>, vector<16xf32>,
      %get3A_286 = arith.constant 19 : i32
      %get3A_287 = arith.index_cast %get3A_286 : i32 to index
      %get3A_288 = arith.constant 0 : index
      %get3A_289 = tpu.vector_load %arg21[%get3A_287, %get3A_288] {strides = array<i32>} : memref<48x16xf32, #tpu.memory_space<vmem>>, vector<16xf32>,
      %add3A_290 = arith.addf %get3A_289, %get3A_1 : vector<16xf32>
      %select_n3A_291 = arith.select %gt3A_94, %add3A_290, %broadcast_in_dim3A_96 : vector<16xi1>, vector<16xf32>
      %swap3A_292 = arith.constant 19 : i32
      %swap3A_293 = arith.index_cast %swap3A_292 : i32 to index
      %swap3A_294 = arith.constant 0 : index
      %swap3A_295 = tpu.vector_load %arg22[%swap3A_293, %swap3A_294] {strides = array<i32>} : memref<48x16xf32, #tpu.memory_space<vmem>>, vector<16xf32>,
      tpu.vector_store %arg22[%swap3A_293, %swap3A_294], %select_n3A_291 {strides = array<i32>} : memref<48x16xf32, #tpu.memory_space<vmem>>, vector<16xf32>,
      %get3A_296 = arith.constant 20 : i32
      %get3A_297 = arith.index_cast %get3A_296 : i32 to index
      %get3A_298 = arith.constant 0 : index
      %get3A_299 = tpu.vector_load %arg21[%get3A_297, %get3A_298] {strides = array<i32>} : memref<48x16xf32, #tpu.memory_space<vmem>>, vector<16xf32>,
      %add3A_300 = arith.addf %get3A_299, %get3A_1 : vector<16xf32>
      %select_n3A_301 = arith.select %gt3A_94, %add3A_300, %broadcast_in_dim3A_96 : vector<16xi1>, vector<16xf32>
      %swap3A_302 = arith.constant 20 : i32
      %swap3A_303 = arith.index_cast %swap3A_302 : i32 to index
      %swap3A_304 = arith.constant 0 : index
      %swap3A_305 = tpu.vector_load %arg22[%swap3A_303, %swap3A_304] {strides = array<i32>} : memref<48x16xf32, #tpu.memory_space<vmem>>, vector<16xf32>,
      tpu.vector_store %arg22[%swap3A_303, %swap3A_304], %select_n3A_301 {strides = array<i32>} : memref<48x16xf32, #tpu.memory_space<vmem>>, vector<16xf32>,
      %get3A_306 = arith.constant 21 : i32
      %get3A_307 = arith.index_cast %get3A_306 : i32 to index
      %get3A_308 = arith.constant 0 : index
      %get3A_309 = tpu.vector_load %arg21[%get3A_307, %get3A_308] {strides = array<i32>} : memref<48x16xf32, #tpu.memory_space<vmem>>, vector<16xf32>,
      %add3A_310 = arith.addf %get3A_309, %get3A_1 : vector<16xf32>
      %select_n3A_311 = arith.select %gt3A_94, %add3A_310, %broadcast_in_dim3A_96 : vector<16xi1>, vector<16xf32>
      %swap3A_312 = arith.constant 21 : i32
      %swap3A_313 = arith.index_cast %swap3A_312 : i32 to index
      %swap3A_314 = arith.constant 0 : index
      %swap3A_315 = tpu.vector_load %arg22[%swap3A_313, %swap3A_314] {strides = array<i32>} : memref<48x16xf32, #tpu.memory_space<vmem>>, vector<16xf32>,
      tpu.vector_store %arg22[%swap3A_313, %swap3A_314], %select_n3A_311 {strides = array<i32>} : memref<48x16xf32, #tpu.memory_space<vmem>>, vector<16xf32>,
      %get3A_316 = arith.constant 22 : i32
      %get3A_317 = arith.index_cast %get3A_316 : i32 to index
      %get3A_318 = arith.constant 0 : index
      %get3A_319 = tpu.vector_load %arg21[%get3A_317, %get3A_318] {strides = array<i32>} : memref<48x16xf32, #tpu.memory_space<vmem>>, vector<16xf32>,
      %add3A_320 = arith.addf %get3A_319, %get3A_1 : vector<16xf32>
      %select_n3A_321 = arith.select %gt3A_94, %add3A_320, %broadcast_in_dim3A_96 : vector<16xi1>, vector<16xf32>
      %swap3A_322 = arith.constant 22 : i32
      %swap3A_323 = arith.index_cast %swap3A_322 : i32 to index
      %swap3A_324 = arith.constant 0 : index
      %swap3A_325 = tpu.vector_load %arg22[%swap3A_323, %swap3A_324] {strides = array<i32>} : memref<48x16xf32, #tpu.memory_space<vmem>>, vector<16xf32>,
      tpu.vector_store %arg22[%swap3A_323, %swap3A_324], %select_n3A_321 {strides = array<i32>} : memref<48x16xf32, #tpu.memory_space<vmem>>, vector<16xf32>,
      %get3A_326 = arith.constant 23 : i32
      %get3A_327 = arith.index_cast %get3A_326 : i32 to index
      %get3A_328 = arith.constant 0 : index
      %get3A_329 = tpu.vector_load %arg21[%get3A_327, %get3A_328] {strides = array<i32>} : memref<48x16xf32, #tpu.memory_space<vmem>>, vector<16xf32>,
      %add3A_330 = arith.addf %get3A_329, %get3A_1 : vector<16xf32>
      %select_n3A_331 = arith.select %gt3A_94, %add3A_330, %broadcast_in_dim3A_96 : vector<16xi1>, vector<16xf32>
      %swap3A_332 = arith.constant 23 : i32
      %swap3A_333 = arith.index_cast %swap3A_332 : i32 to index
      %swap3A_334 = arith.constant 0 : index
      %swap3A_335 = tpu.vector_load %arg22[%swap3A_333, %swap3A_334] {strides = array<i32>} : memref<48x16xf32, #tpu.memory_space<vmem>>, vector<16xf32>,
      tpu.vector_store %arg22[%swap3A_333, %swap3A_334], %select_n3A_331 {strides = array<i32>} : memref<48x16xf32, #tpu.memory_space<vmem>>, vector<16xf32>,
      %get3A_336 = arith.constant 24 : i32
      %get3A_337 = arith.index_cast %get3A_336 : i32 to index
      %get3A_338 = arith.constant 0 : index
      %get3A_339 = tpu.vector_load %arg21[%get3A_337, %get3A_338] {strides = array<i32>} : memref<48x16xf32, #tpu.memory_space<vmem>>, vector<16xf32>,
      %add3A_340 = arith.addf %get3A_339, %get3A_1 : vector<16xf32>
      %select_n3A_341 = arith.select %gt3A_94, %add3A_340, %broadcast_in_dim3A_96 : vector<16xi1>, vector<16xf32>
      %swap3A_342 = arith.constant 24 : i32
      %swap3A_343 = arith.index_cast %swap3A_342 : i32 to index
      %swap3A_344 = arith.constant 0 : index
      %swap3A_345 = tpu.vector_load %arg22[%swap3A_343, %swap3A_344] {strides = array<i32>} : memref<48x16xf32, #tpu.memory_space<vmem>>, vector<16xf32>,
      tpu.vector_store %arg22[%swap3A_343, %swap3A_344], %select_n3A_341 {strides = array<i32>} : memref<48x16xf32, #tpu.memory_space<vmem>>, vector<16xf32>,
      %get3A_346 = arith.constant 25 : i32
      %get3A_347 = arith.index_cast %get3A_346 : i32 to index
      %get3A_348 = arith.constant 0 : index
      %get3A_349 = tpu.vector_load %arg21[%get3A_347, %get3A_348] {strides = array<i32>} : memref<48x16xf32, #tpu.memory_space<vmem>>, vector<16xf32>,
      %add3A_350 = arith.addf %get3A_349, %get3A_1 : vector<16xf32>
      %select_n3A_351 = arith.select %gt3A_94, %add3A_350, %broadcast_in_dim3A_96 : vector<16xi1>, vector<16xf32>
      %swap3A_352 = arith.constant 25 : i32
      %swap3A_353 = arith.index_cast %swap3A_352 : i32 to index
      %swap3A_354 = arith.constant 0 : index
      %swap3A_355 = tpu.vector_load %arg22[%swap3A_353, %swap3A_354] {strides = array<i32>} : memref<48x16xf32, #tpu.memory_space<vmem>>, vector<16xf32>,
      tpu.vector_store %arg22[%swap3A_353, %swap3A_354], %select_n3A_351 {strides = array<i32>} : memref<48x16xf32, #tpu.memory_space<vmem>>, vector<16xf32>,
      %get3A_356 = arith.constant 26 : i32
      %get3A_357 = arith.index_cast %get3A_356 : i32 to index
      %get3A_358 = arith.constant 0 : index
      %get3A_359 = tpu.vector_load %arg21[%get3A_357, %get3A_358] {strides = array<i32>} : memref<48x16xf32, #tpu.memory_space<vmem>>, vector<16xf32>,
      %add3A_360 = arith.addf %get3A_359, %get3A_1 : vector<16xf32>
      %select_n3A_361 = arith.select %gt3A_94, %add3A_360, %broadcast_in_dim3A_96 : vector<16xi1>, vector<16xf32>
      %swap3A_362 = arith.constant 26 : i32
      %swap3A_363 = arith.index_cast %swap3A_362 : i32 to index
      %swap3A_364 = arith.constant 0 : index
      %swap3A_365 = tpu.vector_load %arg22[%swap3A_363, %swap3A_364] {strides = array<i32>} : memref<48x16xf32, #tpu.memory_space<vmem>>, vector<16xf32>,
      tpu.vector_store %arg22[%swap3A_363, %swap3A_364], %select_n3A_361 {strides = array<i32>} : memref<48x16xf32, #tpu.memory_space<vmem>>, vector<16xf32>,
      %get3A_366 = arith.constant 27 : i32
      %get3A_367 = arith.index_cast %get3A_366 : i32 to index
      %get3A_368 = arith.constant 0 : index
      %get3A_369 = tpu.vector_load %arg21[%get3A_367, %get3A_368] {strides = array<i32>} : memref<48x16xf32, #tpu.memory_space<vmem>>, vector<16xf32>,
      %add3A_370 = arith.addf %get3A_369, %get3A_1 : vector<16xf32>
      %select_n3A_371 = arith.select %gt3A_94, %add3A_370, %broadcast_in_dim3A_96 : vector<16xi1>, vector<16xf32>
      %swap3A_372 = arith.constant 27 : i32
      %swap3A_373 = arith.index_cast %swap3A_372 : i32 to index
      %swap3A_374 = arith.constant 0 : index
      %swap3A_375 = tpu.vector_load %arg22[%swap3A_373, %swap3A_374] {strides = array<i32>} : memref<48x16xf32, #tpu.memory_space<vmem>>, vector<16xf32>,
      tpu.vector_store %arg22[%swap3A_373, %swap3A_374], %select_n3A_371 {strides = array<i32>} : memref<48x16xf32, #tpu.memory_space<vmem>>, vector<16xf32>,
      %get3A_376 = arith.constant 28 : i32
      %get3A_377 = arith.index_cast %get3A_376 : i32 to index
      %get3A_378 = arith.constant 0 : index
      %get3A_379 = tpu.vector_load %arg21[%get3A_377, %get3A_378] {strides = array<i32>} : memref<48x16xf32, #tpu.memory_space<vmem>>, vector<16xf32>,
      %add3A_380 = arith.addf %get3A_379, %get3A_1 : vector<16xf32>
      %select_n3A_381 = arith.select %gt3A_94, %add3A_380, %broadcast_in_dim3A_96 : vector<16xi1>, vector<16xf32>
      %swap3A_382 = arith.constant 28 : i32
      %swap3A_383 = arith.index_cast %swap3A_382 : i32 to index
      %swap3A_384 = arith.constant 0 : index
      %swap3A_385 = tpu.vector_load %arg22[%swap3A_383, %swap3A_384] {strides = array<i32>} : memref<48x16xf32, #tpu.memory_space<vmem>>, vector<16xf32>,
      tpu.vector_store %arg22[%swap3A_383, %swap3A_384], %select_n3A_381 {strides = array<i32>} : memref<48x16xf32, #tpu.memory_space<vmem>>, vector<16xf32>,
      %get3A_386 = arith.constant 29 : i32
      %get3A_387 = arith.index_cast %get3A_386 : i32 to index
      %get3A_388 = arith.constant 0 : index
      %get3A_389 = tpu.vector_load %arg21[%get3A_387, %get3A_388] {strides = array<i32>} : memref<48x16xf32, #tpu.memory_space<vmem>>, vector<16xf32>,
      %add3A_390 = arith.addf %get3A_389, %get3A_1 : vector<16xf32>
      %select_n3A_391 = arith.select %gt3A_94, %add3A_390, %broadcast_in_dim3A_96 : vector<16xi1>, vector<16xf32>
      %swap3A_392 = arith.constant 29 : i32
      %swap3A_393 = arith.index_cast %swap3A_392 : i32 to index
      %swap3A_394 = arith.constant 0 : index
      %swap3A_395 = tpu.vector_load %arg22[%swap3A_393, %swap3A_394] {strides = array<i32>} : memref<48x16xf32, #tpu.memory_space<vmem>>, vector<16xf32>,
      tpu.vector_store %arg22[%swap3A_393, %swap3A_394], %select_n3A_391 {strides = array<i32>} : memref<48x16xf32, #tpu.memory_space<vmem>>, vector<16xf32>,
      %get3A_396 = arith.constant 30 : i32
      %get3A_397 = arith.index_cast %get3A_396 : i32 to index
      %get3A_398 = arith.constant 0 : index
      %get3A_399 = tpu.vector_load %arg21[%get3A_397, %get3A_398] {strides = array<i32>} : memref<48x16xf32, #tpu.memory_space<vmem>>, vector<16xf32>,
      %add3A_400 = arith.addf %get3A_399, %get3A_1 : vector<16xf32>
      %select_n3A_401 = arith.select %gt3A_94, %add3A_400, %broadcast_in_dim3A_96 : vector<16xi1>, vector<16xf32>
      %swap3A_402 = arith.constant 30 : i32
      %swap3A_403 = arith.index_cast %swap3A_402 : i32 to index
      %swap3A_404 = arith.constant 0 : index
      %swap3A_405 = tpu.vector_load %arg22[%swap3A_403, %swap3A_404] {strides = array<i32>} : memref<48x16xf32, #tpu.memory_space<vmem>>, vector<16xf32>,
      tpu.vector_store %arg22[%swap3A_403, %swap3A_404], %select_n3A_401 {strides = array<i32>} : memref<48x16xf32, #tpu.memory_space<vmem>>, vector<16xf32>,
      %get3A_406 = arith.constant 31 : i32
      %get3A_407 = arith.index_cast %get3A_406 : i32 to index
      %get3A_408 = arith.constant 0 : index
      %get3A_409 = tpu.vector_load %arg21[%get3A_407, %get3A_408] {strides = array<i32>} : memref<48x16xf32, #tpu.memory_space<vmem>>, vector<16xf32>,
      %add3A_410 = arith.addf %get3A_409, %get3A_1 : vector<16xf32>
      %select_n3A_411 = arith.select %gt3A_94, %add3A_410, %broadcast_in_dim3A_96 : vector<16xi1>, vector<16xf32>
      %swap3A_412 = arith.constant 31 : i32
      %swap3A_413 = arith.index_cast %swap3A_412 : i32 to index
      %swap3A_414 = arith.constant 0 : index
      %swap3A_415 = tpu.vector_load %arg22[%swap3A_413, %swap3A_414] {strides = array<i32>} : memref<48x16xf32, #tpu.memory_space<vmem>>, vector<16xf32>,
      tpu.vector_store %arg22[%swap3A_413, %swap3A_414], %select_n3A_411 {strides = array<i32>} : memref<48x16xf32, #tpu.memory_space<vmem>>, vector<16xf32>,
      %get3A_416 = arith.constant 32 : i32
      %get3A_417 = arith.index_cast %get3A_416 : i32 to index
      %get3A_418 = arith.constant 0 : index
      %get3A_419 = tpu.vector_load %arg21[%get3A_417, %get3A_418] {strides = array<i32>} : memref<48x16xf32, #tpu.memory_space<vmem>>, vector<16xf32>,
      %add3A_420 = arith.addf %get3A_419, %get3A_1 : vector<16xf32>
      %select_n3A_421 = arith.select %gt3A_94, %add3A_420, %broadcast_in_dim3A_96 : vector<16xi1>, vector<16xf32>
      %swap3A_422 = arith.constant 32 : i32
      %swap3A_423 = arith.index_cast %swap3A_422 : i32 to index
      %swap3A_424 = arith.constant 0 : index
      %swap3A_425 = tpu.vector_load %arg22[%swap3A_423, %swap3A_424] {strides = array<i32>} : memref<48x16xf32, #tpu.memory_space<vmem>>, vector<16xf32>,
      tpu.vector_store %arg22[%swap3A_423, %swap3A_424], %select_n3A_421 {strides = array<i32>} : memref<48x16xf32, #tpu.memory_space<vmem>>, vector<16xf32>,
      %get3A_426 = arith.constant 33 : i32
      %get3A_427 = arith.index_cast %get3A_426 : i32 to index
      %get3A_428 = arith.constant 0 : index
      %get3A_429 = tpu.vector_load %arg21[%get3A_427, %get3A_428] {strides = array<i32>} : memref<48x16xf32, #tpu.memory_space<vmem>>, vector<16xf32>,
      %add3A_430 = arith.addf %get3A_429, %get3A_1 : vector<16xf32>
      %select_n3A_431 = arith.select %gt3A_94, %add3A_430, %broadcast_in_dim3A_96 : vector<16xi1>, vector<16xf32>
      %swap3A_432 = arith.constant 33 : i32
      %swap3A_433 = arith.index_cast %swap3A_432 : i32 to index
      %swap3A_434 = arith.constant 0 : index
      %swap3A_435 = tpu.vector_load %arg22[%swap3A_433, %swap3A_434] {strides = array<i32>} : memref<48x16xf32, #tpu.memory_space<vmem>>, vector<16xf32>,
      tpu.vector_store %arg22[%swap3A_433, %swap3A_434], %select_n3A_431 {strides = array<i32>} : memref<48x16xf32, #tpu.memory_space<vmem>>, vector<16xf32>,
      %get3A_436 = arith.constant 34 : i32
      %get3A_437 = arith.index_cast %get3A_436 : i32 to index
      %get3A_438 = arith.constant 0 : index
      %get3A_439 = tpu.vector_load %arg21[%get3A_437, %get3A_438] {strides = array<i32>} : memref<48x16xf32, #tpu.memory_space<vmem>>, vector<16xf32>,
      %add3A_440 = arith.addf %get3A_439, %get3A_1 : vector<16xf32>
      %select_n3A_441 = arith.select %gt3A_94, %add3A_440, %broadcast_in_dim3A_96 : vector<16xi1>, vector<16xf32>
      %swap3A_442 = arith.constant 34 : i32
      %swap3A_443 = arith.index_cast %swap3A_442 : i32 to index
      %swap3A_444 = arith.constant 0 : index
      %swap3A_445 = tpu.vector_load %arg22[%swap3A_443, %swap3A_444] {strides = array<i32>} : memref<48x16xf32, #tpu.memory_space<vmem>>, vector<16xf32>,
      tpu.vector_store %arg22[%swap3A_443, %swap3A_444], %select_n3A_441 {strides = array<i32>} : memref<48x16xf32, #tpu.memory_space<vmem>>, vector<16xf32>,
      %get3A_446 = arith.constant 35 : i32
      %get3A_447 = arith.index_cast %get3A_446 : i32 to index
      %get3A_448 = arith.constant 0 : index
      %get3A_449 = tpu.vector_load %arg21[%get3A_447, %get3A_448] {strides = array<i32>} : memref<48x16xf32, #tpu.memory_space<vmem>>, vector<16xf32>,
      %add3A_450 = arith.addf %get3A_449, %get3A_1 : vector<16xf32>
      %select_n3A_451 = arith.select %gt3A_94, %add3A_450, %broadcast_in_dim3A_96 : vector<16xi1>, vector<16xf32>
      %swap3A_452 = arith.constant 35 : i32
      %swap3A_453 = arith.index_cast %swap3A_452 : i32 to index
      %swap3A_454 = arith.constant 0 : index
      %swap3A_455 = tpu.vector_load %arg22[%swap3A_453, %swap3A_454] {strides = array<i32>} : memref<48x16xf32, #tpu.memory_space<vmem>>, vector<16xf32>,
      tpu.vector_store %arg22[%swap3A_453, %swap3A_454], %select_n3A_451 {strides = array<i32>} : memref<48x16xf32, #tpu.memory_space<vmem>>, vector<16xf32>,
      %get3A_456 = arith.constant 36 : i32
      %get3A_457 = arith.index_cast %get3A_456 : i32 to index
      %get3A_458 = arith.constant 0 : index
      %get3A_459 = tpu.vector_load %arg21[%get3A_457, %get3A_458] {strides = array<i32>} : memref<48x16xf32, #tpu.memory_space<vmem>>, vector<16xf32>,
      %add3A_460 = arith.addf %get3A_459, %get3A_1 : vector<16xf32>
      %select_n3A_461 = arith.select %gt3A_94, %add3A_460, %broadcast_in_dim3A_96 : vector<16xi1>, vector<16xf32>
      %swap3A_462 = arith.constant 36 : i32
      %swap3A_463 = arith.index_cast %swap3A_462 : i32 to index
      %swap3A_464 = arith.constant 0 : index
      %swap3A_465 = tpu.vector_load %arg22[%swap3A_463, %swap3A_464] {strides = array<i32>} : memref<48x16xf32, #tpu.memory_space<vmem>>, vector<16xf32>,
      tpu.vector_store %arg22[%swap3A_463, %swap3A_464], %select_n3A_461 {strides = array<i32>} : memref<48x16xf32, #tpu.memory_space<vmem>>, vector<16xf32>,
      %get3A_466 = arith.constant 37 : i32
      %get3A_467 = arith.index_cast %get3A_466 : i32 to index
      %get3A_468 = arith.constant 0 : index
      %get3A_469 = tpu.vector_load %arg21[%get3A_467, %get3A_468] {strides = array<i32>} : memref<48x16xf32, #tpu.memory_space<vmem>>, vector<16xf32>,
      %add3A_470 = arith.addf %get3A_469, %get3A_1 : vector<16xf32>
      %select_n3A_471 = arith.select %gt3A_94, %add3A_470, %broadcast_in_dim3A_96 : vector<16xi1>, vector<16xf32>
      %swap3A_472 = arith.constant 37 : i32
      %swap3A_473 = arith.index_cast %swap3A_472 : i32 to index
      %swap3A_474 = arith.constant 0 : index
      %swap3A_475 = tpu.vector_load %arg22[%swap3A_473, %swap3A_474] {strides = array<i32>} : memref<48x16xf32, #tpu.memory_space<vmem>>, vector<16xf32>,
      tpu.vector_store %arg22[%swap3A_473, %swap3A_474], %select_n3A_471 {strides = array<i32>} : memref<48x16xf32, #tpu.memory_space<vmem>>, vector<16xf32>,
      %get3A_476 = arith.constant 38 : i32
      %get3A_477 = arith.index_cast %get3A_476 : i32 to index
      %get3A_478 = arith.constant 0 : index
      %get3A_479 = tpu.vector_load %arg21[%get3A_477, %get3A_478] {strides = array<i32>} : memref<48x16xf32, #tpu.memory_space<vmem>>, vector<16xf32>,
      %add3A_480 = arith.addf %get3A_479, %get3A_1 : vector<16xf32>
      %select_n3A_481 = arith.select %gt3A_94, %add3A_480, %broadcast_in_dim3A_96 : vector<16xi1>, vector<16xf32>
      %swap3A_482 = arith.constant 38 : i32
      %swap3A_483 = arith.index_cast %swap3A_482 : i32 to index
      %swap3A_484 = arith.constant 0 : index
      %swap3A_485 = tpu.vector_load %arg22[%swap3A_483, %swap3A_484] {strides = array<i32>} : memref<48x16xf32, #tpu.memory_space<vmem>>, vector<16xf32>,
      tpu.vector_store %arg22[%swap3A_483, %swap3A_484], %select_n3A_481 {strides = array<i32>} : memref<48x16xf32, #tpu.memory_space<vmem>>, vector<16xf32>,
      %get3A_486 = arith.constant 39 : i32
      %get3A_487 = arith.index_cast %get3A_486 : i32 to index
      %get3A_488 = arith.constant 0 : index
      %get3A_489 = tpu.vector_load %arg21[%get3A_487, %get3A_488] {strides = array<i32>} : memref<48x16xf32, #tpu.memory_space<vmem>>, vector<16xf32>,
      %add3A_490 = arith.addf %get3A_489, %get3A_1 : vector<16xf32>
      %select_n3A_491 = arith.select %gt3A_94, %add3A_490, %broadcast_in_dim3A_96 : vector<16xi1>, vector<16xf32>
      %swap3A_492 = arith.constant 39 : i32
      %swap3A_493 = arith.index_cast %swap3A_492 : i32 to index
      %swap3A_494 = arith.constant 0 : index
      %swap3A_495 = tpu.vector_load %arg22[%swap3A_493, %swap3A_494] {strides = array<i32>} : memref<48x16xf32, #tpu.memory_space<vmem>>, vector<16xf32>,
      tpu.vector_store %arg22[%swap3A_493, %swap3A_494], %select_n3A_491 {strides = array<i32>} : memref<48x16xf32, #tpu.memory_space<vmem>>, vector<16xf32>,
      %mul3A_496 = arith.constant 40 : i32
      %mul3A_497 = arith.muli %add3A_17, %mul3A_496 : i32
      "tpu.region"() ({
        %run_scoped3A = tpu.sem_alloc : memref<!tpu.dma_semaphore, #tpu.memory_space<semaphore_mem>>
        %dma_start3A_498 = arith.constant 0 : i32
        %dma_start3A_499 = arith.constant 0 : i32
        %dma_start3A_500 = tpu.memref_slice %arg22[%dma_start3A_498, %dma_start3A_499] : memref<48x16xf32, #tpu.memory_space<vmem>> -> memref<40x16xf32, #tpu.memory_space<vmem>>
        %dma_start3A_501 = arith.constant 0 : i32
        %dma_start3A_502 = tpu.memref_slice %arg9[%mul3A_497, %dma_start3A_501] : memref<5120x16xf32, #tpu.memory_space<hbm>> -> memref<40x16xf32, #tpu.memory_space<hbm>>
        %dma_start3A_503 = arith.constant 0 : i32
        %dma_start3A_504 = tpu.memref_slice %arg9[%mul3A_497, %dma_start3A_503] : memref<5120x16xf32, #tpu.memory_space<hbm>> -> memref<40x16xf32, #tpu.memory_space<hbm>>
        %dma_start3A_505 = arith.constant 0 : i32
        %dma_start3A_506 = arith.constant 0 : i32
        %dma_start3A_507 = tpu.memref_slice %arg22[%dma_start3A_505, %dma_start3A_506] : memref<48x16xf32, #tpu.memory_space<vmem>> -> memref<40x16xf32, #tpu.memory_space<vmem>>
        tpu.enqueue_dma source(%dma_start3A_507 : memref<40x16xf32, #tpu.memory_space<vmem>>) target(%dma_start3A_504 : memref<40x16xf32, #tpu.memory_space<hbm>>) target_semaphore(%run_scoped3A : memref<!tpu.dma_semaphore, #tpu.memory_space<semaphore_mem>>)
        %dma_wait3A_508 = arith.constant 0 : i32
        %dma_wait3A_509 = arith.constant 0 : i32
        %dma_wait3A_510 = tpu.memref_slice %arg22[%dma_wait3A_508, %dma_wait3A_509] : memref<48x16xf32, #tpu.memory_space<vmem>> -> memref<40x16xf32, #tpu.memory_space<vmem>>
        %dma_wait3A_511 = arith.constant 0 : i32
        %dma_wait3A_512 = tpu.memref_slice %arg9[%mul3A_497, %dma_wait3A_511] : memref<5120x16xf32, #tpu.memory_space<hbm>> -> memref<40x16xf32, #tpu.memory_space<hbm>>
        %dma_wait3A_513 = arith.constant 0 : i32
        %dma_wait3A_514 = tpu.memref_slice %arg9[%mul3A_497, %dma_wait3A_513] : memref<5120x16xf32, #tpu.memory_space<hbm>> -> memref<40x16xf32, #tpu.memory_space<hbm>>
        %dma_wait3A_515 = arith.constant 0 : i32
        %dma_wait3A_516 = arith.constant 0 : i32
        %dma_wait3A_517 = tpu.memref_slice %arg22[%dma_wait3A_515, %dma_wait3A_516] : memref<48x16xf32, #tpu.memory_space<vmem>> -> memref<40x16xf32, #tpu.memory_space<vmem>>
        tpu.wait_dma2 semaphore(%run_scoped3A : memref<!tpu.dma_semaphore, #tpu.memory_space<semaphore_mem>>) src(%dma_wait3A_517 : memref<40x16xf32, #tpu.memory_space<vmem>>) dst(%dma_wait3A_514 : memref<40x16xf32, #tpu.memory_space<hbm>>)
        tpu.yield
      }) : () -> ()
    }
    %scan3A_13 = arith.constant 4 : i32
    return
  }
}

module attributes {stable_mosaic.version = 14 : i64} {
  func.func @_tc_body(%arg0: i32, %arg1: i32, %arg2: memref<8x128x512xf32, #tpu.memory_space<vmem>>, %arg3: memref<512x128xf32, #tpu.memory_space<vmem>>, %arg4: memref<512x128xf32, #tpu.memory_space<vmem>>, %arg5: memref<1x128xf32, #tpu.memory_space<vmem>>, %arg6: memref<128x128xf32, #tpu.memory_space<vmem>>, %arg7: memref<64x16xf32, #tpu.memory_space<vmem>>, %arg8: memref<1x64xf32, #tpu.memory_space<vmem>>, %arg9: memref<8x128x128xf32, #tpu.memory_space<vmem>>, %arg10: memref<8x128x128xi32, #tpu.memory_space<vmem>>, %arg11: memref<8x16xf32, #tpu.memory_space<vmem>>, %arg12: memref<8x16xi32, #tpu.memory_space<vmem>>, %arg13: memref<1x16xf32, #tpu.memory_space<vmem>>) attributes {dimension_semantics = [#tpu.dimension_semantics<arbitrary>, #tpu.dimension_semantics<arbitrary>], iteration_bounds = array<i64: 16, 4>, scalar_prefetch = 0 : i64, scratch_operands = 0 : i64, tpu.core_type = #tpu.core_type<tc>, window_params = [{transform_indices = @transform_0, window_bounds = array<i64: 8, 128, 512>}, {pipeline_mode = #tpu.pipeline_mode<synchronous>, transform_indices = @transform_1, window_bounds = array<i64: 512, 128>}, {pipeline_mode = #tpu.pipeline_mode<synchronous>, transform_indices = @transform_2, window_bounds = array<i64: 512, 128>}, {pipeline_mode = #tpu.pipeline_mode<synchronous>, transform_indices = @transform_3, window_bounds = array<i64: 1, 128>}, {transform_indices = @transform_4, window_bounds = array<i64: 128, 128>}, {pipeline_mode = #tpu.pipeline_mode<synchronous>, transform_indices = @transform_5, window_bounds = array<i64: 64, 16>}, {pipeline_mode = #tpu.pipeline_mode<synchronous>, transform_indices = @transform_6, window_bounds = array<i64: 1, 64>}, {transform_indices = @transform_7, window_bounds = array<i64: 8, 128, 128>}, {transform_indices = @transform_8, window_bounds = array<i64: 8, 128, 128>}, {transform_indices = @transform_9, window_bounds = array<i64: 8, 16>}, {transform_indices = @transform_10, window_bounds = array<i64: 8, 16>}, {pipeline_mode = #tpu.pipeline_mode<synchronous>, transform_indices = @transform_11, window_bounds = array<i64: 1, 16>}]} {
    %get3A = arith.constant 0 : index
    %get3A_0 = arith.constant 0 : index
    %get3A_1 = arith.constant 0 : index
    %get3A_2 = vector.load %arg2[%get3A, %get3A_0, %get3A_1] : memref<8x128x512xf32, #tpu.memory_space<vmem>>, vector<8x128x512xf32>
    %reshape3A = vector.shape_cast %get3A_2 : vector<8x128x512xf32> to vector<1024x512xf32>
    %get3A_3 = arith.constant 0 : index
    %get3A_4 = arith.constant 0 : index
    %get3A_5 = vector.load %arg3[%get3A_3, %get3A_4] : memref<512x128xf32, #tpu.memory_space<vmem>>, vector<512x128xf32>
    %dot_general3A = arith.constant dense<0.000000e+00> : vector<1024x128xf32>
    %dot_general3A_6 = tpu.matmul %reshape3A, %get3A_5, %dot_general3A {dimension_numbers = #tpu.dot_dimension_numbers<[1], [0], [0], [1], [0, 0, 1, 1], [], []>, transpose_lhs_hint = false} : vector<1024x512xf32>, vector<512x128xf32>, vector<1024x128xf32> -> vector<1024x128xf32>
    %get3A_7 = arith.constant 0 : index
    %get3A_8 = arith.constant 0 : index
    %get3A_9 = vector.load %arg5[%get3A_7, %get3A_8] : memref<1x128xf32, #tpu.memory_space<vmem>>, vector<1x128xf32>
    %add3A = vector.broadcast %get3A_9 : vector<1x128xf32> to vector<1024x128xf32>
    %add3A_10 = arith.addf %dot_general3A_6, %add3A : vector<1024x128xf32>
    %reshape3A_11 = vector.shape_cast %add3A_10 : vector<1024x128xf32> to vector<8x128x128xf32>
    %get3A_12 = arith.constant 0 : index
    %get3A_13 = arith.constant 0 : index
    %get3A_14 = vector.load %arg6[%get3A_12, %get3A_13] : memref<128x128xf32, #tpu.memory_space<vmem>>, vector<128x128xf32>
    %broadcast_in_dim3A = vector.shape_cast %get3A_14 : vector<128x128xf32> to vector<1x128x128xf32>
    %add3A_15 = vector.broadcast %broadcast_in_dim3A : vector<1x128x128xf32> to vector<8x128x128xf32>
    %add3A_16 = arith.addf %reshape3A_11, %add3A_15 : vector<8x128x128xf32>
    %swap3A = arith.constant 0 : index
    %swap3A_17 = arith.constant 0 : index
    %swap3A_18 = arith.constant 0 : index
    %swap3A_19 = vector.load %arg9[%swap3A, %swap3A_17, %swap3A_18] : memref<8x128x128xf32, #tpu.memory_space<vmem>>, vector<8x128x128xf32>
    tpu.vector_store %arg9[%swap3A, %swap3A_17, %swap3A_18], %add3A_16 {strides = array<i32>} : memref<8x128x128xf32, #tpu.memory_space<vmem>>, vector<8x128x128xf32>,
    %abs3A = math.absf %reshape3A : vector<1024x512xf32>
    %get3A_20 = arith.constant 0 : index
    %get3A_21 = arith.constant 0 : index
    %get3A_22 = vector.load %arg4[%get3A_20, %get3A_21] : memref<512x128xf32, #tpu.memory_space<vmem>>, vector<512x128xf32>
    %dot_general3A_23 = arith.constant dense<0.000000e+00> : vector<1024x128xf32>
    %dot_general3A_24 = tpu.matmul %abs3A, %get3A_22, %dot_general3A_23 {dimension_numbers = #tpu.dot_dimension_numbers<[1], [0], [0], [1], [0, 0, 1, 1], [], []>, transpose_lhs_hint = false} : vector<1024x512xf32>, vector<512x128xf32>, vector<1024x128xf32> -> vector<1024x128xf32>
    %mul3A = arith.constant 1.562500e-02 : f32
    %mul3A_25 = vector.broadcast %mul3A : f32 to vector<1024x128xf32>
    %mul3A_26 = arith.mulf %dot_general3A_24, %mul3A_25 : vector<1024x128xf32>
    %gt3A = arith.constant 0.000000e+00 : f32
    %gt3A_27 = vector.broadcast %gt3A : f32 to vector<1024x128xf32>
    %gt3A_28 = arith.cmpf ogt, %mul3A_26, %gt3A_27 : vector<1024x128xf32>
    %convert_element_type3A = arith.extui %gt3A_28 : vector<1024x128xi1> to vector<1024x128xi32>
    %convert_element_type3A_29 = arith.sitofp %convert_element_type3A : vector<1024x128xi32> to vector<1024x128xf32>
    %convert_element_type3A_30 = arith.fptosi %convert_element_type3A_29 : vector<1024x128xf32> to vector<1024x128xi32>
    %reshape3A_31 = vector.shape_cast %convert_element_type3A_30 : vector<1024x128xi32> to vector<8x128x128xi32>
    %swap3A_32 = arith.constant 0 : index
    %swap3A_33 = arith.constant 0 : index
    %swap3A_34 = arith.constant 0 : index
    %swap3A_35 = vector.load %arg10[%swap3A_32, %swap3A_33, %swap3A_34] : memref<8x128x128xi32, #tpu.memory_space<vmem>>, vector<8x128x128xi32>
    tpu.vector_store %arg10[%swap3A_32, %swap3A_33, %swap3A_34], %reshape3A_31 {strides = array<i32>} : memref<8x128x128xi32, #tpu.memory_space<vmem>>, vector<8x128x128xi32>,
    %reshape3A_36 = vector.shape_cast %convert_element_type3A_29 : vector<1024x128xf32> to vector<8x16384xf32>
    %reduce_sum3A = arith.constant dense<0.000000e+00> : vector<8xf32>
    %reduce_sum3A_37 = vector.multi_reduction <add>, %reshape3A_36, %reduce_sum3A [1] : vector<8x16384xf32> to vector<8xf32>
    %broadcast_in_dim3A_38 = vector.shape_cast %reduce_sum3A_37 : vector<8xf32> to vector<8x1xf32>
    %mul3A_39 = arith.constant 6.250000e-02 : f32
    %mul3A_40 = vector.broadcast %mul3A_39 : f32 to vector<8x1xf32>
    %mul3A_41 = arith.mulf %broadcast_in_dim3A_38, %mul3A_40 : vector<8x1xf32>
    %broadcast_in_dim3A_42 = vector.shape_cast %mul3A_41 : vector<8x1xf32> to vector<8x1xf32>
    %broadcast_in_dim3A_43 = vector.broadcast %broadcast_in_dim3A_42 : vector<8x1xf32> to vector<8x16xf32>
    %eq3A = arith.constant 0 : i32
    %eq3A_44 = arith.cmpi eq, %arg1, %eq3A : i32
    %convert_element_type3A_45 = arith.extui %eq3A_44 : i1 to i32
    %cond3A = arith.constant 0 : i32
    %cond3A_46 = arith.cmpi ne, %convert_element_type3A_45, %cond3A : i32
    scf.if %cond3A_46 {
      %swap3A_72 = arith.constant 0 : index
      %swap3A_73 = arith.constant 0 : index
      %swap3A_74 = vector.load %arg11[%swap3A_72, %swap3A_73] : memref<8x16xf32, #tpu.memory_space<vmem>>, vector<8x16xf32>
      tpu.vector_store %arg11[%swap3A_72, %swap3A_73], %broadcast_in_dim3A_43 {strides = array<i32>} : memref<8x16xf32, #tpu.memory_space<vmem>>, vector<8x16xf32>,
    } else {
    }
    %gt3A_47 = arith.constant 0 : i32
    %gt3A_48 = arith.cmpi sgt, %arg1, %gt3A_47 : i32
    %convert_element_type3A_49 = arith.extui %gt3A_48 : i1 to i32
    %cond3A_50 = arith.constant 0 : i32
    %cond3A_51 = arith.cmpi ne, %convert_element_type3A_49, %cond3A_50 : i32
    scf.if %cond3A_51 {
      %get3A_72 = arith.constant 0 : index
      %get3A_73 = arith.constant 0 : index
      %get3A_74 = vector.load %arg11[%get3A_72, %get3A_73] : memref<8x16xf32, #tpu.memory_space<vmem>>, vector<8x16xf32>
      %add3A_75 = arith.addf %get3A_74, %broadcast_in_dim3A_43 : vector<8x16xf32>
      %swap3A_76 = arith.constant 0 : index
      %swap3A_77 = arith.constant 0 : index
      %swap3A_78 = vector.load %arg11[%swap3A_76, %swap3A_77] : memref<8x16xf32, #tpu.memory_space<vmem>>, vector<8x16xf32>
      tpu.vector_store %arg11[%swap3A_76, %swap3A_77], %add3A_75 {strides = array<i32>} : memref<8x16xf32, #tpu.memory_space<vmem>>, vector<8x16xf32>,
    } else {
    }
    %eq3A_52 = arith.constant 3 : i32
    %eq3A_53 = arith.cmpi eq, %arg1, %eq3A_52 : i32
    %convert_element_type3A_54 = arith.extui %eq3A_53 : i1 to i32
    %cond3A_55 = arith.constant 0 : i32
    %cond3A_56 = arith.cmpi ne, %convert_element_type3A_54, %cond3A_55 : i32
    scf.if %cond3A_56 {
      %get3A_72 = arith.constant 0 : index
      %get3A_73 = arith.constant 0 : index
      %get3A_74 = vector.load %arg11[%get3A_72, %get3A_73] : memref<8x16xf32, #tpu.memory_space<vmem>>, vector<8x16xf32>
      %mul3A_75 = arith.constant 4.000000e-01 : f32
      %mul3A_76 = vector.broadcast %mul3A_75 : f32 to vector<8x16xf32>
      %mul3A_77 = arith.mulf %get3A_74, %mul3A_76 : vector<8x16xf32>
      %ceil3A = math.ceil %mul3A_77 : vector<8x16xf32>
      %convert_element_type3A_78 = arith.fptosi %ceil3A : vector<8x16xf32> to vector<8x16xi32>
      %ge3A = arith.constant 2.000000e+01 : f32
      %ge3A_79 = vector.broadcast %ge3A : f32 to vector<8x16xf32>
      %ge3A_80 = arith.cmpf oge, %get3A_74, %ge3A_79 : vector<8x16xf32>
      %ge3A_81 = arith.constant 40 : i32
      %ge3A_82 = vector.broadcast %ge3A_81 : i32 to vector<8x16xi32>
      %ge3A_83 = arith.cmpi sge, %convert_element_type3A_78, %ge3A_82 : vector<8x16xi32>
      %and3A = arith.andi %ge3A_80, %ge3A_83 : vector<8x16xi1>
      %convert_element_type3A_84 = arith.extui %and3A : vector<8x16xi1> to vector<8x16xi32>
      %swap3A_85 = arith.constant 0 : index
      %swap3A_86 = arith.constant 0 : index
      %swap3A_87 = vector.load %arg12[%swap3A_85, %swap3A_86] : memref<8x16xi32, #tpu.memory_space<vmem>>, vector<8x16xi32>
      tpu.vector_store %arg12[%swap3A_85, %swap3A_86], %convert_element_type3A_84 {strides = array<i32>} : memref<8x16xi32, #tpu.memory_space<vmem>>, vector<8x16xi32>,
    } else {
    }
    %get3A_57 = arith.constant 0 : index
    %get3A_58 = arith.constant 0 : index
    %get3A_59 = vector.load %arg8[%get3A_57, %get3A_58] : memref<1x64xf32, #tpu.memory_space<vmem>>, vector<1x64xf32>
    %get3A_60 = arith.constant 0 : index
    %get3A_61 = arith.constant 0 : index
    %get3A_62 = vector.load %arg7[%get3A_60, %get3A_61] : memref<64x16xf32, #tpu.memory_space<vmem>>, vector<64x16xf32>
    %dot_general3A_63 = arith.constant dense<0.000000e+00> : vector<1x16xf32>
    %dot_general3A_64 = tpu.matmul %get3A_59, %get3A_62, %dot_general3A_63 {dimension_numbers = #tpu.dot_dimension_numbers<[1], [0], [0], [1], [0, 0, 1, 1], [], []>, transpose_lhs_hint = false} : vector<1x64xf32>, vector<64x16xf32>, vector<1x16xf32> -> vector<1x16xf32>
    %get3A_65 = arith.constant 0 : index
    %get3A_66 = arith.constant 0 : index
    %get3A_67 = vector.load %arg5[%get3A_65, %get3A_66] : memref<1x128xf32, #tpu.memory_space<vmem>>, vector<1x128xf32>
    %slice3A = vector.extract_strided_slice %get3A_67 {offsets = [0, 0], sizes = [1, 16], strides = [1, 1]} : vector<1x128xf32> to vector<1x16xf32>
    %add3A_68 = arith.addf %dot_general3A_64, %slice3A : vector<1x16xf32>
    %swap3A_69 = arith.constant 0 : index
    %swap3A_70 = arith.constant 0 : index
    %swap3A_71 = vector.load %arg13[%swap3A_69, %swap3A_70] : memref<1x16xf32, #tpu.memory_space<vmem>>, vector<1x16xf32>
    tpu.vector_store %arg13[%swap3A_69, %swap3A_70], %add3A_68 {strides = array<i32>} : memref<1x16xf32, #tpu.memory_space<vmem>>, vector<1x16xf32>,
    return
  }
  func.func @transform_0(%arg0: i32, %arg1: i32) -> (i32, i32, i32) {
    %c0_i32 = arith.constant 0 : i32
    %c0_i32_0 = arith.constant 0 : i32
    return %arg0, %arg1, %c0_i32 : i32, i32, i32
  }
  func.func @transform_1(%arg0: i32, %arg1: i32) -> (i32, i32) {
    %c0_i32 = arith.constant 0 : i32
    %c0_i32_0 = arith.constant 0 : i32
    %c0_i32_1 = arith.constant 0 : i32
    return %c0_i32, %c0_i32_0 : i32, i32
  }
  func.func @transform_2(%arg0: i32, %arg1: i32) -> (i32, i32) {
    %c0_i32 = arith.constant 0 : i32
    %c0_i32_0 = arith.constant 0 : i32
    %c0_i32_1 = arith.constant 0 : i32
    return %c0_i32, %c0_i32_0 : i32, i32
  }
  func.func @transform_3(%arg0: i32, %arg1: i32) -> (i32, i32) {
    %c0_i32 = arith.constant 0 : i32
    %c0_i32_0 = arith.constant 0 : i32
    %c0_i32_1 = arith.constant 0 : i32
    return %c0_i32, %c0_i32_0 : i32, i32
  }
  func.func @transform_4(%arg0: i32, %arg1: i32) -> (i32, i32) {
    %c0_i32 = arith.constant 0 : i32
    %c0_i32_0 = arith.constant 0 : i32
    return %arg1, %c0_i32 : i32, i32
  }
  func.func @transform_5(%arg0: i32, %arg1: i32) -> (i32, i32) {
    %c0_i32 = arith.constant 0 : i32
    %c0_i32_0 = arith.constant 0 : i32
    %c0_i32_1 = arith.constant 0 : i32
    return %c0_i32, %c0_i32_0 : i32, i32
  }
  func.func @transform_6(%arg0: i32, %arg1: i32) -> (i32, i32) {
    %c0_i32 = arith.constant 0 : i32
    %c0_i32_0 = arith.constant 0 : i32
    %c0_i32_1 = arith.constant 0 : i32
    return %c0_i32, %c0_i32_0 : i32, i32
  }
  func.func @transform_7(%arg0: i32, %arg1: i32) -> (i32, i32, i32) {
    %c0_i32 = arith.constant 0 : i32
    %c0_i32_0 = arith.constant 0 : i32
    return %arg0, %arg1, %c0_i32 : i32, i32, i32
  }
  func.func @transform_8(%arg0: i32, %arg1: i32) -> (i32, i32, i32) {
    %c0_i32 = arith.constant 0 : i32
    %c0_i32_0 = arith.constant 0 : i32
    return %arg0, %arg1, %c0_i32 : i32, i32, i32
  }
  func.func @transform_9(%arg0: i32, %arg1: i32) -> (i32, i32) {
    %c0_i32 = arith.constant 0 : i32
    %c0_i32_0 = arith.constant 0 : i32
    return %arg0, %c0_i32 : i32, i32
  }
  func.func @transform_10(%arg0: i32, %arg1: i32) -> (i32, i32) {
    %c0_i32 = arith.constant 0 : i32
    %c0_i32_0 = arith.constant 0 : i32
    return %arg0, %c0_i32 : i32, i32
  }
  func.func @transform_11(%arg0: i32, %arg1: i32) -> (i32, i32) {
    %c0_i32 = arith.constant 0 : i32
    %c0_i32_0 = arith.constant 0 : i32
    %c0_i32_1 = arith.constant 0 : i32
    return %c0_i32, %c0_i32_0 : i32, i32
  }
}

</mosaic_0001>

<sc_bundles>
// kernel: kernel.4.cloned.1.call-start
scs
__scs_entry_jumppad:
0x0: {  	(pc) =	sbr.rel $0x88, $3  }
0x1: {  	(tag) =	ssettag $0x0;
	lr =	simm.s32 $0x1  }
0x2: {  	[smem:$0x3F9C] =	sst lr;
	_ =	strace $0xD0000000  }
0x3: {  	_ = 	snop  }
0x4: {  	_ = 	snop  }
0x5: {  	_ = 	snop  }
0x6: {  	_ = 	snop  }
0x7: {  	_ = 	snop  }
__scs_overlays_trampoline_lowered:
0x8: {  	[smem:$0x3FAB] =	sst s0  }
0x9: {  	[smem:$0x3FAC] =	sst s1  }
0xa: {  	[smem:$0x3FAD] =	sst s2  }
0xb: {  	[smem:$0x3FAE] =	sst s3  }
0xc: {  	[smem:$0x3FAF] =	sst s4  }
0xd: {  	[smem:$0x3FB0] =	sst s5  }
0xe: {  	[smem:$0x3FB1] =	sst s6  }
0xf: {  	[smem:$0x3FB2] =	sst s7  }
0x10: {  	[smem:$0x3FB3] =	sst s8  }
0x11: {  	[smem:$0x3FB4] =	sst s9;
	s0 =	simm.s32 @!p0 $0x0  }
0x12: {  	s1 =	sld [smem:$0x3F9A];
	s0 =	simm.s32 @p0 $0x1  }
0x13: {  	[smem:$0x3FB5] =	sst s0;
	s0 =	simm.s32 @!p1 $0x0  }
0x14: {  	s2 =	sld [smem:$0x3F99];
	s0 =	simm.s32 @p1 $0x1  }
0x15: {  	[smem:$0x3FB6] =	sst s0;
	s0 =	simm.s32 @!p2 $0x0  }
0x16: {  	s3 =	sld [smem:$0x3FDB];
	s0 =	simm.s32 @p2 $0x1  }
0x17: {  	s4 =	simm.s32 $0x1BF5;
	[smem:$0x3FB8] =	sst s0  }
0x18: {  	s0 =	sld [smem:$0x3F9B];
	_ =	swait.ge [sflag:s4], $0x0  }
0x19: {  	s7 =	sld [smem:$0x3F9C]  }
0x1a: {  	s8 =	sadd.s32 $0xFFFFE003, lr  }
0x1b: {  	s9 =	sadd.s32 $0xFFFFFEF7, lr;
	s5 =	simm.s32 $0xFFFFFFFF;
	p2 =	slt.u32 s8, $0xFFFFF086  }
0x1c: {  	p1 =	slt.u32 s9, $0xF7A;
	s5 =	simm.s32 @!p2 $0x0  }
0x1d: {  	s5 =	simm.s32 @p1 $0x1;
	p0 =	seq.s32 s7, s2  }
0x1e: {  	s7 =	smul.u32 @!p0 $0xF7A, s2;
	p2 =	seq.s32 @!p0 s5, $0x0  }
0x1f: {  	s9 =	smul.u32 $0xF7A, s1;
	s8 =	simm.s32 @!p0 $0x1BF5;
	p2 =	por !p2, p0  }
0x20: {  	[sflag:s8] =	ssyncset.s32 @!p0 $0xFFFFF086;
	s6 =	sadd.s32 @!p0 s3, s7;
	s7 =	simm.s32 @!p0 $0x108  }
0x21: {  	s3 =	sadd.s32 s3, s9;
	s6 =	sadd.s32 @!p0 $0x88, s6;
	s7 =	simm.s32 @p2 $0x1082  }
0x22: {  	[simem:s7], [sflag:s8] =	dma.local @!p0 [hbm:s6], $0xF7A  }
0x23: {  	s9 =	sor.u32 $0xD0000000, s2;
	s6 =	simm.s32 $0x108;
	_ =	swait.ge @!p0 [sflag:s8], $0x0  }
0x24: {  	s3 =	sadd.s32 $0x88, s3;
	s6 =	simm.s32 @!p1 $0x1082;
	[sflag:s4] =	ssyncset.s32 $0xFFFFF086  }
0x25: {  	[simem:s6], [sflag:s4] =	dma.local [hbm:s3], $0xF7A  }
0x26: {  	[smem:$0x3F9C] =	sst s1;
	(tag) =	ssettag s2;
	_ =	strace s9  }
0x27: {  	s1 =	sld [smem:$0x3FAC]  }
0x28: {  	s2 =	sld [smem:$0x3FAD]  }
0x29: {  	s4 =	sld [smem:$0x3FAF]  }
0x2a: {  	p0 =	seq.s32 s5, $0x0;
	s5 =	sld [smem:$0x3FB0]  }
0x2b: {  	s6 =	sld [smem:$0x3FB1]  }
0x2c: {  	s7 =	sld [smem:$0x3FB2]  }
0x2d: {  	s3 =	simm.s32 $0x108;
	s8 =	sld [smem:$0x3FB3]  }
0x2e: {  	s3 =	simm.s32 @!p0 $0x1082;
	s9 =	sld [smem:$0x3FB4]  }
0x2f: {  	lr =	sadd.s32 s0, s3;
	s0 =	sld [smem:$0x3FAB]  }
0x30: {  	s3 =	sld [smem:$0x3FAE]  }
0x31: {  	[smem:$0x3FB7] =	sst s10  }
0x32: {  	s10 =	sld [smem:$0x3FB5];
	_ =	sdelay $0x3  }
0x33: {  	p0 =	seq.s32 s10, $0x1;
	s10 =	sld [smem:$0x3FB7];
	_ =	sdelay $0x3  }
0x34: {  	[smem:$0x3FB7] =	sst s10  }
0x35: {  	s10 =	sld [smem:$0x3FB6];
	_ =	sdelay $0x3  }
0x36: {  	p1 =	seq.s32 s10, $0x1;
	s10 =	sld [smem:$0x3FB7];
	_ =	sdelay $0x3  }
0x37: {  	[smem:$0x3FB7] =	sst s10  }
0x38: {  	s10 =	sld [smem:$0x3FB8]  }
0x39: {  	_ = 	snop;
	(pc) =	sbr.ind lr, $3  }
0x3a: {  	_ = 	snop  }
0x3b: {  	_ = 	snop  }
0x3c: {  	p2 =	seq.s32 s10, $0x1;
	s10 =	sld [smem:$0x3FB7]  }
0x3d: {  	_ =	shalt  }
0x3e: {  	_ =	shalt  }
0x3f: {  	_ =	shalt  }
0x40: {  	_ =	shalt  }
0x41: {  	_ =	shalt  }
0x42: {  	_ =	shalt  }
0x43: {  	_ =	shalt  }
0x44: {  	_ =	shalt  }
0x45: {  	_ =	shalt  }
0x46: {  	_ =	shalt  }
0x47: {  	_ =	shalt  }
0x48: {  	_ =	shalt  }
0x49: {  	_ =	shalt  }
0x4a: {  	_ =	shalt  }
0x4b: {  	_ =	shalt  }
0x4c: {  	_ =	shalt  }
0x4d: {  	_ =	shalt  }
0x4e: {  	_ =	shalt  }
0x4f: {  	_ =	shalt  }
0x50: {  	_ =	shalt  }
0x51: {  	_ =	shalt  }
0x52: {  	_ =	shalt  }
0x53: {  	_ =	shalt  }
0x54: {  	_ =	shalt  }
0x55: {  	_ =	shalt  }
0x56: {  	_ =	shalt  }
0x57: {  	_ =	shalt  }
0x58: {  	_ =	shalt  }
0x59: {  	_ =	shalt  }
0x5a: {  	_ =	shalt  }
0x5b: {  	_ =	shalt  }
0x5c: {  	_ =	shalt  }
0x5d: {  	_ =	shalt  }
0x5e: {  	_ =	shalt  }
0x5f: {  	_ =	shalt  }
0x60: {  	_ =	shalt  }
0x61: {  	_ =	shalt  }
0x62: {  	_ =	shalt  }
0x63: {  	_ =	shalt  }
0x64: {  	_ =	shalt  }
0x65: {  	_ =	shalt  }
0x66: {  	_ =	shalt  }
0x67: {  	_ =	shalt  }
0x68: {  	_ =	shalt  }
0x69: {  	_ =	shalt  }
0x6a: {  	_ =	shalt  }
0x6b: {  	_ =	shalt  }
0x6c: {  	_ =	shalt  }
0x6d: {  	_ =	shalt  }
0x6e: {  	_ =	shalt  }
0x6f: {  	_ =	shalt  }
0x70: {  	_ =	shalt  }
0x71: {  	_ =	shalt  }
0x72: {  	_ =	shalt  }
0x73: {  	_ =	shalt  }
0x74: {  	_ =	shalt  }
0x75: {  	_ =	shalt  }
0x76: {  	_ =	shalt  }
0x77: {  	_ =	shalt  }
0x78: {  	_ =	shalt  }
0x79: {  	_ =	shalt  }
0x7a: {  	_ =	shalt  }
0x7b: {  	_ =	shalt  }
0x7c: {  	_ =	shalt  }
0x7d: {  	_ =	shalt  }
0x7e: {  	_ =	shalt  }
0x7f: {  	_ =	shalt  }
0x80: {  	_ =	shalt  }
0x81: {  	_ =	shalt  }
0x82: {  	_ =	shalt  }
0x83: {  	_ =	shalt  }
0x84: {  	_ =	shalt  }
0x85: {  	_ =	shalt  }
0x86: {  	_ =	shalt  }
0x87: {  	_ =	shalt  }
.Lfunc_end0:
.L_simem_size_0:
called_computation_lowered:
.L_overlay_start_0:
0x88: {  	s2 =	sld [smem:$0x3FD9]  }
0x89: {  	s3 =	sld [smem:$0x3FFE];
	_ =	sdelay $0x1  }
0x8a: {  	s1 =	srdreg.scid  }
0x8b: {  	s0 =	sand.u32 $0x1, s1  }
0x8c: {  	s14 =	sshll.u32 s0, $0xA;
	s2 =	sadd.s32 s3, s2  }
0x8d: {  	s2 =	sadd.s32 s2, s14  }
0x8e: {  	[smem:$0x3FC3] =	sst s2  }
0x8f: {  	_ = 	snop  }
0x90: {  	s2 =	sld [smem:$0x3FD0];
	_ =	sdelay $0x2  }
0x91: {  	s15 =	simm.s32 $0xA;
	s4 =	simm.s32 $0x10  }
0x92: {  	[smem:s4], [sflag:s15] =	dma.local [hbm:s2], $0x1  }
0x93: {  	_ =	swait.eq [sflag:s15], $0x1  }
0x94: {  	s16 =	sld [smem:$0x10]  }
0x95: {  	s17 =	sld [smem:$0x11]  }
0x96: {  	s5 =	sld [smem:$0x12];
	[sflag:s15] =	ssyncset.done $0x0  }
0x97: {  	s6 =	sld [smem:$0x13];
	[sflag:s15] =	ssyncadd.s32 $0xFFFFFFFF  }
0x98: {  	s18 =	sld [smem:$0x14];
	(tm) =	ssettm $0x1  }
0x99: {  	s7 =	sld [smem:$0x3FFB];
	_ =	sdelay $0x3  }
0x9a: {  	_ =	strace s7  }
0x9b: {  	s7 =	sld [smem:$0x3FFC];
	_ =	sdelay $0x3  }
0x9c: {  	_ =	strace s7  }
0x9d: {  	s7 =	sld [smem:$0x3FFD];
	_ =	sdelay $0x3  }
0x9e: {  	_ =	strace s7  }
0x9f: {  	_ =	strace $0x8FFFFFFF  }
0xa0: {  	s19 =	sld [smem:$0x3FDB];
	_ =	sdelay $0x1  }
0xa1: {  	s8 =	simm.s32 $_scs_section_size  }
0xa2: {  	s9 =	simm.s32 $_size__tile_overlayer_lowered;
	s10 =	simm.s32 $_tile_overlayer_lowered  }
0xa3: {  	s22 =	simm.s32 $0x1BFF;
	s21 =	sshll.u32 s10, $0x1;
	s7 =	sadd.s32 s8, s19  }
0xa4: {  	s11 =	simm.s32 $0x0;
	s20 =	sshll.u32 s9, $0x1;
	s9 =	sadd.s32 s21, s7  }
0xa5: {  	[timem:s11], [sflag:s22] =	dma.local [hbm:s9], s20  }
0xa6: {  	_ =	swait.ge [sflag:s22], s20  }
0xa7: {  	s8 =	ssub.s32 $0x0, s20;
	[sflag:s22] =	ssyncset.done $0x0  }
0xa8: {  	[sflag:s22] =	ssyncadd.s32 s8;
	_ =	sdelay $0x1  }
0xa9: {  	s23 =	simm.s32 $0x1B8B  }
0xaa: {  	_ =	swait.ge [sflag:s23], $0x1  }
0xab: {  	[sflag:s23] =	ssyncset.done $0x0  }
0xac: {  	s25 =	simm.s32 $0x1B8E;
	s24 =	sld [smem:$0x3FFE];
	[sflag:s23] =	ssyncadd.s32 $0xFFFFFFFF  }
0xad: {  	s26 =	simm.s32 $execute0_lowered;
	[smem:$0x3FD2] =	sst s25  }
0xae: {  	s9 =	sshll.u32 s26, $0x1;
	_ =	strace $0x80000046;
	[dreg:$0x1] =	wrdreg $0xFFFFFFFF  }
0xaf: {  	s28 =	simm.s32 $_size_execute0_lowered;
	s7 =	sadd.s32 s7, s9;
	[dreg:$0x0] =	wrdreg $0x0  }
0xb0: {  	s9 =	sshll.u32 s28, $0x1;
	[dreg:$0x2] =	wrdreg s7  }
0xb1: {  	[dreg:$0x3] =	wrdreg s9  }
0xb2: {  	[dreg:$0x4] =	wrdreg $0xC0  }
0xb3: {  	_ =	task [dreg:s11], $0x5FFFF  }
0xb4: {  	[dreg:$0x1] =	wrdreg $0xFFFFFFFF  }
0xb5: {  	[dreg:$0x0] =	wrdreg $0x60  }
0xb6: {  	[dreg:$0x2] =	wrdreg s24  }
0xb7: {  	[dreg:$0x3] =	wrdreg s16  }
0xb8: {  	[dreg:$0x4] =	wrdreg s5  }
0xb9: {  	[dreg:$0x5] =	wrdreg s17  }
0xba: {  	[dreg:$0x6] =	wrdreg s6  }
0xbb: {  	[dreg:$0x7] =	wrdreg s18  }
0xbc: {  	[dreg:$0x8] =	wrdreg $0x9  }
0xbd: {  	_ =	task.clear_ibuf [dreg:s11], $0x9FFFF;
	_ =	strace $0x90000046  }
0xbe: {  	s29 =	simm.s32 $0x9;
	_ =	strace $0x80000048  }
0xbf: {  	_ =	swait.ge [sflag:s29], $0x1  }
0xc0: {  	[sflag:s29] =	ssyncadd.s32 $0xFFFFFFFF  }
0xc1: {  	_ =	strace $0x90000048  }
0xc2: {  	_ =	sfence  }
0xc3: {  	s30 =	sld [smem:$0x0];
	_ =	sdelay $0x2  }
0xc4: {  	s31 =	sshll.u32 s1, $0xD;
	s1 =	sshrl.u32 s1, $0x2  }
0xc5: {  	s3 =	sand.u32 $0x4000, s31;
	s1 =	sadd.s32 s1, s30  }
0xc6: {  	s0 =	sor.u32 s3, s0;
	s1 =	sshll.u32 s1, $0x11  }
0xc7: {  	s0 =	sor.u32 s1, s0  }
0xc8: {  	s0 =	sadd.s32 $0x8F2B, s0  }
0xc9: {  	[sflag:s0] =	ssyncadd.remote.s32 $0x1  }
0xca: {  	_ =	sfence.sel $0xFFFF  }
0xcb: {  	[dreg:$0x0] =	wrdreg $0xFFFFFFFF;
	(pc) =	sbr.abs _section_cstart, $3  }
0xcc: {  	[dreg:$0x1] =	wrdreg $0xFFFFFFFF  }
0xcd: {  	_ =	task.clear_ibuf [dreg:s11], $0x2FFFF;
	_ =	strace $0x9FFFFFFF  }
0xce: {  	(tm) =	ssettm $0x7FFFFFFF  }
0xcf: {  	_ =	shalt  }
tec
execute0_lowered:
.L_overlay_start_1:
0x0: {  	(tag) =	ssettag $0x1  }
0x1: {  	s0 =	rddreg [dreg:$0x0];
	s1 =	simm.s32 $0x0;
	s5 =	simm.s32 $0x0  }
0x2: {  	s26 =	srdreg.scid;
	s4 =	stileid.u32;
	s17 =	simm.s32 $0x2  }
0x3: {  	s18 =	simm.s32 $0x1000;
	s20 =	simm.s32 $0x14000;
	s22 =	simm.s32 $0x12000  }
0x4: {  	s23 =	simm.s32 $0x13000;
	s24 =	simm.s32 $0x80;
	[smem:$0x7FF] =	sst s1  }
0x5: {  	s7 =	sadd.s32 $0x3A00, s0;
	s8 =	sadd.s32 $0x1A00, s0;
	s2 =	sadd.s32 $0x103A00, s0  }
0x6: {  	s28 =	sadd.s32 $0x203C00, s0;
	s1 =	sand.u32 $0x1, s26;
	s29 =	sadd.s32 $0x203A00, s0  }
0x7: {  	s4 =	sshll.u32 s4, $0x3;
	_ =	strace $0x80000047;
	[dreg:$0x7] =	wrdreg s2  }
0x8: {  	s0 =	sadd.s32 $0x203E00, s0;
	[dreg:$0x8] =	wrdreg s28;
	s30 =	ssub.s32 $0x2, s1  }
0x9: {  	[dreg:$0x9] =	wrdreg s29;
	s1 =	sshll.u32 s1, $0x2;
	s3 =	sshrl.u32 s30, $0x1  }
0xa: {  	[dreg:$0xa] =	wrdreg s0;
	s1 =	sor.u32 s1, s4;
	s31 =	ssub.s32 s30, s3  }
0xb: {  	s19 =	simm.s32 $0x1;
	[dreg:$0xb] =	wrdreg s1;
	s0 =	smax.u32 s31, $0x1  }
0xc: {  	v0 =	vimm.s32 $0x0;
	v1 =	vimm.s32 $0x1;
	v2 =	vlaneseq.u32;
	s14 =	simm.s32 $0x14650;
	s1 =	simm.s32 $0x0;
	[dreg:$0xc] =	wrdreg s0  }
.LBB2_1:
0xd: {  	[dreg:$0xd] =	wrdreg s1  }
0xe: {  	s0 =	rddreg [dreg:$0x9];
	s2 =	simm.s32 $0x14040  }
0xf: {  	[tilespmem:s2], [sflag:$0x2] =	stream.linear.gather [hbm4b:s0+s5], $0x10, $0x38;
	[tilespmem:$0x1C650] =	vst v63  }
0x10: {  	_ =	swait.ge [sflag:s17], $0x10  }
0x11: {  	[sflag:s17] =	ssyncset.done $0x0  }
0x12: {  	[sflag:s17] =	ssyncadd.s32 $0xFFFFFFF0  }
0x13: {  	s10 =	simm.s32 $0x0;
	s2 =	simm.s32 $0x40;
	v3 =	vld [tilespmem:$0x14040]  }
.LBB2_2:
0x14: {  	p0 =	sne.s32 s2, $0x3FC0;
	[tilespmem:s10+$0x13000] =	vst v0;
	s11 =	smov.u32 s2;
	s2 =	sadd.s32 $0x40, s2  }
.Ltmp0:
0x15: {  	[tilespmem:s10+$0x11000] =	vst v0;
	(pc) =	sbr.rel @p0 .LBB2_2-.Ltmp0, $2  }
0x16: {  	[tilespmem:s10+$0x12000] =	vst v0;
	_ =	sdelay $0x2  }
0x17: {  	s10 =	sshra.s32 s11, $0x2  }
0x18: {  	[tilespmem:s10+$0x13000] =	vst v0  }
0x19: {  	[tilespmem:s10+$0x11000] =	vst v0  }
0x1a: {  	[tilespmem:s10+$0x12000] =	vst v0;
	s10 =	simm.s32 $0x0  }
.LBB2_4:
0x1b: {  	s0 =	rddreg [dreg:$0xb]  }
0x1c: {  	s11 =	sadd.s32 s0, s10  }
0x1d: {  	s15 =	rddreg [dreg:$0x7];
	s2 =	sshll.u32 s11, $0xD  }
0x1e: {  	s1 =	simm.s32 $0x0;
	s2 =	sadd.s32 s15, s2  }
0x1f: {  	[tilespmem:s18], [sflag:$0x2] =	stream.linear.gather [hbm4b:s2+s1], $0x10000, $0x38;
	[tilespmem:$0x1C650] =	vst v63  }
0x20: {  	_ =	swait.ge [sflag:s17], $0x10000  }
0x21: {  	[sflag:s17] =	ssyncset.done $0x0  }
0x22: {  	[sflag:s17] =	ssyncadd.s32 $0xFFFF0000  }
0x23: {  	s16 =	sshll.u32 s11, $0x9;
	s21 =	rddreg [dreg:$0x1]  }
0x24: {  	s2 =	sadd.s32 s21, s16  }
0x25: {  	[tilespmem:s1], [sflag:$0x2] =	stream.linear.gather [hbm4b:s2+s1], $0x1000, $0x38;
	[tilespmem:$0x1C650] =	vst v63  }
0x26: {  	_ =	swait.ge [sflag:s17], $0x1000  }
0x27: {  	s25 =	sshll.u32 s11, $0x1;
	[sflag:s17] =	ssyncset.done $0x0;
	s26 =	rddreg [dreg:$0x8]  }
0x28: {  	s29 =	simm.s32 $0x14030;
	[sflag:s17] =	ssyncadd.s32 $0xFFFFF000;
	s2 =	sadd.s32 s26, s25  }
0x29: {  	[tilespmem:s29], [sflag:$0x2] =	stream.linear.gather [hbm4b:s2+s1], $0x10, $0x38;
	[tilespmem:$0x1C650] =	vst v63  }
0x2a: {  	_ =	swait.ge [sflag:s17], $0x10  }
0x2b: {  	[sflag:s17] =	ssyncset.done $0x0  }
0x2c: {  	[sflag:s17] =	ssyncadd.s32 $0xFFFFFFF0  }
0x2d: {  	v4 =	vld [tilespmem:$0x14030];
	_ =	sdelay $0x4  }
0x2e: {  	v4 =	vxor.u32 $0x80000000, v4  }
0x2f: {  	(xrf0) =	vmax.scan.msk.u32 $0xffff, v4;
	_ =	sdelay $0x5  }
0x30: {  	v4, _, _ =	vpop (xrf0)  }
0x31: {  	(v2sf) =	vpush v4, $0xF;
	_ =	sdelay $0xe  }
0x32: {  	s30 =	spop (v2sf)  }
0x33: {  	s31 =	sxor.u32 $0x80000000, s30  }
0x34: {  	p0 =	slt.s32 s31, $0x1  }
.Ltmp1:
0x35: {  	_ = 	snop;
	(pc) =	sbr.rel @p0 .LBB2_7-.Ltmp1, $4  }
0x36: {  	_ = 	snop  }
0x37: {  	[tilespmem:$0x14000] =	vst v0  }
0x38: {  	s13 =	simm.s32 $0x0;
	[tilespmem:$0x14010] =	vst v0  }
0x39: {  	s28 =	simm.s32 $0x0;
	s2 =	simm.s32 $0x0;
	[tilespmem:$0x14020] =	vst v0;
	[dreg:$0xe] =	wrdreg s31  }
.LBB2_5:
0x3a: {  	v4 =	vld [tilespmem:s2+$0x0];
	_ =	sdelay $0x4  }
0x3b: {  	v5 =	vshra.s32 v4, $0x1F  }
0x3c: {  	v5 =	vshrl.u32 v5, $0x1D  }
0x3d: {  	v5 =	vadd.s32 v5, v4  }
0x3e: {  	v5 =	vshra.s32 v5, $0x3  }
0x3f: {  	v6 =	vshll.u32 v5, $0x3  }
0x40: {  	vm0 =	vlt.s32 v4, $0x1;
	vm1 =	vne.s32 v4, v6  }
0x41: {  	vm0 =	vmand vm0, vm1  }
0x42: {  	v6 =	vsub.s32 v4, v6;
	v7 =	vsel vm0, $0xFFFFFFFF, v0  }
0x43: {  	v6 =	vshll.u32 v6, $0x4;
	v5 =	vadd.s32 v7, v5  }
0x44: {  	v6 =	vand.u32 $0x70, v6;
	v5 =	vshll.u32 v5, $0x7  }
0x45: {  	v5 =	vor.u32 v6, v5;
	_ =	sdelay $0x4  }
0x46: {  	v5 =	vld.idx.msk [tilespmem:v5+s18+$0x0], $0xffff;
	_ =	sdelay $0x4  }
0x47: {  	(xrf0) =	vadd.scan.msk.s32 $0xffff, v5;
	_ =	sdelay $0x5  }
0x48: {  	v62, _, _ =	vpop (xrf0)  }
0x49: {  	(v2sf) =	vpush v62, $0xF;
	_ =	sdelay $0xa  }
0x4a: {  	v63 =	vmov s13  }
0x4b: {  	v7 =	vadd.s32 $0xFFFFFFFF, v63  }
0x4c: {  	v7 =	vbroadcast v7, $0x0;
	_ =	sdelay $0x1  }
0x4d: {  	v6 =	vadd.s32 v62, v7;
	s30 =	spop (v2sf)  }
0x4e: {  	p0 =	sgt.u32 s28, $0xFE;
	vm14 =	vgt.s32 v5, $0x0;
	vm15 =	vlt.s32 v6, $0x28;
	s13 =	sadd.s32 s13, s30  }
0x4f: {  	vm0 =	vmand vm14, vm15;
	p1 =	slt.s32 @!p0 s13, $0x28  }
0x50: {  	p0 =	por p0, !p1  }
.Ltmp2:
0x51: {  	_ = 	snop;
	(pc) =	sbr.rel @!p0 .LBB2_5-.Ltmp2, $2  }
0x52: {  	_ =	sdelay $0x2  }
0x53: {  	s28 =	sadd.s32 $0x1, s28;
	s2 =	sadd.s32 $0x10, s2;
	[tilespmem:v6+s20+$0x0] =	vst.idx.msk vm0, v4  }
0x54: {  	v4 =	vld [tilespmem:$0x14000];
	_ =	sdelay $0x6  }
0x55: {  	s0 =	simm.s32 $0x11000  }
0x56: {  	[tilespmem:v4+s0+$0x0] =	vst.idx.msk $0xffff, v1  }
0x57: {  	v4 =	vld [tilespmem:$0x14010];
	_ =	sdelay $0x7  }
0x58: {  	[tilespmem:v4+s0+$0x0] =	vst.idx.msk $0xffff, v1  }
0x59: {  	v4 =	vld [tilespmem:$0x14020];
	_ =	sdelay $0x7  }
0x5a: {  	[tilespmem:v4+s0+$0x0] =	vst.idx.msk $0xff, v1  }
.LBB2_7:
0x5b: {  	s13 =	simm.s32 $0x11000  }
0x5c: {  	v4 =	vld [tilespmem:s13+$0x0];
	_ =	sdelay $0x4  }
0x5d: {  	vm0 =	veq.s32 v4, $0x0  }
0x5e: {  	v4 =	vsel vm0, $0x1, v0  }
0x5f: {  	(xrf0) =	vadd.scan.msk.s32 $0xffff, v4;
	_ =	sdelay $0x1  }
0x60: {  	s2 =	simm.s32 $0x0  }
0x61: {  	v4 =	vmov s2  }
0x62: {  	v4 =	vadd.s32 $0xFFFFFFFF, v4  }
0x63: {  	v4 =	vbroadcast v4, $0x0  }
0x64: {  	v5, _, _ =	vpop (xrf0)  }
0x65: {  	v6 =	vadd.s32 v5, v4;
	(v2sf) =	vpush v5, $0xF;
	_ =	sdelay $0x2  }
0x66: {  	s28 =	sshll.u32 s11, $0xC  }
0x67: {  	v7 =	vor.u32 s2, v2;
	v4 =	vor.u32 s28, v2  }
0x68: {  	[tilespmem:v6+s22+$0x0] =	vst.idx.msk vm0, v7;
	v7 =	vor.u32 s2, v4  }
0x69: {  	[tilespmem:v6+s23+$0x0] =	vst.idx.msk vm0, v7  }
0x6a: {  	[tilespmem:s13+$0x0] =	vst v0;
	s13 =	simm.s32 $0x11010  }
0x6b: {  	s30 =	simm.s32 $0x20;
	s28 =	simm.s32 $0x10;
	v5 =	vld [tilespmem:s13+$0x0]  }
.LBB2_8:
0x6c: {  	p0 =	sne.s32 s30, $0xFF0;
	_ =	sdelay $0x3  }
0x6d: {  	vm0 =	veq.s32 v5, $0x0  }
0x6e: {  	v5 =	vsel vm0, $0x1, v0  }
0x6f: {  	(xrf0) =	vadd.scan.msk.s32 $0xffff, v5;
	s0 =	spop (v2sf)  }
0x70: {  	s2 =	sadd.s32 s2, s0  }
0x71: {  	v5 =	vmov s2  }
0x72: {  	v5 =	vadd.s32 $0xFFFFFFFF, v5  }
0x73: {  	v5 =	vbroadcast v5, $0x0;
	_ =	sdelay $0x1  }
0x74: {  	v6, _, _ =	vpop (xrf0)  }
0x75: {  	v5 =	vadd.s32 v6, v5;
	(v2sf) =	vpush v6, $0xF;
	_ =	sdelay $0x3  }
.Ltmp3:
0x76: {  	v6 =	vor.u32 s28, v2;
	(pc) =	sbr.rel @p0 .LBB2_8-.Ltmp3, $4  }
0x77: {  	[tilespmem:v5+s22+$0x0] =	vst.idx.msk vm0, v6;
	v6 =	vor.u32 s28, v4;
	s28 =	smov.u32 s30  }
0x78: {  	[tilespmem:v5+s23+$0x0] =	vst.idx.msk vm0, v6  }
0x79: {  	[tilespmem:s13+$0x0] =	vst v0;
	s13 =	sadd.s32 $0x10, s13  }
0x7a: {  	s30 =	sadd.s32 $0x10, s30;
	v5 =	vld [tilespmem:s13+$0x0]  }
0x7b: {  	_ =	sdelay $0x3  }
0x7c: {  	vm0 =	veq.s32 v5, $0x0  }
0x7d: {  	v5 =	vsel vm0, $0x1, v0  }
0x7e: {  	(xrf0) =	vadd.scan.msk.s32 $0xffff, v5;
	_ =	sdelay $0x5  }
0x7f: {  	v5, _, _ =	vpop (xrf0)  }
0x80: {  	s0 =	spop (v2sf);
	(v2sf) =	vpush v5, $0xF  }
0x81: {  	s0 =	sadd.s32 s2, s0  }
0x82: {  	v6 =	vmov s0  }
0x83: {  	v6 =	vadd.s32 $0xFFFFFFFF, v6  }
0x84: {  	v6 =	vbroadcast v6, $0x0;
	_ =	sdelay $0x1  }
0x85: {  	v5 =	vadd.s32 v5, v6;
	_ =	sdelay $0x3  }
0x86: {  	v12 =	vor.u32 s28, v2  }
0x87: {  	v4 =	vor.u32 s28, v4;
	s3 =	smul.u32 $0x5, s11;
	[tilespmem:v5+s22+$0x0] =	vst.idx.msk vm0, v12  }
0x88: {  	s2 =	rddreg [dreg:$0x4];
	[tilespmem:v5+s23+$0x0] =	vst.idx.msk vm0, v4  }
0x89: {  	s1 =	simm.s32 $0x0;
	s0 =	sadd.s32 s2, s3;
	[tilespmem:s13+$0x0] =	vst v0  }
0x8a: {  	[hbm4b:s0+s1] =	stream.linear.scatter [tilespmem:s20], [sflag:$0x2], $0x28, $0x38;
	[tilespmem:$0x1C650] =	vst v63  }
0x8b: {  	s4 =	spop (v2sf)  }
0x8c: {  	_ =	swait.ge [sflag:s17], $0x28  }
0x8d: {  	[sflag:s17] =	ssyncset.done $0x0  }
0x8e: {  	s5 =	smul.u32 $0x1FB, s11;
	[sflag:s17] =	ssyncadd.s32 $0xFFFFFFD8  }
0x8f: {  	s6 =	rddreg [dreg:$0x5]  }
0x90: {  	s0 =	sadd.s32 s6, s5  }
0x91: {  	[hbm4b:s0+s1] =	stream.linear.scatter [tilespmem:s22], [sflag:$0x2], $0xFD8, $0x38;
	[tilespmem:$0x1C650] =	vst v63  }
0x92: {  	_ =	swait.ge [sflag:s17], $0xFD8  }
0x93: {  	[sflag:s17] =	ssyncset.done $0x0  }
0x94: {  	[sflag:s17] =	ssyncadd.s32 $0xFFFFF028  }
0x95: {  	[tilespmem:s14], [sflag:$0x1] =	stream.indirect.gather [hbm4b:s7+s24], $0x10, s23, s24, $0xb8;
	[tilespmem:$0x1C650] =	vst v63  }
0x96: {  	s9 =	simm.s32 $0x13080;
	s12 =	simm.s32 $0x14E50  }
0x97: {  	[tilespmem:s12], [sflag:$0x1] =	stream.indirect.gather [hbm4b:s7+s24], $0x10, s9, s24, $0xb8;
	[tilespmem:$0x1C650] =	vst v63  }
0x98: {  	s15 =	simm.s32 $0x13100;
	s16 =	simm.s32 $0x15650  }
0x99: {  	[tilespmem:s16], [sflag:$0x1] =	stream.indirect.gather [hbm4b:s7+s24], $0x10, s15, s24, $0xb8;
	[tilespmem:$0x1C650] =	vst v63  }
0x9a: {  	s21 =	simm.s32 $0x13180;
	s25 =	simm.s32 $0x15E50  }
0x9b: {  	[tilespmem:s25], [sflag:$0x1] =	stream.indirect.gather [hbm4b:s7+s24], $0x10, s21, s24, $0xb8;
	[tilespmem:$0x1C650] =	vst v63  }
0x9c: {  	s26 =	simm.s32 $0x13200;
	s28 =	simm.s32 $0x16650  }
0x9d: {  	[tilespmem:s28], [sflag:$0x1] =	stream.indirect.gather [hbm4b:s7+s24], $0x10, s26, s24, $0xb8;
	[tilespmem:$0x1C650] =	vst v63  }
0x9e: {  	s29 =	simm.s32 $0x13280;
	s31 =	simm.s32 $0x16E50  }
0x9f: {  	[tilespmem:s31], [sflag:$0x1] =	stream.indirect.gather [hbm4b:s7+s24], $0x10, s29, s24, $0xb8;
	[tilespmem:$0x1C650] =	vst v63  }
0xa0: {  	s2 =	simm.s32 $0x13300;
	s4 =	simm.s32 $0x17650  }
0xa1: {  	[tilespmem:s4], [sflag:$0x1] =	stream.indirect.gather [hbm4b:s7+s24], $0x10, s2, s24, $0xb8;
	[tilespmem:$0x1C650] =	vst v63  }
0xa2: {  	s6 =	simm.s32 $0x13380;
	s9 =	simm.s32 $0x17E50  }
0xa3: {  	[tilespmem:s9], [sflag:$0x1] =	stream.indirect.gather [hbm4b:s7+s24], $0x10, s6, s24, $0xb8;
	[tilespmem:$0x1C650] =	vst v63  }
0xa4: {  	_ =	swait.ge [sflag:s19], $0x800  }
0xa5: {  	[sflag:s19] =	ssyncset.done $0x0  }
0xa6: {  	[sflag:s19] =	ssyncadd.s32 $0xFFFFF800  }
0xa7: {  	_ =	swait.ge [sflag:s19], $0x800  }
0xa8: {  	[sflag:s19] =	ssyncset.done $0x0  }
0xa9: {  	[sflag:s19] =	ssyncadd.s32 $0xFFFFF800  }
0xaa: {  	_ =	swait.ge [sflag:s19], $0x800  }
0xab: {  	[sflag:s19] =	ssyncset.done $0x0  }
0xac: {  	[sflag:s19] =	ssyncadd.s32 $0xFFFFF800  }
0xad: {  	_ =	swait.ge [sflag:s19], $0x800  }
0xae: {  	[sflag:s19] =	ssyncset.done $0x0  }
0xaf: {  	[sflag:s19] =	ssyncadd.s32 $0xFFFFF800  }
0xb0: {  	_ =	swait.ge [sflag:s19], $0x800  }
0xb1: {  	[sflag:s19] =	ssyncset.done $0x0  }
0xb2: {  	[sflag:s19] =	ssyncadd.s32 $0xFFFFF800  }
0xb3: {  	_ =	swait.ge [sflag:s19], $0x800  }
0xb4: {  	[sflag:s19] =	ssyncset.done $0x0  }
0xb5: {  	[sflag:s19] =	ssyncadd.s32 $0xFFFFF800  }
0xb6: {  	_ =	swait.ge [sflag:s19], $0x800  }
0xb7: {  	[sflag:s19] =	ssyncset.done $0x0  }
0xb8: {  	[sflag:s19] =	ssyncadd.s32 $0xFFFFF800  }
0xb9: {  	_ =	swait.ge [sflag:s19], $0x800  }
0xba: {  	[sflag:s19] =	ssyncset.done $0x0  }
0xbb: {  	s12 =	simm.s32 $0x13400;
	s21 =	simm.s32 $0x18650;
	[sflag:s19] =	ssyncadd.s32 $0xFFFFF800  }
0xbc: {  	[tilespmem:s21], [sflag:$0x1] =	stream.indirect.gather [hbm4b:s7+s24], $0x10, s12, s24, $0xb8;
	[tilespmem:$0x1C650] =	vst v63  }
0xbd: {  	s25 =	simm.s32 $0x13480;
	s26 =	simm.s32 $0x18E50  }
0xbe: {  	[tilespmem:s26], [sflag:$0x1] =	stream.indirect.gather [hbm4b:s7+s24], $0x10, s25, s24, $0xb8;
	[tilespmem:$0x1C650] =	vst v63  }
0xbf: {  	s28 =	simm.s32 $0x13500;
	s31 =	simm.s32 $0x19650  }
0xc0: {  	[tilespmem:s31], [sflag:$0x1] =	stream.indirect.gather [hbm4b:s7+s24], $0x10, s28, s24, $0xb8;
	[tilespmem:$0x1C650] =	vst v63  }
0xc1: {  	s2 =	simm.s32 $0x13580;
	s4 =	simm.s32 $0x19E50  }
0xc2: {  	[tilespmem:s4], [sflag:$0x1] =	stream.indirect.gather [hbm4b:s7+s24], $0x10, s2, s24, $0xb8;
	[tilespmem:$0x1C650] =	vst v63  }
0xc3: {  	s6 =	simm.s32 $0x13600;
	s21 =	simm.s32 $0x1A650  }
0xc4: {  	[tilespmem:s21], [sflag:$0x1] =	stream.indirect.gather [hbm4b:s7+s24], $0x10, s6, s24, $0xb8;
	[tilespmem:$0x1C650] =	vst v63  }
0xc5: {  	s25 =	simm.s32 $0x13680;
	s28 =	simm.s32 $0x1AE50  }
0xc6: {  	[tilespmem:s28], [sflag:$0x1] =	stream.indirect.gather [hbm4b:s7+s24], $0x10, s25, s24, $0xb8;
	[tilespmem:$0x1C650] =	vst v63  }
0xc7: {  	s2 =	simm.s32 $0x13700;
	s6 =	simm.s32 $0x1B650  }
0xc8: {  	[tilespmem:s6], [sflag:$0x1] =	stream.indirect.gather [hbm4b:s7+s24], $0x10, s2, s24, $0xb8;
	[tilespmem:$0x1C650] =	vst v63  }
0xc9: {  	s25 =	simm.s32 $0x13780;
	s28 =	simm.s32 $0x1BE50  }
0xca: {  	[tilespmem:s28], [sflag:$0x1] =	stream.indirect.gather [hbm4b:s7+s24], $0x10, s25, s24, $0xb8;
	[tilespmem:$0x1C650] =	vst v63  }
0xcb: {  	_ =	swait.ge [sflag:s19], $0x800  }
0xcc: {  	[sflag:s19] =	ssyncset.done $0x0  }
0xcd: {  	[sflag:s19] =	ssyncadd.s32 $0xFFFFF800  }
0xce: {  	_ =	swait.ge [sflag:s19], $0x800  }
0xcf: {  	[sflag:s19] =	ssyncset.done $0x0  }
0xd0: {  	[sflag:s19] =	ssyncadd.s32 $0xFFFFF800  }
0xd1: {  	_ =	swait.ge [sflag:s19], $0x800  }
0xd2: {  	[sflag:s19] =	ssyncset.done $0x0  }
0xd3: {  	[sflag:s19] =	ssyncadd.s32 $0xFFFFF800  }
0xd4: {  	_ =	swait.ge [sflag:s19], $0x800  }
0xd5: {  	[sflag:s19] =	ssyncset.done $0x0  }
0xd6: {  	[sflag:s19] =	ssyncadd.s32 $0xFFFFF800  }
0xd7: {  	_ =	swait.ge [sflag:s19], $0x800  }
0xd8: {  	[sflag:s19] =	ssyncset.done $0x0  }
0xd9: {  	[sflag:s19] =	ssyncadd.s32 $0xFFFFF800  }
0xda: {  	_ =	swait.ge [sflag:s19], $0x800  }
0xdb: {  	[sflag:s19] =	ssyncset.done $0x0  }
0xdc: {  	[sflag:s19] =	ssyncadd.s32 $0xFFFFF800  }
0xdd: {  	_ =	swait.ge [sflag:s19], $0x800  }
0xde: {  	[sflag:s19] =	ssyncset.done $0x0  }
0xdf: {  	[sflag:s19] =	ssyncadd.s32 $0xFFFFF800  }
0xe0: {  	_ =	swait.ge [sflag:s19], $0x800  }
0xe1: {  	[sflag:s19] =	ssyncset.done $0x0  }
0xe2: {  	s2 =	smul.u32 $0x1FB0, s11;
	[sflag:s19] =	ssyncadd.s32 $0xFFFFF800  }
0xe3: {  	s28 =	rddreg [dreg:$0x2]  }
0xe4: {  	s13 =	simm.s32 $0x0;
	s0 =	sadd.s32 s28, s2  }
0xe5: {  	[hbm4b:s0+s13] =	stream.linear.scatter [tilespmem:s14], [sflag:$0x2], $0x8000, $0x38;
	[tilespmem:$0x1C650] =	vst v63  }
0xe6: {  	_ =	swait.ge [sflag:s17], $0x8000  }
0xe7: {  	[sflag:s17] =	ssyncset.done $0x0  }
0xe8: {  	s13 =	simm.s32 $0x13800;
	[sflag:s17] =	ssyncadd.s32 $0xFFFF8000  }
0xe9: {  	[tilespmem:s14], [sflag:$0x1] =	stream.indirect.gather [hbm4b:s7+s24], $0x10, s13, s24, $0xb8;
	[tilespmem:$0x1C650] =	vst v63  }
0xea: {  	s30 =	simm.s32 $0x14E50;
	s13 =	simm.s32 $0x13880  }
0xeb: {  	[tilespmem:s30], [sflag:$0x1] =	stream.indirect.gather [hbm4b:s7+s24], $0x10, s13, s24, $0xb8;
	[tilespmem:$0x1C650] =	vst v63  }
0xec: {  	s16 =	simm.s32 $0x15650;
	s13 =	simm.s32 $0x13900  }
0xed: {  	[tilespmem:s16], [sflag:$0x1] =	stream.indirect.gather [hbm4b:s7+s24], $0x10, s13, s24, $0xb8;
	[tilespmem:$0x1C650] =	vst v63  }
0xee: {  	s15 =	simm.s32 $0x15E50;
	s13 =	simm.s32 $0x13980  }
0xef: {  	[tilespmem:s15], [sflag:$0x1] =	stream.indirect.gather [hbm4b:s7+s24], $0x10, s13, s24, $0xb8;
	[tilespmem:$0x1C650] =	vst v63  }
0xf0: {  	s3 =	simm.s32 $0x16650;
	s13 =	simm.s32 $0x13A00  }
0xf1: {  	[tilespmem:s3], [sflag:$0x1] =	stream.indirect.gather [hbm4b:s7+s24], $0x10, s13, s24, $0xb8;
	[tilespmem:$0x1C650] =	vst v63  }
0xf2: {  	s5 =	simm.s32 $0x16E50;
	s13 =	simm.s32 $0x13A80  }
0xf3: {  	[tilespmem:s5], [sflag:$0x1] =	stream.indirect.gather [hbm4b:s7+s24], $0x10, s13, s24, $0xb8;
	[tilespmem:$0x1C650] =	vst v63  }
0xf4: {  	s29 =	simm.s32 $0x17650;
	s5 =	simm.s32 $0x13B00  }
0xf5: {  	[tilespmem:s29], [sflag:$0x1] =	stream.indirect.gather [hbm4b:s7+s24], $0x10, s5, s24, $0xb8;
	[tilespmem:$0x1C650] =	vst v63  }
0xf6: {  	s9 =	simm.s32 $0x17E50;
	s13 =	simm.s32 $0x13B80  }
0xf7: {  	[tilespmem:s9], [sflag:$0x1] =	stream.indirect.gather [hbm4b:s7+s24], $0x10, s13, s24, $0xb8;
	[tilespmem:$0x1C650] =	vst v63  }
0xf8: {  	_ =	swait.ge [sflag:s19], $0x800  }
0xf9: {  	[sflag:s19] =	ssyncset.done $0x0  }
0xfa: {  	[sflag:s19] =	ssyncadd.s32 $0xFFFFF800  }
0xfb: {  	_ =	swait.ge [sflag:s19], $0x800  }
0xfc: {  	[sflag:s19] =	ssyncset.done $0x0  }
0xfd: {  	[sflag:s19] =	ssyncadd.s32 $0xFFFFF800  }
0xfe: {  	_ =	swait.ge [sflag:s19], $0x800  }
0xff: {  	[sflag:s19] =	ssyncset.done $0x0  }
0x100: {  	[sflag:s19] =	ssyncadd.s32 $0xFFFFF800  }
0x101: {  	_ =	swait.ge [sflag:s19], $0x800  }
0x102: {  	[sflag:s19] =	ssyncset.done $0x0  }
0x103: {  	[sflag:s19] =	ssyncadd.s32 $0xFFFFF800  }
0x104: {  	_ =	swait.ge [sflag:s19], $0x800  }
0x105: {  	[sflag:s19] =	ssyncset.done $0x0  }
0x106: {  	[sflag:s19] =	ssyncadd.s32 $0xFFFFF800  }
0x107: {  	_ =	swait.ge [sflag:s19], $0x800  }
0x108: {  	[sflag:s19] =	ssyncset.done $0x0  }
0x109: {  	[sflag:s19] =	ssyncadd.s32 $0xFFFFF800  }
0x10a: {  	_ =	swait.ge [sflag:s19], $0x800  }
0x10b: {  	[sflag:s19] =	ssyncset.done $0x0  }
0x10c: {  	[sflag:s19] =	ssyncadd.s32 $0xFFFFF800  }
0x10d: {  	_ =	swait.ge [sflag:s19], $0x800  }
0x10e: {  	[sflag:s19] =	ssyncset.done $0x0  }
0x10f: {  	s1 =	simm.s32 $0x18650;
	s29 =	simm.s32 $0x13C00;
	[sflag:s19] =	ssyncadd.s32 $0xFFFFF800  }
0x110: {  	[tilespmem:s1], [sflag:$0x1] =	stream.indirect.gather [hbm4b:s7+s24], $0x10, s29, s24, $0xb8;
	[tilespmem:$0x1C650] =	vst v63  }
0x111: {  	s26 =	simm.s32 $0x18E50;
	s13 =	simm.s32 $0x13C80  }
0x112: {  	[tilespmem:s26], [sflag:$0x1] =	stream.indirect.gather [hbm4b:s7+s24], $0x10, s13, s24, $0xb8;
	[tilespmem:$0x1C650] =	vst v63  }
0x113: {  	s12 =	simm.s32 $0x19650;
	s26 =	simm.s32 $0x13D00  }
0x114: {  	[tilespmem:s12], [sflag:$0x1] =	stream.indirect.gather [hbm4b:s7+s24], $0x10, s26, s24, $0xb8;
	[tilespmem:$0x1C650] =	vst v63  }
0x115: {  	s31 =	simm.s32 $0x19E50;
	s29 =	simm.s32 $0x13D80  }
0x116: {  	[tilespmem:s31], [sflag:$0x1] =	stream.indirect.gather [hbm4b:s7+s24], $0x10, s29, s24, $0xb8;
	[tilespmem:$0x1C650] =	vst v63  }
0x117: {  	s4 =	simm.s32 $0x1A650;
	s1 =	simm.s32 $0x13E00  }
0x118: {  	[tilespmem:s4], [sflag:$0x1] =	stream.indirect.gather [hbm4b:s7+s24], $0x10, s1, s24, $0xb8;
	[tilespmem:$0x1C650] =	vst v63  }
0x119: {  	s21 =	simm.s32 $0x1AE50;
	s12 =	simm.s32 $0x13E80  }
0x11a: {  	[tilespmem:s21], [sflag:$0x1] =	stream.indirect.gather [hbm4b:s7+s24], $0x10, s12, s24, $0xb8;
	[tilespmem:$0x1C650] =	vst v63  }
0x11b: {  	s6 =	simm.s32 $0x1B650;
	s13 =	simm.s32 $0x13F00  }
0x11c: {  	[tilespmem:s6], [sflag:$0x1] =	stream.indirect.gather [hbm4b:s7+s24], $0x10, s13, s24, $0xb8;
	[tilespmem:$0x1C650] =	vst v63  }
0x11d: {  	s25 =	simm.s32 $0x1BE50;
	s21 =	simm.s32 $0x13F80  }
0x11e: {  	[tilespmem:s25], [sflag:$0x1] =	stream.indirect.gather [hbm4b:s7+s24], $0x10, s21, s24, $0xb8;
	[tilespmem:$0x1C650] =	vst v63  }
0x11f: {  	_ =	swait.ge [sflag:s19], $0x800  }
0x120: {  	[sflag:s19] =	ssyncset.done $0x0  }
0x121: {  	[sflag:s19] =	ssyncadd.s32 $0xFFFFF800  }
0x122: {  	_ =	swait.ge [sflag:s19], $0x800  }
0x123: {  	[sflag:s19] =	ssyncset.done $0x0  }
0x124: {  	[sflag:s19] =	ssyncadd.s32 $0xFFFFF800  }
0x125: {  	_ =	swait.ge [sflag:s19], $0x800  }
0x126: {  	[sflag:s19] =	ssyncset.done $0x0  }
0x127: {  	[sflag:s19] =	ssyncadd.s32 $0xFFFFF800  }
0x128: {  	_ =	swait.ge [sflag:s19], $0x800  }
0x129: {  	[sflag:s19] =	ssyncset.done $0x0  }
0x12a: {  	[sflag:s19] =	ssyncadd.s32 $0xFFFFF800  }
0x12b: {  	_ =	swait.ge [sflag:s19], $0x800  }
0x12c: {  	[sflag:s19] =	ssyncset.done $0x0  }
0x12d: {  	[sflag:s19] =	ssyncadd.s32 $0xFFFFF800  }
0x12e: {  	_ =	swait.ge [sflag:s19], $0x800  }
0x12f: {  	[sflag:s19] =	ssyncset.done $0x0  }
0x130: {  	[sflag:s19] =	ssyncadd.s32 $0xFFFFF800  }
0x131: {  	_ =	swait.ge [sflag:s19], $0x800  }
0x132: {  	s25 =	smul.u32 $0xFD80, s11;
	[sflag:s19] =	ssyncset.done $0x0  }
0x133: {  	[sflag:s19] =	ssyncadd.s32 $0xFFFFF800  }
0x134: {  	s0 =	sshrl.u32 s25, $0x3;
	_ =	swait.ge [sflag:s19], $0x800  }
0x135: {  	s13 =	sadd.s32 $0x1000, s0;
	[sflag:s19] =	ssyncset.done $0x0  }
0x136: {  	s26 =	simm.s32 $0x0;
	s0 =	sadd.s32 s28, s13;
	[sflag:s19] =	ssyncadd.s32 $0xFFFFF800  }
0x137: {  	[hbm4b:s0+s26] =	stream.linear.scatter [tilespmem:s14], [sflag:$0x2], $0x7D80, $0x38;
	[tilespmem:$0x1C650] =	vst v63  }
0x138: {  	_ =	swait.ge [sflag:s17], $0x7D80  }
0x139: {  	[sflag:s17] =	ssyncset.done $0x0  }
0x13a: {  	[sflag:s17] =	ssyncadd.s32 $0xFFFF8280  }
0x13b: {  	[tilespmem:s14], [sflag:$0x1] =	stream.indirect.gather [hbm4b:s8+s24], $0x10, s22, s24, $0xb8;
	[tilespmem:$0x1C650] =	vst v63  }
0x13c: {  	s30 =	simm.s32 $0x14E50;
	s28 =	simm.s32 $0x12080  }
0x13d: {  	[tilespmem:s30], [sflag:$0x1] =	stream.indirect.gather [hbm4b:s8+s24], $0x10, s28, s24, $0xb8;
	[tilespmem:$0x1C650] =	vst v63  }
0x13e: {  	s16 =	simm.s32 $0x15650;
	s29 =	simm.s32 $0x12100  }
0x13f: {  	[tilespmem:s16], [sflag:$0x1] =	stream.indirect.gather [hbm4b:s8+s24], $0x10, s29, s24, $0xb8;
	[tilespmem:$0x1C650] =	vst v63  }
0x140: {  	s15 =	simm.s32 $0x15E50;
	s30 =	simm.s32 $0x12180  }
0x141: {  	[tilespmem:s15], [sflag:$0x1] =	stream.indirect.gather [hbm4b:s8+s24], $0x10, s30, s24, $0xb8;
	[tilespmem:$0x1C650] =	vst v63  }
0x142: {  	s3 =	simm.s32 $0x16650;
	s1 =	simm.s32 $0x12200  }
0x143: {  	[tilespmem:s3], [sflag:$0x1] =	stream.indirect.gather [hbm4b:s8+s24], $0x10, s1, s24, $0xb8;
	[tilespmem:$0x1C650] =	vst v63  }
0x144: {  	s6 =	simm.s32 $0x16E50;
	s3 =	simm.s32 $0x12280  }
0x145: {  	[tilespmem:s6], [sflag:$0x1] =	stream.indirect.gather [hbm4b:s8+s24], $0x10, s3, s24, $0xb8;
	[tilespmem:$0x1C650] =	vst v63  }
0x146: {  	s5 =	simm.s32 $0x17650;
	s15 =	simm.s32 $0x12300  }
0x147: {  	[tilespmem:s5], [sflag:$0x1] =	stream.indirect.gather [hbm4b:s8+s24], $0x10, s15, s24, $0xb8;
	[tilespmem:$0x1C650] =	vst v63  }
0x148: {  	s9 =	simm.s32 $0x17E50;
	s25 =	simm.s32 $0x12380  }
0x149: {  	[tilespmem:s9], [sflag:$0x1] =	stream.indirect.gather [hbm4b:s8+s24], $0x10, s25, s24, $0xb8;
	[tilespmem:$0x1C650] =	vst v63  }
0x14a: {  	_ =	swait.ge [sflag:s19], $0x800  }
0x14b: {  	[sflag:s19] =	ssyncset.done $0x0  }
0x14c: {  	[sflag:s19] =	ssyncadd.s32 $0xFFFFF800  }
0x14d: {  	_ =	swait.ge [sflag:s19], $0x800  }
0x14e: {  	[sflag:s19] =	ssyncset.done $0x0  }
0x14f: {  	[sflag:s19] =	ssyncadd.s32 $0xFFFFF800  }
0x150: {  	_ =	swait.ge [sflag:s19], $0x800  }
0x151: {  	[sflag:s19] =	ssyncset.done $0x0  }
0x152: {  	[sflag:s19] =	ssyncadd.s32 $0xFFFFF800  }
0x153: {  	_ =	swait.ge [sflag:s19], $0x800  }
0x154: {  	[sflag:s19] =	ssyncset.done $0x0  }
0x155: {  	[sflag:s19] =	ssyncadd.s32 $0xFFFFF800  }
0x156: {  	_ =	swait.ge [sflag:s19], $0x800  }
0x157: {  	[sflag:s19] =	ssyncset.done $0x0  }
0x158: {  	[sflag:s19] =	ssyncadd.s32 $0xFFFFF800  }
0x159: {  	_ =	swait.ge [sflag:s19], $0x800  }
0x15a: {  	[sflag:s19] =	ssyncset.done $0x0  }
0x15b: {  	[sflag:s19] =	ssyncadd.s32 $0xFFFFF800  }
0x15c: {  	_ =	swait.ge [sflag:s19], $0x800  }
0x15d: {  	[sflag:s19] =	ssyncset.done $0x0  }
0x15e: {  	[sflag:s19] =	ssyncadd.s32 $0xFFFFF800  }
0x15f: {  	_ =	swait.ge [sflag:s19], $0x800  }
0x160: {  	[sflag:s19] =	ssyncset.done $0x0  }
0x161: {  	s28 =	simm.s32 $0x12400;
	s29 =	simm.s32 $0x18650;
	[sflag:s19] =	ssyncadd.s32 $0xFFFFF800  }
0x162: {  	[tilespmem:s29], [sflag:$0x1] =	stream.indirect.gather [hbm4b:s8+s24], $0x10, s28, s24, $0xb8;
	[tilespmem:$0x1C650] =	vst v63  }
0x163: {  	s1 =	simm.s32 $0x12480;
	s3 =	simm.s32 $0x18E50  }
0x164: {  	[tilespmem:s3], [sflag:$0x1] =	stream.indirect.gather [hbm4b:s8+s24], $0x10, s1, s24, $0xb8;
	[tilespmem:$0x1C650] =	vst v63  }
0x165: {  	s6 =	simm.s32 $0x12500;
	s15 =	simm.s32 $0x19650  }
0x166: {  	[tilespmem:s15], [sflag:$0x1] =	stream.indirect.gather [hbm4b:s8+s24], $0x10, s6, s24, $0xb8;
	[tilespmem:$0x1C650] =	vst v63  }
0x167: {  	s25 =	simm.s32 $0x12580;
	s28 =	simm.s32 $0x19E50  }
0x168: {  	[tilespmem:s28], [sflag:$0x1] =	stream.indirect.gather [hbm4b:s8+s24], $0x10, s25, s24, $0xb8;
	[tilespmem:$0x1C650] =	vst v63  }
0x169: {  	s3 =	simm.s32 $0x12600;
	s1 =	simm.s32 $0x1A650  }
0x16a: {  	[tilespmem:s1], [sflag:$0x1] =	stream.indirect.gather [hbm4b:s8+s24], $0x10, s3, s24, $0xb8;
	[tilespmem:$0x1C650] =	vst v63  }
0x16b: {  	s6 =	simm.s32 $0x12680;
	s25 =	simm.s32 $0x1AE50  }
0x16c: {  	[tilespmem:s25], [sflag:$0x1] =	stream.indirect.gather [hbm4b:s8+s24], $0x10, s6, s24, $0xb8;
	[tilespmem:$0x1C650] =	vst v63  }
0x16d: {  	s28 =	simm.s32 $0x12700;
	s3 =	simm.s32 $0x1B650  }
0x16e: {  	[tilespmem:s3], [sflag:$0x1] =	stream.indirect.gather [hbm4b:s8+s24], $0x10, s28, s24, $0xb8;
	[tilespmem:$0x1C650] =	vst v63  }
0x16f: {  	s6 =	simm.s32 $0x12780;
	s28 =	simm.s32 $0x1BE50  }
0x170: {  	[tilespmem:s28], [sflag:$0x1] =	stream.indirect.gather [hbm4b:s8+s24], $0x10, s6, s24, $0xb8;
	[tilespmem:$0x1C650] =	vst v63  }
0x171: {  	_ =	swait.ge [sflag:s19], $0x800  }
0x172: {  	[sflag:s19] =	ssyncset.done $0x0  }
0x173: {  	[sflag:s19] =	ssyncadd.s32 $0xFFFFF800  }
0x174: {  	_ =	swait.ge [sflag:s19], $0x800  }
0x175: {  	[sflag:s19] =	ssyncset.done $0x0  }
0x176: {  	[sflag:s19] =	ssyncadd.s32 $0xFFFFF800  }
0x177: {  	_ =	swait.ge [sflag:s19], $0x800  }
0x178: {  	[sflag:s19] =	ssyncset.done $0x0  }
0x179: {  	[sflag:s19] =	ssyncadd.s32 $0xFFFFF800  }
0x17a: {  	_ =	swait.ge [sflag:s19], $0x800  }
0x17b: {  	[sflag:s19] =	ssyncset.done $0x0  }
0x17c: {  	[sflag:s19] =	ssyncadd.s32 $0xFFFFF800  }
0x17d: {  	_ =	swait.ge [sflag:s19], $0x800  }
0x17e: {  	[sflag:s19] =	ssyncset.done $0x0  }
0x17f: {  	[sflag:s19] =	ssyncadd.s32 $0xFFFFF800  }
0x180: {  	_ =	swait.ge [sflag:s19], $0x800  }
0x181: {  	[sflag:s19] =	ssyncset.done $0x0  }
0x182: {  	[sflag:s19] =	ssyncadd.s32 $0xFFFFF800  }
0x183: {  	_ =	swait.ge [sflag:s19], $0x800  }
0x184: {  	[sflag:s19] =	ssyncset.done $0x0  }
0x185: {  	[sflag:s19] =	ssyncadd.s32 $0xFFFFF800  }
0x186: {  	_ =	swait.ge [sflag:s19], $0x800  }
0x187: {  	[sflag:s19] =	ssyncset.done $0x0;
	s28 =	rddreg [dreg:$0xa]  }
0x188: {  	s4 =	simm.s32 $0x0;
	[sflag:s19] =	ssyncadd.s32 $0xFFFFF800;
	s2 =	sadd.s32 s28, s2  }
0x189: {  	[hbm4b:s2+s4] =	stream.linear.scatter [tilespmem:s14], [sflag:$0x2], $0x8000, $0x38;
	[tilespmem:$0x1C650] =	vst v63  }
0x18a: {  	_ =	swait.ge [sflag:s17], $0x8000  }
0x18b: {  	[sflag:s17] =	ssyncset.done $0x0  }
0x18c: {  	s4 =	simm.s32 $0x12800;
	[sflag:s17] =	ssyncadd.s32 $0xFFFF8000  }
0x18d: {  	[tilespmem:s14], [sflag:$0x1] =	stream.indirect.gather [hbm4b:s8+s24], $0x10, s4, s24, $0xb8;
	[tilespmem:$0x1C650] =	vst v63  }
0x18e: {  	s31 =	simm.s32 $0x14E50;
	s4 =	simm.s32 $0x12880  }
0x18f: {  	[tilespmem:s31], [sflag:$0x1] =	stream.indirect.gather [hbm4b:s8+s24], $0x10, s4, s24, $0xb8;
	[tilespmem:$0x1C650] =	vst v63  }
0x190: {  	s21 =	simm.s32 $0x15650;
	s4 =	simm.s32 $0x12900  }
0x191: {  	[tilespmem:s21], [sflag:$0x1] =	stream.indirect.gather [hbm4b:s8+s24], $0x10, s4, s24, $0xb8;
	[tilespmem:$0x1C650] =	vst v63  }
0x192: {  	s16 =	simm.s32 $0x15E50;
	s21 =	simm.s32 $0x12980  }
0x193: {  	[tilespmem:s16], [sflag:$0x1] =	stream.indirect.gather [hbm4b:s8+s24], $0x10, s21, s24, $0xb8;
	[tilespmem:$0x1C650] =	vst v63  }
0x194: {  	s12 =	simm.s32 $0x16650;
	s31 =	simm.s32 $0x12A00  }
0x195: {  	[tilespmem:s12], [sflag:$0x1] =	stream.indirect.gather [hbm4b:s8+s24], $0x10, s31, s24, $0xb8;
	[tilespmem:$0x1C650] =	vst v63  }
0x196: {  	s26 =	simm.s32 $0x16E50;
	s4 =	simm.s32 $0x12A80  }
0x197: {  	[tilespmem:s26], [sflag:$0x1] =	stream.indirect.gather [hbm4b:s8+s24], $0x10, s4, s24, $0xb8;
	[tilespmem:$0x1C650] =	vst v63  }
0x198: {  	s30 =	simm.s32 $0x17650;
	s12 =	simm.s32 $0x12B00  }
0x199: {  	[tilespmem:s30], [sflag:$0x1] =	stream.indirect.gather [hbm4b:s8+s24], $0x10, s12, s24, $0xb8;
	[tilespmem:$0x1C650] =	vst v63  }
0x19a: {  	s5 =	simm.s32 $0x17E50;
	s16 =	simm.s32 $0x12B80  }
0x19b: {  	[tilespmem:s5], [sflag:$0x1] =	stream.indirect.gather [hbm4b:s8+s24], $0x10, s16, s24, $0xb8;
	[tilespmem:$0x1C650] =	vst v63  }
0x19c: {  	_ =	swait.ge [sflag:s19], $0x800  }
0x19d: {  	[sflag:s19] =	ssyncset.done $0x0  }
0x19e: {  	[sflag:s19] =	ssyncadd.s32 $0xFFFFF800  }
0x19f: {  	_ =	swait.ge [sflag:s19], $0x800  }
0x1a0: {  	[sflag:s19] =	ssyncset.done $0x0  }
0x1a1: {  	[sflag:s19] =	ssyncadd.s32 $0xFFFFF800  }
0x1a2: {  	_ =	swait.ge [sflag:s19], $0x800  }
0x1a3: {  	[sflag:s19] =	ssyncset.done $0x0  }
0x1a4: {  	[sflag:s19] =	ssyncadd.s32 $0xFFFFF800  }
0x1a5: {  	_ =	swait.ge [sflag:s19], $0x800  }
0x1a6: {  	[sflag:s19] =	ssyncset.done $0x0  }
0x1a7: {  	[sflag:s19] =	ssyncadd.s32 $0xFFFFF800  }
0x1a8: {  	_ =	swait.ge [sflag:s19], $0x800  }
0x1a9: {  	[sflag:s19] =	ssyncset.done $0x0  }
0x1aa: {  	[sflag:s19] =	ssyncadd.s32 $0xFFFFF800  }
0x1ab: {  	_ =	swait.ge [sflag:s19], $0x800  }
0x1ac: {  	[sflag:s19] =	ssyncset.done $0x0  }
0x1ad: {  	[sflag:s19] =	ssyncadd.s32 $0xFFFFF800  }
0x1ae: {  	_ =	swait.ge [sflag:s19], $0x800  }
0x1af: {  	[sflag:s19] =	ssyncset.done $0x0  }
0x1b0: {  	[sflag:s19] =	ssyncadd.s32 $0xFFFFF800  }
0x1b1: {  	_ =	swait.ge [sflag:s19], $0x800  }
0x1b2: {  	[sflag:s19] =	ssyncset.done $0x0  }
0x1b3: {  	s9 =	simm.s32 $0x18650;
	s21 =	simm.s32 $0x12C00;
	[sflag:s19] =	ssyncadd.s32 $0xFFFFF800  }
0x1b4: {  	[tilespmem:s9], [sflag:$0x1] =	stream.indirect.gather [hbm4b:s8+s24], $0x10, s21, s24, $0xb8;
	[tilespmem:$0x1C650] =	vst v63  }
0x1b5: {  	s29 =	simm.s32 $0x18E50;
	s26 =	simm.s32 $0x12C80  }
0x1b6: {  	[tilespmem:s29], [sflag:$0x1] =	stream.indirect.gather [hbm4b:s8+s24], $0x10, s26, s24, $0xb8;
	[tilespmem:$0x1C650] =	vst v63  }
0x1b7: {  	s15 =	simm.s32 $0x19650;
	s29 =	simm.s32 $0x12D00  }
0x1b8: {  	[tilespmem:s15], [sflag:$0x1] =	stream.indirect.gather [hbm4b:s8+s24], $0x10, s29, s24, $0xb8;
	[tilespmem:$0x1C650] =	vst v63  }
0x1b9: {  	s31 =	simm.s32 $0x19E50;
	s30 =	simm.s32 $0x12D80  }
0x1ba: {  	[tilespmem:s31], [sflag:$0x1] =	stream.indirect.gather [hbm4b:s8+s24], $0x10, s30, s24, $0xb8;
	[tilespmem:$0x1C650] =	vst v63  }
0x1bb: {  	s5 =	simm.s32 $0x12E00  }
0x1bc: {  	[tilespmem:s1], [sflag:$0x1] =	stream.indirect.gather [hbm4b:s8+s24], $0x10, s5, s24, $0xb8;
	[tilespmem:$0x1C650] =	vst v63  }
0x1bd: {  	s25 =	simm.s32 $0x1AE50;
	s9 =	simm.s32 $0x12E80  }
0x1be: {  	[tilespmem:s25], [sflag:$0x1] =	stream.indirect.gather [hbm4b:s8+s24], $0x10, s9, s24, $0xb8;
	[tilespmem:$0x1C650] =	vst v63  }
0x1bf: {  	s12 =	simm.s32 $0x12F00  }
0x1c0: {  	[tilespmem:s3], [sflag:$0x1] =	stream.indirect.gather [hbm4b:s8+s24], $0x10, s12, s24, $0xb8;
	[tilespmem:$0x1C650] =	vst v63  }
0x1c1: {  	s6 =	simm.s32 $0x1BE50;
	s15 =	simm.s32 $0x12F80  }
0x1c2: {  	[tilespmem:s6], [sflag:$0x1] =	stream.indirect.gather [hbm4b:s8+s24], $0x10, s15, s24, $0xb8;
	[tilespmem:$0x1C650] =	vst v63  }
0x1c3: {  	_ =	swait.ge [sflag:s19], $0x800  }
0x1c4: {  	[sflag:s19] =	ssyncset.done $0x0  }
0x1c5: {  	[sflag:s19] =	ssyncadd.s32 $0xFFFFF800  }
0x1c6: {  	_ =	swait.ge [sflag:s19], $0x800  }
0x1c7: {  	[sflag:s19] =	ssyncset.done $0x0  }
0x1c8: {  	[sflag:s19] =	ssyncadd.s32 $0xFFFFF800  }
0x1c9: {  	_ =	swait.ge [sflag:s19], $0x800  }
0x1ca: {  	[sflag:s19] =	ssyncset.done $0x0  }
0x1cb: {  	[sflag:s19] =	ssyncadd.s32 $0xFFFFF800  }
0x1cc: {  	_ =	swait.ge [sflag:s19], $0x800  }
0x1cd: {  	[sflag:s19] =	ssyncset.done $0x0  }
0x1ce: {  	[sflag:s19] =	ssyncadd.s32 $0xFFFFF800  }
0x1cf: {  	_ =	swait.ge [sflag:s19], $0x800  }
0x1d0: {  	[sflag:s19] =	ssyncset.done $0x0  }
0x1d1: {  	[sflag:s19] =	ssyncadd.s32 $0xFFFFF800  }
0x1d2: {  	_ =	swait.ge [sflag:s19], $0x800  }
0x1d3: {  	[sflag:s19] =	ssyncset.done $0x0  }
0x1d4: {  	[sflag:s19] =	ssyncadd.s32 $0xFFFFF800  }
0x1d5: {  	_ =	swait.ge [sflag:s19], $0x800  }
0x1d6: {  	[sflag:s19] =	ssyncset.done $0x0  }
0x1d7: {  	[sflag:s19] =	ssyncadd.s32 $0xFFFFF800  }
0x1d8: {  	_ =	swait.ge [sflag:s19], $0x800  }
0x1d9: {  	[sflag:s19] =	ssyncset.done $0x0  }
0x1da: {  	s2 =	simm.s32 $0x0;
	s16 =	sadd.s32 s28, s13;
	[sflag:s19] =	ssyncadd.s32 $0xFFFFF800  }
0x1db: {  	[hbm4b:s16+s2] =	stream.linear.scatter [tilespmem:s14], [sflag:$0x2], $0x7D80, $0x38;
	[tilespmem:$0x1C650] =	vst v63  }
0x1dc: {  	_ =	swait.ge [sflag:s17], $0x7D80  }
0x1dd: {  	[sflag:s17] =	ssyncset.done $0x0  }
0x1de: {  	s26 =	simm.s32 $0x14050;
	s25 =	simm.s32 $0x30;
	[sflag:s17] =	ssyncadd.s32 $0xFFFF8280  }
0x1df: {  	[tilespmem:s26], [sflag:$0x1] =	stream.indirect.gather [hbm4b:s8+s25], $0x10, s20, s25, $0xb8;
	[tilespmem:$0x1C650] =	vst v63  }
0x1e0: {  	_ =	swait.ge [sflag:s19], $0x300  }
0x1e1: {  	[sflag:s19] =	ssyncset.done $0x0  }
0x1e2: {  	[sflag:s19] =	ssyncadd.s32 $0xFFFFFD00  }
0x1e3: {  	v4 =	vld [tilespmem:$0x14050]  }
0x1e4: {  	v5 =	vld [tilespmem:$0x14060]  }
0x1e5: {  	v13 =	vld [tilespmem:$0x14070]  }
0x1e6: {  	v7 =	vld [tilespmem:$0x14080]  }
0x1e7: {  	v8 =	vld [tilespmem:$0x14090]  }
0x1e8: {  	s28 =	rddreg [dreg:$0xe];
	v9 =	vld [tilespmem:$0x140A0];
	v4 =	vadd.f32 v4, v3  }
0x1e9: {  	p0 =	sgt.s32 s28, $0x0;
	v10 =	vld [tilespmem:$0x140B0];
	v5 =	vadd.f32 v5, v3  }
0x1ea: {  	v11 =	vld [tilespmem:$0x140C0];
	v6 =	vadd.f32 v13, v3;
	v4 =	vpsel !p0, $0x0, v4  }
0x1eb: {  	v14 =	vld [tilespmem:$0x140D0];
	[tilespmem:$0x14350] =	vst v4;
	v4 =	vpsel !p0, $0x0, v5;
	v5 =	vadd.f32 v7, v3  }
0x1ec: {  	v16 =	vld [tilespmem:$0x140E0];
	v15 =	vadd.f32 v8, v3;
	[tilespmem:$0x14360] =	vst v4;
	v4 =	vpsel !p0, $0x0, v6  }
0x1ed: {  	v17 =	vld [tilespmem:$0x140F0];
	[tilespmem:$0x14370] =	vst v4;
	v4 =	vpsel !p0, $0x0, v5;
	v5 =	vadd.f32 v9, v3  }
0x1ee: {  	v19 =	vld [tilespmem:$0x14100];
	v18 =	vadd.f32 v10, v3;
	[tilespmem:$0x14380] =	vst v4;
	v4 =	vpsel !p0, $0x0, v15  }
0x1ef: {  	v20 =	vld [tilespmem:$0x14110];
	[tilespmem:$0x14390] =	vst v4;
	v4 =	vpsel !p0, $0x0, v5;
	v5 =	vadd.f32 v11, v3  }
0x1f0: {  	v22 =	vld [tilespmem:$0x14120];
	v21 =	vadd.f32 v14, v3;
	[tilespmem:$0x143A0] =	vst v4;
	v4 =	vpsel !p0, $0x0, v18  }
0x1f1: {  	v23 =	vld [tilespmem:$0x14130];
	[tilespmem:$0x143B0] =	vst v4;
	v4 =	vpsel !p0, $0x0, v5;
	v5 =	vadd.f32 v16, v3  }
0x1f2: {  	v25 =	vld [tilespmem:$0x14140];
	v24 =	vadd.f32 v17, v3;
	[tilespmem:$0x143C0] =	vst v4;
	v4 =	vpsel !p0, $0x0, v21  }
0x1f3: {  	v26 =	vld [tilespmem:$0x14150];
	[tilespmem:$0x143D0] =	vst v4;
	v4 =	vpsel !p0, $0x0, v5;
	v5 =	vadd.f32 v19, v3  }
0x1f4: {  	v28 =	vld [tilespmem:$0x14160];
	v27 =	vadd.f32 v20, v3;
	[tilespmem:$0x143E0] =	vst v4;
	v4 =	vpsel !p0, $0x0, v24  }
0x1f5: {  	v29 =	vld [tilespmem:$0x14170];
	[tilespmem:$0x143F0] =	vst v4;
	v4 =	vpsel !p0, $0x0, v5;
	v5 =	vadd.f32 v22, v3  }
0x1f6: {  	v31 =	vld [tilespmem:$0x14180];
	v30 =	vadd.f32 v23, v3;
	[tilespmem:$0x14400] =	vst v4;
	v4 =	vpsel !p0, $0x0, v27  }
0x1f7: {  	v32 =	vld [tilespmem:$0x14190];
	[tilespmem:$0x14410] =	vst v4;
	v4 =	vpsel !p0, $0x0, v5;
	v5 =	vadd.f32 v25, v3  }
0x1f8: {  	v34 =	vld [tilespmem:$0x141A0];
	v33 =	vadd.f32 v26, v3;
	[tilespmem:$0x14420] =	vst v4;
	v4 =	vpsel !p0, $0x0, v30  }
0x1f9: {  	v35 =	vld [tilespmem:$0x141B0];
	[tilespmem:$0x14430] =	vst v4;
	v4 =	vpsel !p0, $0x0, v5;
	v5 =	vadd.f32 v28, v3  }
0x1fa: {  	v37 =	vld [tilespmem:$0x141C0];
	v36 =	vadd.f32 v29, v3;
	[tilespmem:$0x14440] =	vst v4;
	v4 =	vpsel !p0, $0x0, v33  }
0x1fb: {  	v38 =	vld [tilespmem:$0x141D0];
	[tilespmem:$0x14450] =	vst v4;
	v4 =	vpsel !p0, $0x0, v5;
	v5 =	vadd.f32 v31, v3  }
0x1fc: {  	v40 =	vld [tilespmem:$0x141E0];
	v39 =	vadd.f32 v32, v3;
	[tilespmem:$0x14460] =	vst v4;
	v4 =	vpsel !p0, $0x0, v36  }
0x1fd: {  	v41 =	vld [tilespmem:$0x141F0];
	[tilespmem:$0x14470] =	vst v4;
	v4 =	vpsel !p0, $0x0, v5;
	v5 =	vadd.f32 v34, v3  }
0x1fe: {  	v43 =	vld [tilespmem:$0x14200];
	v42 =	vadd.f32 v35, v3;
	[tilespmem:$0x14480] =	vst v4;
	v4 =	vpsel !p0, $0x0, v39  }
0x1ff: {  	v44 =	vld [tilespmem:$0x14210];
	[tilespmem:$0x14490] =	vst v4;
	v4 =	vpsel !p0, $0x0, v5;
	v5 =	vadd.f32 v37, v3  }
0x200: {  	v46 =	vld [tilespmem:$0x14220];
	v45 =	vadd.f32 v38, v3;
	[tilespmem:$0x144A0] =	vst v4;
	v4 =	vpsel !p0, $0x0, v42  }
0x201: {  	v47 =	vld [tilespmem:$0x14230];
	[tilespmem:$0x144B0] =	vst v4;
	v4 =	vpsel !p0, $0x0, v5;
	v5 =	vadd.f32 v40, v3  }
0x202: {  	v49 =	vld [tilespmem:$0x14240];
	v48 =	vadd.f32 v41, v3;
	[tilespmem:$0x144C0] =	vst v4;
	v4 =	vpsel !p0, $0x0, v45  }
0x203: {  	v50 =	vld [tilespmem:$0x14250];
	[tilespmem:$0x144D0] =	vst v4;
	v4 =	vpsel !p0, $0x0, v5;
	v5 =	vadd.f32 v43, v3  }
0x204: {  	v52 =	vld [tilespmem:$0x14260];
	v51 =	vadd.f32 v44, v3;
	[tilespmem:$0x144E0] =	vst v4;
	v4 =	vpsel !p0, $0x0, v48  }
0x205: {  	v53 =	vld [tilespmem:$0x14270];
	[tilespmem:$0x144F0] =	vst v4;
	v4 =	vpsel !p0, $0x0, v5;
	v5 =	vadd.f32 v46, v3  }
0x206: {  	v55 =	vld [tilespmem:$0x14280];
	v54 =	vadd.f32 v47, v3;
	[tilespmem:$0x14500] =	vst v4;
	v4 =	vpsel !p0, $0x0, v51  }
0x207: {  	v56 =	vld [tilespmem:$0x14290];
	[tilespmem:$0x14510] =	vst v4;
	v4 =	vpsel !p0, $0x0, v5;
	v5 =	vadd.f32 v49, v3  }
0x208: {  	v58 =	vld [tilespmem:$0x142A0];
	v57 =	vadd.f32 v50, v3;
	[tilespmem:$0x14520] =	vst v4;
	v4 =	vpsel !p0, $0x0, v54  }
0x209: {  	v59 =	vld [tilespmem:$0x142B0];
	[tilespmem:$0x14530] =	vst v4;
	v4 =	vpsel !p0, $0x0, v5;
	v5 =	vadd.f32 v52, v3  }
0x20a: {  	v61 =	vld [tilespmem:$0x142C0];
	v60 =	vadd.f32 v53, v3;
	[tilespmem:$0x14540] =	vst v4;
	v4 =	vpsel !p0, $0x0, v57  }
0x20b: {  	[tilespmem:$0x14550] =	vst v4;
	v4 =	vpsel !p0, $0x0, v5;
	v5 =	vadd.f32 v55, v3  }
0x20c: {  	v62 =	vadd.f32 v56, v3;
	[tilespmem:$0x14560] =	vst v4;
	v4 =	vpsel !p0, $0x0, v60  }
0x20d: {  	[tilespmem:$0x14570] =	vst v4;
	v4 =	vpsel !p0, $0x0, v5;
	v5 =	vadd.f32 v58, v3  }
0x20e: {  	v63 =	vadd.f32 v59, v3;
	[tilespmem:$0x14580] =	vst v4;
	v4 =	vpsel !p0, $0x0, v62  }
0x20f: {  	[tilespmem:$0x14590] =	vst v4;
	v4 =	vpsel !p0, $0x0, v5;
	v5 =	vadd.f32 v61, v3  }
0x210: {  	s10 =	sadd.s32 $0x1, s10;
	s29 =	smul.u32 $0x50, s11;
	[tilespmem:$0x145A0] =	vst v4;
	v4 =	vpsel !p0, $0x0, v63  }
0x211: {  	s21 =	simm.s32 $0x0;
	s30 =	rddreg [dreg:$0x3];
	[tilespmem:$0x145B0] =	vst v4;
	v4 =	vpsel !p0, $0x0, v5;
	p0 =	sne.s32 s10, $0x4  }
.Ltmp4:
0x212: {  	s31 =	simm.s32 $0x14350;
	s0 =	sadd.s32 s30, s29;
	[tilespmem:$0x145C0] =	vst v4;
	(pc) =	sbr.rel @p0 .LBB2_4-.Ltmp4, $4  }
0x213: {  	[hbm4b:s0+s21] =	stream.linear.scatter [tilespmem:s31], [sflag:$0x2], $0x280, $0x38;
	[tilespmem:$0x1C650] =	vst v63  }
0x214: {  	_ =	swait.ge [sflag:s17], $0x280  }
0x215: {  	[sflag:s17] =	ssyncset.done $0x0  }
0x216: {  	s5 =	simm.s32 $0x0;
	[sflag:s17] =	ssyncadd.s32 $0xFFFFFD80  }
0x217: {  	s1 =	rddreg [dreg:$0xd]  }
0x218: {  	s0 =	rddreg [dreg:$0xc];
	s1 =	sadd.s32 $0x1, s1  }
0x219: {  	p0 =	sne.s32 s1, s0  }
.Ltmp5:
0x21a: {  	_ = 	snop;
	(pc) =	sbr.rel @p0 .LBB2_1-.Ltmp5, $1  }
0x21b: {  	_ =	sdelay $0x3  }
0x21c: {  	_ =	sfence.sel $0x180000  }
0x21d: {  	[bflag:$0x0] =	sbarrier.arrive $0xFFFF  }
0x21e: {  	_ =	strace $0x90000047  }
0x21f: {  	s0 =	stileid.u32;
	[bflag:$0x2] =	sbarrier.arrive $0xFFFF  }
0x220: {  	p0 =	sne.s32 s0, $0x0;
	s0 =	rddreg [dreg:$0x6]  }
0x221: {  	s0 =	sadd.s32 @!p0 $0x100000, s0  }
0x222: {  	[sflag:s0] =	ssyncadd.tile.s32 @!p0 $0x1;
	_ =	shalt  }
.Lfunc_end2:
_tile_overlayer_lowered:
.L_overlay_start_2:
0x223: {  	(tag) =	ssettag $0x2  }
0x224: {  	s0 =	rddreg [dreg:$0x0];
	s2 =	stileid.u32  }
0x225: {  	s1 =	rddreg [dreg:$0x1];
	p0 =	sne.s32 s2, $0x0  }
0x226: {  	s3 =	rddreg [dreg:$0x2];
	[bflag:$0x3] =	sbarrier.arrive $0xFFFF;
	s2 =	simm.s32 @!p0 $0x1C02  }
0x227: {  	[timem:s3], [sflag:s2] =	dma.local @!p0 [hbm:s0], s1  }
0x228: {  	s0 =	simm.s32 @!p0 $0x2  }
0x229: {  	_ =	swait.ge @!p0 [sflag:s0], s1  }
0x22a: {  	s1 =	ssub.s32 @!p0 $0x0, s1;
	[sflag:s0] =	ssyncset.done @!p0 $0x0  }
0x22b: {  	[sflag:s0] =	ssyncadd.s32 @!p0 s1  }
0x22c: {  	[bflag:$0x3] =	sbarrier.arrive $0xFFFF  }
0x22d: {  	_ =	shalt  }

</sc_bundles>
